<compile_context>
chip_gen: v7x
topology: tpu7x:2x2x1
jax: 0.10.2.dev20260603
libtpu: 0.0.44.dev20260713+nightly
codegen_flags: <defaults>
</compile_context>

<pallas_src>
import functools

import jax
import jax.numpy as jnp
from jax import lax
from jax.experimental import pallas as pl
from jax.experimental.pallas import tpu as pltpu
from jax.experimental.pallas import tpu_sc as plsc

NC = 2
NS = 16
B = 125
DEGW = 16
NEG_SLOPE = 0.01


def _sc_mesh():
    return plsc.VectorSubcoreMesh(core_axis_name="c", subcore_axis_name="s")


_SC_PARAMS = pltpu.CompilerParams(use_tc_tiling_on_sc=False)


def _degree_partials(ec3, zeros16, ones16, n):
    nchunk, _, b = ec3.shape
    nb = nchunk // (NC * NS)
    rpt = n // NS

    @functools.partial(
        pl.kernel,
        out_type=jax.ShapeDtypeStruct((NC, n, DEGW), jnp.float32),
        mesh=_sc_mesh(),
        compiler_params=_SC_PARAMS,
        scratch_types=[
            pltpu.VMEM((2, b), jnp.int32),
            pltpu.VMEM((b, DEGW), jnp.float32),
            pltpu.VMEM_SHARED((n, DEGW), jnp.float32),
        ],
    )
    def deg_kernel(ec_hbm, zeros_hbm, ones_hbm, out_hbm, idx_v, ones_v, acc_sh):
        cid = lax.axis_index("c")
        sid = lax.axis_index("s")
        r0 = sid * rpt
        pltpu.sync_copy(zeros_hbm.at[pl.ds(r0, rpt)], acc_sh.at[pl.ds(r0, rpt)])
        pltpu.sync_copy(ones_hbm, ones_v)
        plsc.subcore_barrier()
        wid = cid * NS + sid

        def body(k, carry):
            pltpu.sync_copy(ec_hbm.at[wid * nb + k], idx_v)
            pltpu.sync_copy(ones_v, acc_sh.at[idx_v.at[1]], add=True)
            return carry

        lax.fori_loop(0, nb, body, 0)
        plsc.subcore_barrier()
        pltpu.sync_copy(acc_sh.at[pl.ds(r0, rpt)], out_hbm.at[cid, pl.ds(r0, rpt)])

    return deg_kernel(ec3, zeros16, ones16)


def _sc_spmm(hp, zeros, ec3, n, d):
    nchunk, _, b = ec3.shape
    nb = nchunk // (NC * NS)
    rpt = n // NS
    assert nb % 2 == 0

    @functools.partial(
        pl.kernel,
        out_type=jax.ShapeDtypeStruct((NC, n, d), jnp.float32),
        mesh=_sc_mesh(),
        compiler_params=_SC_PARAMS,
        scratch_types=[
            pltpu.VMEM((2, b), jnp.int32),
            pltpu.VMEM((2, b), jnp.int32),
            pltpu.VMEM((b, d), jnp.float32),
            pltpu.VMEM((b, d), jnp.float32),
            pltpu.VMEM_SHARED((n, d), jnp.float32),
            pltpu.SemaphoreType.DMA,
            pltpu.SemaphoreType.DMA,
            pltpu.SemaphoreType.DMA,
            pltpu.SemaphoreType.DMA,
        ],
    )
    def spmm_kernel(hp_hbm, zeros_hbm, ec_hbm, out_hbm,
                    idx0, idx1, rows0, rows1, acc_sh, si0, si1, sg0, sg1):
        cid = lax.axis_index("c")
        sid = lax.axis_index("s")
        r0 = sid * rpt

        @pl.when(cid == 0)
        def _():
            pltpu.sync_copy(hp_hbm.at[pl.ds(r0, rpt)], acc_sh.at[pl.ds(r0, rpt)])

        @pl.when(cid != 0)
        def _():
            pltpu.sync_copy(zeros_hbm.at[pl.ds(r0, rpt)], acc_sh.at[pl.ds(r0, rpt)])

        plsc.subcore_barrier()
        wid = cid * NS + sid
        base = wid * nb
        idx = (idx0, idx1)
        rows = (rows0, rows1)
        si = (si0, si1)
        sg = (sg0, sg1)

        pltpu.async_copy(ec_hbm.at[base], idx0, si0)
        pltpu.async_copy(ec_hbm.at[base + 1], idx1, si1)
        pltpu.make_async_copy(ec_hbm.at[base], idx0, si0).wait()
        pltpu.async_copy(hp_hbm.at[idx0.at[0]], rows0, sg0)

        def step(k, p, q):
            @pl.when(k + 1 < nb)
            def _():
                pltpu.make_async_copy(ec_hbm.at[base + k + 1], idx[q], si[q]).wait()
                pltpu.async_copy(hp_hbm.at[idx[q].at[0]], rows[q], sg[q])

            pltpu.make_async_copy(hp_hbm.at[idx[p].at[0]], rows[p], sg[p]).wait()
            pltpu.sync_copy(rows[p], acc_sh.at[idx[p].at[1]], add=True)

            @pl.when(k + 2 < nb)
            def _():
                pltpu.async_copy(ec_hbm.at[base + k + 2], idx[p], si[p])

        def body(j, carry):
            step(2 * j, 0, 1)
            step(2 * j + 1, 1, 0)
            return carry

        lax.fori_loop(0, nb // 2, body, 0)
        plsc.subcore_barrier()
        pltpu.sync_copy(acc_sh.at[pl.ds(r0, rpt)], out_hbm.at[cid, pl.ds(r0, rpt)])

    return spmm_kernel(hp, zeros, ec3)


def _tc_first(x, w1x, c_row, deg0, deg1, br=1000):
    n, d = x.shape
    hd = w1x.shape[1]
    grid = n // br

    def body(x_ref, w_ref, c_ref, d0_ref, d1_ref, hp_ref, dinv_ref):
        deg = d0_ref[:, 0:1] + d1_ref[:, 0:1] + 1.0
        dinv = lax.rsqrt(deg)
        h = jnp.dot(x_ref[...], w_ref[...],
                    preferred_element_type=jnp.float32) + c_ref[...]
        hp_ref[...] = h * dinv
        dinv_ref[...] = dinv

    return pl.pallas_call(
        body,
        grid=(grid,),
        in_specs=[
            pl.BlockSpec((br, d), lambda i: (i, 0)),
            pl.BlockSpec((d, hd), lambda i: (0, 0)),
            pl.BlockSpec((1, hd), lambda i: (0, 0)),
            pl.BlockSpec((br, DEGW), lambda i: (i, 0)),
            pl.BlockSpec((br, DEGW), lambda i: (i, 0)),
        ],
        out_specs=[
            pl.BlockSpec((br, hd), lambda i: (i, 0)),
            pl.BlockSpec((br, 1), lambda i: (i, 0)),
        ],
        out_shape=[
            jax.ShapeDtypeStruct((n, hd), jnp.float32),
            jax.ShapeDtypeStruct((n, 1), jnp.float32),
        ],
    )(x, w1x, c_row, deg0, deg1)


def _tc_mid(acc0, acc1, dinv, b_row, w_next, br=1000):
    n, hd = acc0.shape
    grid = n // br

    def body(a0_ref, a1_ref, dinv_ref, b_ref, w_ref, hp_ref):
        dinv = dinv_ref[...]
        pre = (a0_ref[...] + a1_ref[...]) * dinv + b_ref[...]
        act = jnp.where(pre >= 0, pre, NEG_SLOPE * pre)
        h = jnp.dot(act, w_ref[...], preferred_element_type=jnp.float32)
        hp_ref[...] = h * dinv

    return pl.pallas_call(
        body,
        grid=(grid,),
        in_specs=[
            pl.BlockSpec((br, hd), lambda i: (i, 0)),
            pl.BlockSpec((br, hd), lambda i: (i, 0)),
            pl.BlockSpec((br, 1), lambda i: (i, 0)),
            pl.BlockSpec((1, hd), lambda i: (0, 0)),
            pl.BlockSpec((hd, hd), lambda i: (0, 0)),
        ],
        out_specs=pl.BlockSpec((br, hd), lambda i: (i, 0)),
        out_shape=jax.ShapeDtypeStruct((n, hd), jnp.float32),
    )(acc0, acc1, dinv, b_row, w_next)


def _tc_last(acc0, acc1, dinv, b_row, wlin_t, blin2d, br=1000):
    n, hd = acc0.shape
    grid = n // br

    def body(a0_ref, a1_ref, dinv_ref, b_ref, wl_ref, bl_ref, sum_ref, out_ref):
        i = pl.program_id(0)

        @pl.when(i == 0)
        def _():
            sum_ref[...] = jnp.zeros_like(sum_ref)

        pre = (a0_ref[...] + a1_ref[...]) * dinv_ref[...] + b_ref[...]
        act = jnp.where(pre >= 0, pre, NEG_SLOPE * pre)
        sum_ref[...] += jnp.sum(act, axis=0, keepdims=True)

        @pl.when(i == grid - 1)
        def _():
            m = sum_ref[...] * (1.0 / n)
            out_ref[...] = jnp.dot(m, wl_ref[...],
                                   preferred_element_type=jnp.float32) + bl_ref[...]

    _, out = pl.pallas_call(
        body,
        grid=(grid,),
        in_specs=[
            pl.BlockSpec((br, hd), lambda i: (i, 0)),
            pl.BlockSpec((br, hd), lambda i: (i, 0)),
            pl.BlockSpec((br, 1), lambda i: (i, 0)),
            pl.BlockSpec((1, hd), lambda i: (0, 0)),
            pl.BlockSpec((hd, 1), lambda i: (0, 0)),
            pl.BlockSpec((1, 1), lambda i: (0, 0)),
        ],
        out_specs=[
            pl.BlockSpec((1, hd), lambda i: (0, 0)),
            pl.BlockSpec((1, 1), lambda i: (0, 0)),
        ],
        out_shape=[
            jax.ShapeDtypeStruct((1, hd), jnp.float32),
            jax.ShapeDtypeStruct((1, 1), jnp.float32),
        ],
    )(acc0, acc1, dinv, b_row, wlin_t, blin2d)
    return out


def kernel(x, edge_index, u, w, W1, b1, W2, b2, W3, b3, W4, b4, W5, b5, Wlin, blin):
    n, d = x.shape
    hd = W1.shape[1]
    e = edge_index.shape[1]
    assert n % NS == 0 and e % (NC * NS * B) == 0

    ec3 = edge_index.reshape(2, -1, B).transpose(1, 0, 2)
    zeros_nd = jnp.zeros((n, hd), jnp.float32)
    zeros16 = jnp.zeros((n, DEGW), jnp.float32)
    ones16 = jnp.ones((B, DEGW), jnp.float32)

    degp = _degree_partials(ec3, zeros16, ones16, n)

    u_ = jnp.asarray(u, jnp.float32)
    w_ = jnp.asarray(w, jnp.float32)
    c_row = (u_ * W1[d] + w_ * W1[d + 1]).reshape(1, hd)
    hp, dinv = _tc_first(x, W1[:d], c_row, degp[0], degp[1])

    for w_next, b_cur in ((W2, b1), (W3, b2), (W4, b3), (W5, b4)):
        acc = _sc_spmm(hp, zeros_nd, ec3, n, hd)
        hp = _tc_mid(acc[0], acc[1], dinv, b_cur.reshape(1, hd), w_next)

    acc = _sc_spmm(hp, zeros_nd, ec3, n, hd)
    out = _tc_last(acc[0], acc[1], dinv, b5.reshape(1, hd), Wlin.T,
                   blin.reshape(1, 1))
    return out.reshape(1)

# --- scband reference (transcript-rebuilt; emitter-appended) ---
"""Pipeline reference for scband-gcnmodel-parameter-forward-21328807592518 (READ-ONLY COPY).

The authoritative reference and input builder live on the scoring server;
editing this copy changes nothing except your own understanding.
"""

import jax, jax.numpy as jnp
import numpy as np

N = 10000
E = 320000
D = 128
H = 128


def setup_inputs(seed: int = 0) -> dict:
    key = jax.random.key(seed)
    ks = jax.random.split(key, 16)
    inp = {}
    inp["x"] = jax.random.normal(ks[0], (N, D), dtype=jnp.float32)
    inp["edge_index"] = jax.random.randint(ks[1], (2, E), 0, N, dtype=jnp.int32)
    inp["u"] = 0.5
    inp["w"] = 1.5
    dims = [(D + 2, H), (H, H), (H, H), (H, H), (H, H)]
    for i, (a, b) in enumerate(dims, 1):
        inp[f"W{i}"] = jax.random.normal(ks[1 + i], (a, b), dtype=jnp.float32) * 0.05
        inp[f"b{i}"] = jnp.zeros((b,), dtype=jnp.float32)
    inp["Wlin"] = jax.random.normal(ks[10], (1, H), dtype=jnp.float32) * 0.05
    inp["blin"] = jnp.zeros((1,), dtype=jnp.float32)
    return inp


def gcn_conv(x, edge_index, W, b):
    # GCNConv: add self-loops, symmetric normalization, scatter-add aggregation
    n = x.shape[0]
    loops = jnp.arange(n, dtype=edge_index.dtype)
    src = jnp.concatenate([edge_index[0], loops])
    dst = jnp.concatenate([edge_index[1], loops])
    deg = jnp.zeros((n,), dtype=x.dtype).at[dst].add(1.0)
    dinv = jnp.where(deg > 0, jax.lax.rsqrt(jnp.maximum(deg, 1.0)), 0.0)
    norm = dinv[src] * dinv[dst]
    h = x @ W
    out = jnp.zeros((n, W.shape[1]), dtype=x.dtype).at[dst].add(h[src] * norm[:, None])
    return out + b


def reference(x, edge_index, u, w, W1, b1, W2, b2, W3, b3, W4, b4, W5, b5, Wlin, blin):
    uw = jnp.asarray(jnp.stack([jnp.asarray(u, dtype=x.dtype), jnp.asarray(w, dtype=x.dtype)]))
    uw_expanded = jnp.broadcast_to(uw[None, :], (x.shape[0], 2))
    h = jnp.concatenate([x, uw_expanded], axis=1)
    for W, b in [(W1, b1), (W2, b2), (W3, b3), (W4, b4), (W5, b5)]:
        h = gcn_conv(h, edge_index, W, b)
        h = jax.nn.leaky_relu(h, negative_slope=0.01)
        # dropout(p=0.5) is identity in eval mode
    h = h.mean(axis=0)
    return h @ Wlin.T + blin

if __name__ == "__main__":
    import jax
    _d = setup_inputs()
    print(jax.jit(kernel)(*tuple(_d.values())))

</pallas_src>

<mosaic_0001>
#map = affine_map<(d0, d1) -> (0, 0, 0)>
#map1 = affine_map<(d0, d1) -> (0, 0)>
module attributes {stable_mosaic.version = 14 : i64} {
  func.func @deg_kernel(%arg0: i32, %arg1: i32, %arg2: memref<2560x2x125xi32, #tpu.memory_space<hbm>>, %arg3: memref<10000x16xf32, #tpu.memory_space<hbm>>, %arg4: memref<125x16xf32, #tpu.memory_space<hbm>>, %arg5: memref<2x10000x16xf32, #tpu.memory_space<hbm>>, %arg6: memref<2x125xi32, #tpu.memory_space<vmem>>, %arg7: memref<125x16xf32, #tpu.memory_space<vmem>>, %arg8: memref<10000x16xf32, #tpu.memory_space<vmem_shared>>) attributes {dimension_semantics = [#tpu.dimension_semantics<core_parallel>, #tpu.dimension_semantics<subcore_parallel>], iteration_bounds = array<i64: 2, 16>, scalar_prefetch = 0 : i64, scratch_operands = 3 : i64, tpu.core_type = #tpu.core_type<sc_vector_subcore>, window_params = [{transform_indices = #map}, {transform_indices = #map1}, {transform_indices = #map1}, {transform_indices = #map}]} {
    %mul3A = arith.constant 625 : i32
    %mul3A_0 = arith.muli %arg1, %mul3A : i32
    "tpu.region"() ({
      %run_scoped3A = tpu.sem_alloc : memref<!tpu.dma_semaphore, #tpu.memory_space<semaphore_mem>>
      %dma_start3A = arith.constant 0 : i32
      %dma_start3A_9 = tpu.memref_slice %arg8[%mul3A_0, %dma_start3A] : memref<10000x16xf32, #tpu.memory_space<vmem_shared>> -> memref<625x16xf32, #tpu.memory_space<vmem_shared>>
      %dma_start3A_10 = arith.constant 0 : i32
      %dma_start3A_11 = tpu.memref_slice %arg3[%mul3A_0, %dma_start3A_10] : memref<10000x16xf32, #tpu.memory_space<hbm>> -> memref<625x16xf32, #tpu.memory_space<hbm>>
      tpu.enqueue_dma source(%dma_start3A_11 : memref<625x16xf32, #tpu.memory_space<hbm>>) target(%dma_start3A_9 : memref<625x16xf32, #tpu.memory_space<vmem_shared>>) target_semaphore(%run_scoped3A : memref<!tpu.dma_semaphore, #tpu.memory_space<semaphore_mem>>)
      %dma_wait3A = arith.constant 0 : i32
      %dma_wait3A_12 = tpu.memref_slice %arg8[%mul3A_0, %dma_wait3A] : memref<10000x16xf32, #tpu.memory_space<vmem_shared>> -> memref<625x16xf32, #tpu.memory_space<vmem_shared>>
      %dma_wait3A_13 = arith.constant 0 : i32
      %dma_wait3A_14 = tpu.memref_slice %arg3[%mul3A_0, %dma_wait3A_13] : memref<10000x16xf32, #tpu.memory_space<hbm>> -> memref<625x16xf32, #tpu.memory_space<hbm>>
      tpu.wait_dma2 semaphore(%run_scoped3A : memref<!tpu.dma_semaphore, #tpu.memory_space<semaphore_mem>>) src(%dma_wait3A_14 : memref<625x16xf32, #tpu.memory_space<hbm>>) dst(%dma_wait3A_12 : memref<625x16xf32, #tpu.memory_space<vmem_shared>>)
      tpu.yield
    }) : () -> ()
    "tpu.region"() ({
      %run_scoped3A = tpu.sem_alloc : memref<!tpu.dma_semaphore, #tpu.memory_space<semaphore_mem>>
      tpu.enqueue_dma source(%arg4 : memref<125x16xf32, #tpu.memory_space<hbm>>) target(%arg7 : memref<125x16xf32, #tpu.memory_space<vmem>>) target_semaphore(%run_scoped3A : memref<!tpu.dma_semaphore, #tpu.memory_space<semaphore_mem>>)
      tpu.wait_dma2 semaphore(%run_scoped3A : memref<!tpu.dma_semaphore, #tpu.memory_space<semaphore_mem>>) src(%arg4 : memref<125x16xf32, #tpu.memory_space<hbm>>) dst(%arg7 : memref<125x16xf32, #tpu.memory_space<vmem>>)
      tpu.yield
    }) : () -> ()
    %barrier3A = arith.constant 0 : index
    tpu.barrier barrier_id(%barrier3A)
    %mul3A_1 = arith.constant 16 : i32
    %mul3A_2 = arith.muli %arg0, %mul3A_1 : i32
    %add3A = arith.addi %mul3A_2, %arg1 : i32
    %scan3A = arith.constant 0 : i32
    %scan3A_3 = arith.constant 0 : i32
    %scan3A_4 = arith.constant 80 : i32
    %scan3A_5 = arith.addi %scan3A_3, %scan3A_4 : i32
    %scan3A_6 = arith.constant 1 : i32
    scf.for %scan3A_9 = %scan3A_3 to %scan3A_5 step %scan3A_6  : i32 {
      %mul3A_10 = arith.constant 80 : i32
      %mul3A_11 = arith.muli %add3A, %mul3A_10 : i32
      %add3A_12 = arith.addi %mul3A_11, %scan3A_9 : i32
      "tpu.region"() ({
        %run_scoped3A_13 = tpu.sem_alloc : memref<!tpu.dma_semaphore, #tpu.memory_space<semaphore_mem>>
        %dma_start3A = arith.constant 0 : i32
        %dma_start3A_14 = arith.constant 0 : i32
        %dma_start3A_15 = tpu.memref_slice %arg2[%add3A_12, %dma_start3A, %dma_start3A_14] : memref<2560x2x125xi32, #tpu.memory_space<hbm>> -> memref<1x2x125xi32, #tpu.memory_space<hbm>>
        %dma_start3A_16 = tpu.memref_squeeze %dma_start3A_15 : memref<1x2x125xi32, #tpu.memory_space<hbm>> -> memref<2x125xi32, #tpu.memory_space<hbm>>
        %dma_start3A_17 = arith.constant 0 : i32
        %dma_start3A_18 = arith.constant 0 : i32
        %dma_start3A_19 = tpu.memref_slice %arg2[%add3A_12, %dma_start3A_17, %dma_start3A_18] : memref<2560x2x125xi32, #tpu.memory_space<hbm>> -> memref<1x2x125xi32, #tpu.memory_space<hbm>>
        %dma_start3A_20 = tpu.memref_squeeze %dma_start3A_19 : memref<1x2x125xi32, #tpu.memory_space<hbm>> -> memref<2x125xi32, #tpu.memory_space<hbm>>
        tpu.enqueue_dma source(%dma_start3A_20 : memref<2x125xi32, #tpu.memory_space<hbm>>) target(%arg6 : memref<2x125xi32, #tpu.memory_space<vmem>>) target_semaphore(%run_scoped3A_13 : memref<!tpu.dma_semaphore, #tpu.memory_space<semaphore_mem>>)
        %dma_wait3A = arith.constant 0 : i32
        %dma_wait3A_21 = arith.constant 0 : i32
        %dma_wait3A_22 = tpu.memref_slice %arg2[%add3A_12, %dma_wait3A, %dma_wait3A_21] : memref<2560x2x125xi32, #tpu.memory_space<hbm>> -> memref<1x2x125xi32, #tpu.memory_space<hbm>>
        %dma_wait3A_23 = tpu.memref_squeeze %dma_wait3A_22 : memref<1x2x125xi32, #tpu.memory_space<hbm>> -> memref<2x125xi32, #tpu.memory_space<hbm>>
        %dma_wait3A_24 = arith.constant 0 : i32
        %dma_wait3A_25 = arith.constant 0 : i32
        %dma_wait3A_26 = tpu.memref_slice %arg2[%add3A_12, %dma_wait3A_24, %dma_wait3A_25] : memref<2560x2x125xi32, #tpu.memory_space<hbm>> -> memref<1x2x125xi32, #tpu.memory_space<hbm>>
        %dma_wait3A_27 = tpu.memref_squeeze %dma_wait3A_26 : memref<1x2x125xi32, #tpu.memory_space<hbm>> -> memref<2x125xi32, #tpu.memory_space<hbm>>
        tpu.wait_dma2 semaphore(%run_scoped3A_13 : memref<!tpu.dma_semaphore, #tpu.memory_space<semaphore_mem>>) src(%dma_wait3A_27 : memref<2x125xi32, #tpu.memory_space<hbm>>) dst(%arg6 : memref<2x125xi32, #tpu.memory_space<vmem>>)
        tpu.yield
      }) : () -> ()
      %run_scoped3A = arith.constant 1 : i32
      "tpu.region"() ({
        %run_scoped3A_13 = tpu.sem_alloc : memref<!tpu.dma_semaphore, #tpu.memory_space<semaphore_mem>>
        %dma_start3A = arith.constant 0 : i32
        %dma_start3A_14 = tpu.memref_slice %arg6[%run_scoped3A, %dma_start3A] : memref<2x125xi32, #tpu.memory_space<vmem>> -> memref<1x125xi32, #tpu.memory_space<vmem>>
        %dma_start3A_15 = tpu.memref_squeeze %dma_start3A_14 : memref<1x125xi32, #tpu.memory_space<vmem>> -> memref<125xi32, #tpu.memory_space<vmem>>
        %dma_start3A_16 = arith.constant 0 : i32
        %dma_start3A_17 = arith.constant 0 : i32
        %dma_start3A_18 = tpu.memref_slice %arg8[%dma_start3A_16, %dma_start3A_17] : memref<10000x16xf32, #tpu.memory_space<vmem_shared>> -> memref<10000x16xf32, #tpu.memory_space<vmem_shared>>
        tpu.enqueue_indirect_dma source(%arg7 : memref<125x16xf32, #tpu.memory_space<vmem>>) target(%dma_start3A_18 : memref<10000x16xf32, #tpu.memory_space<vmem_shared>>) offsets(%dma_start3A_15 : memref<125xi32, #tpu.memory_space<vmem>>) semaphore(%run_scoped3A_13 : memref<!tpu.dma_semaphore, #tpu.memory_space<semaphore_mem>>) {add = true}
        %dma_wait3A = arith.constant 0 : i32
        %dma_wait3A_19 = tpu.memref_slice %arg6[%run_scoped3A, %dma_wait3A] : memref<2x125xi32, #tpu.memory_space<vmem>> -> memref<1x125xi32, #tpu.memory_space<vmem>>
        %dma_wait3A_20 = tpu.memref_squeeze %dma_wait3A_19 : memref<1x125xi32, #tpu.memory_space<vmem>> -> memref<125xi32, #tpu.memory_space<vmem>>
        %dma_wait3A_21 = arith.constant 0 : i32
        %dma_wait3A_22 = arith.constant 0 : i32
        %dma_wait3A_23 = tpu.memref_slice %arg8[%dma_wait3A_21, %dma_wait3A_22] : memref<10000x16xf32, #tpu.memory_space<vmem_shared>> -> memref<10000x16xf32, #tpu.memory_space<vmem_shared>>
        tpu.wait_indirect_dma semaphore(%run_scoped3A_13 : memref<!tpu.dma_semaphore, #tpu.memory_space<semaphore_mem>>) src(%arg7 : memref<125x16xf32, #tpu.memory_space<vmem>>) dst(%dma_wait3A_23 : memref<10000x16xf32, #tpu.memory_space<vmem_shared>>)
        tpu.yield
      }) : () -> ()
    }
    %scan3A_7 = arith.constant 80 : i32
    %barrier3A_8 = arith.constant 0 : index
    tpu.barrier barrier_id(%barrier3A_8)
    "tpu.region"() ({
      %run_scoped3A = tpu.sem_alloc : memref<!tpu.dma_semaphore, #tpu.memory_space<semaphore_mem>>
      %dma_start3A = arith.constant 0 : i32
      %dma_start3A_9 = tpu.memref_slice %arg5[%arg0, %mul3A_0, %dma_start3A] : memref<2x10000x16xf32, #tpu.memory_space<hbm>> -> memref<1x625x16xf32, #tpu.memory_space<hbm>>
      %dma_start3A_10 = tpu.memref_squeeze %dma_start3A_9 : memref<1x625x16xf32, #tpu.memory_space<hbm>> -> memref<625x16xf32, #tpu.memory_space<hbm>>
      %dma_start3A_11 = arith.constant 0 : i32
      %dma_start3A_12 = tpu.memref_slice %arg8[%mul3A_0, %dma_start3A_11] : memref<10000x16xf32, #tpu.memory_space<vmem_shared>> -> memref<625x16xf32, #tpu.memory_space<vmem_shared>>
      tpu.enqueue_dma source(%dma_start3A_12 : memref<625x16xf32, #tpu.memory_space<vmem_shared>>) target(%dma_start3A_10 : memref<625x16xf32, #tpu.memory_space<hbm>>) target_semaphore(%run_scoped3A : memref<!tpu.dma_semaphore, #tpu.memory_space<semaphore_mem>>)
      %dma_wait3A = arith.constant 0 : i32
      %dma_wait3A_13 = tpu.memref_slice %arg5[%arg0, %mul3A_0, %dma_wait3A] : memref<2x10000x16xf32, #tpu.memory_space<hbm>> -> memref<1x625x16xf32, #tpu.memory_space<hbm>>
      %dma_wait3A_14 = tpu.memref_squeeze %dma_wait3A_13 : memref<1x625x16xf32, #tpu.memory_space<hbm>> -> memref<625x16xf32, #tpu.memory_space<hbm>>
      %dma_wait3A_15 = arith.constant 0 : i32
      %dma_wait3A_16 = tpu.memref_slice %arg8[%mul3A_0, %dma_wait3A_15] : memref<10000x16xf32, #tpu.memory_space<vmem_shared>> -> memref<625x16xf32, #tpu.memory_space<vmem_shared>>
      tpu.wait_dma2 semaphore(%run_scoped3A : memref<!tpu.dma_semaphore, #tpu.memory_space<semaphore_mem>>) src(%dma_wait3A_16 : memref<625x16xf32, #tpu.memory_space<vmem_shared>>) dst(%dma_wait3A_14 : memref<625x16xf32, #tpu.memory_space<hbm>>)
      tpu.yield
    }) : () -> ()
    return
  }
}

#map = affine_map<(d0, d1) -> (0, 0)>
#map1 = affine_map<(d0, d1) -> (0, 0, 0)>
module attributes {stable_mosaic.version = 14 : i64} {
  func.func @spmm_kernel(%arg0: i32, %arg1: i32, %arg2: memref<10000x128xf32, #tpu.memory_space<hbm>>, %arg3: memref<10000x128xf32, #tpu.memory_space<hbm>>, %arg4: memref<2560x2x125xi32, #tpu.memory_space<hbm>>, %arg5: memref<2x10000x128xf32, #tpu.memory_space<hbm>>, %arg6: memref<2x125xi32, #tpu.memory_space<vmem>>, %arg7: memref<2x125xi32, #tpu.memory_space<vmem>>, %arg8: memref<125x128xf32, #tpu.memory_space<vmem>>, %arg9: memref<125x128xf32, #tpu.memory_space<vmem>>, %arg10: memref<10000x128xf32, #tpu.memory_space<vmem_shared>>, %arg11: memref<!tpu.dma_semaphore, #tpu.memory_space<semaphore_mem>>, %arg12: memref<!tpu.dma_semaphore, #tpu.memory_space<semaphore_mem>>, %arg13: memref<!tpu.dma_semaphore, #tpu.memory_space<semaphore_mem>>, %arg14: memref<!tpu.dma_semaphore, #tpu.memory_space<semaphore_mem>>) attributes {dimension_semantics = [#tpu.dimension_semantics<core_parallel>, #tpu.dimension_semantics<subcore_parallel>], iteration_bounds = array<i64: 2, 16>, scalar_prefetch = 0 : i64, scratch_operands = 9 : i64, tpu.core_type = #tpu.core_type<sc_vector_subcore>, window_params = [{transform_indices = #map}, {transform_indices = #map}, {transform_indices = #map1}, {transform_indices = #map1}]} {
    %mul3A = arith.constant 625 : i32
    %mul3A_0 = arith.muli %arg1, %mul3A : i32
    %eq3A = arith.constant 0 : i32
    %eq3A_1 = arith.cmpi eq, %arg0, %eq3A : i32
    %convert_element_type3A = arith.extui %eq3A_1 : i1 to i32
    %cond3A = arith.constant 0 : i32
    %cond3A_2 = arith.cmpi ne, %convert_element_type3A, %cond3A : i32
    scf.if %cond3A_2 {
      "tpu.region"() ({
        %run_scoped3A = tpu.sem_alloc : memref<!tpu.dma_semaphore, #tpu.memory_space<semaphore_mem>>
        %dma_start3A_48 = arith.constant 0 : i32
        %dma_start3A_49 = tpu.memref_slice %arg10[%mul3A_0, %dma_start3A_48] : memref<10000x128xf32, #tpu.memory_space<vmem_shared>> -> memref<625x128xf32, #tpu.memory_space<vmem_shared>>
        %dma_start3A_50 = arith.constant 0 : i32
        %dma_start3A_51 = tpu.memref_slice %arg2[%mul3A_0, %dma_start3A_50] : memref<10000x128xf32, #tpu.memory_space<hbm>> -> memref<625x128xf32, #tpu.memory_space<hbm>>
        tpu.enqueue_dma source(%dma_start3A_51 : memref<625x128xf32, #tpu.memory_space<hbm>>) target(%dma_start3A_49 : memref<625x128xf32, #tpu.memory_space<vmem_shared>>) target_semaphore(%run_scoped3A : memref<!tpu.dma_semaphore, #tpu.memory_space<semaphore_mem>>)
        %dma_wait3A_52 = arith.constant 0 : i32
        %dma_wait3A_53 = tpu.memref_slice %arg10[%mul3A_0, %dma_wait3A_52] : memref<10000x128xf32, #tpu.memory_space<vmem_shared>> -> memref<625x128xf32, #tpu.memory_space<vmem_shared>>
        %dma_wait3A_54 = arith.constant 0 : i32
        %dma_wait3A_55 = tpu.memref_slice %arg2[%mul3A_0, %dma_wait3A_54] : memref<10000x128xf32, #tpu.memory_space<hbm>> -> memref<625x128xf32, #tpu.memory_space<hbm>>
        tpu.wait_dma2 semaphore(%run_scoped3A : memref<!tpu.dma_semaphore, #tpu.memory_space<semaphore_mem>>) src(%dma_wait3A_55 : memref<625x128xf32, #tpu.memory_space<hbm>>) dst(%dma_wait3A_53 : memref<625x128xf32, #tpu.memory_space<vmem_shared>>)
        tpu.yield
      }) : () -> ()
    } else {
    }
    %ne3A = arith.constant 0 : i32
    %ne3A_3 = arith.cmpi ne, %arg0, %ne3A : i32
    %convert_element_type3A_4 = arith.extui %ne3A_3 : i1 to i32
    %cond3A_5 = arith.constant 0 : i32
    %cond3A_6 = arith.cmpi ne, %convert_element_type3A_4, %cond3A_5 : i32
    scf.if %cond3A_6 {
      "tpu.region"() ({
        %run_scoped3A = tpu.sem_alloc : memref<!tpu.dma_semaphore, #tpu.memory_space<semaphore_mem>>
        %dma_start3A_48 = arith.constant 0 : i32
        %dma_start3A_49 = tpu.memref_slice %arg10[%mul3A_0, %dma_start3A_48] : memref<10000x128xf32, #tpu.memory_space<vmem_shared>> -> memref<625x128xf32, #tpu.memory_space<vmem_shared>>
        %dma_start3A_50 = arith.constant 0 : i32
        %dma_start3A_51 = tpu.memref_slice %arg3[%mul3A_0, %dma_start3A_50] : memref<10000x128xf32, #tpu.memory_space<hbm>> -> memref<625x128xf32, #tpu.memory_space<hbm>>
        tpu.enqueue_dma source(%dma_start3A_51 : memref<625x128xf32, #tpu.memory_space<hbm>>) target(%dma_start3A_49 : memref<625x128xf32, #tpu.memory_space<vmem_shared>>) target_semaphore(%run_scoped3A : memref<!tpu.dma_semaphore, #tpu.memory_space<semaphore_mem>>)
        %dma_wait3A_52 = arith.constant 0 : i32
        %dma_wait3A_53 = tpu.memref_slice %arg10[%mul3A_0, %dma_wait3A_52] : memref<10000x128xf32, #tpu.memory_space<vmem_shared>> -> memref<625x128xf32, #tpu.memory_space<vmem_shared>>
        %dma_wait3A_54 = arith.constant 0 : i32
        %dma_wait3A_55 = tpu.memref_slice %arg3[%mul3A_0, %dma_wait3A_54] : memref<10000x128xf32, #tpu.memory_space<hbm>> -> memref<625x128xf32, #tpu.memory_space<hbm>>
        tpu.wait_dma2 semaphore(%run_scoped3A : memref<!tpu.dma_semaphore, #tpu.memory_space<semaphore_mem>>) src(%dma_wait3A_55 : memref<625x128xf32, #tpu.memory_space<hbm>>) dst(%dma_wait3A_53 : memref<625x128xf32, #tpu.memory_space<vmem_shared>>)
        tpu.yield
      }) : () -> ()
    } else {
    }
    %barrier3A = arith.constant 0 : index
    tpu.barrier barrier_id(%barrier3A)
    %mul3A_7 = arith.constant 16 : i32
    %mul3A_8 = arith.muli %arg0, %mul3A_7 : i32
    %add3A = arith.addi %mul3A_8, %arg1 : i32
    %mul3A_9 = arith.constant 80 : i32
    %mul3A_10 = arith.muli %add3A, %mul3A_9 : i32
    %dma_start3A = arith.constant 0 : i32
    %dma_start3A_11 = arith.constant 0 : i32
    %dma_start3A_12 = tpu.memref_slice %arg4[%mul3A_10, %dma_start3A, %dma_start3A_11] : memref<2560x2x125xi32, #tpu.memory_space<hbm>> -> memref<1x2x125xi32, #tpu.memory_space<hbm>>
    %dma_start3A_13 = tpu.memref_squeeze %dma_start3A_12 : memref<1x2x125xi32, #tpu.memory_space<hbm>> -> memref<2x125xi32, #tpu.memory_space<hbm>>
    %dma_start3A_14 = arith.constant 0 : i32
    %dma_start3A_15 = arith.constant 0 : i32
    %dma_start3A_16 = tpu.memref_slice %arg4[%mul3A_10, %dma_start3A_14, %dma_start3A_15] : memref<2560x2x125xi32, #tpu.memory_space<hbm>> -> memref<1x2x125xi32, #tpu.memory_space<hbm>>
    %dma_start3A_17 = tpu.memref_squeeze %dma_start3A_16 : memref<1x2x125xi32, #tpu.memory_space<hbm>> -> memref<2x125xi32, #tpu.memory_space<hbm>>
    tpu.enqueue_dma source(%dma_start3A_17 : memref<2x125xi32, #tpu.memory_space<hbm>>) target(%arg6 : memref<2x125xi32, #tpu.memory_space<vmem>>) target_semaphore(%arg11 : memref<!tpu.dma_semaphore, #tpu.memory_space<semaphore_mem>>)
    %add3A_18 = arith.constant 1 : i32
    %add3A_19 = arith.addi %mul3A_10, %add3A_18 : i32
    %dma_start3A_20 = arith.constant 0 : i32
    %dma_start3A_21 = arith.constant 0 : i32
    %dma_start3A_22 = tpu.memref_slice %arg4[%add3A_19, %dma_start3A_20, %dma_start3A_21] : memref<2560x2x125xi32, #tpu.memory_space<hbm>> -> memref<1x2x125xi32, #tpu.memory_space<hbm>>
    %dma_start3A_23 = tpu.memref_squeeze %dma_start3A_22 : memref<1x2x125xi32, #tpu.memory_space<hbm>> -> memref<2x125xi32, #tpu.memory_space<hbm>>
    %dma_start3A_24 = arith.constant 0 : i32
    %dma_start3A_25 = arith.constant 0 : i32
    %dma_start3A_26 = tpu.memref_slice %arg4[%add3A_19, %dma_start3A_24, %dma_start3A_25] : memref<2560x2x125xi32, #tpu.memory_space<hbm>> -> memref<1x2x125xi32, #tpu.memory_space<hbm>>
    %dma_start3A_27 = tpu.memref_squeeze %dma_start3A_26 : memref<1x2x125xi32, #tpu.memory_space<hbm>> -> memref<2x125xi32, #tpu.memory_space<hbm>>
    tpu.enqueue_dma source(%dma_start3A_27 : memref<2x125xi32, #tpu.memory_space<hbm>>) target(%arg7 : memref<2x125xi32, #tpu.memory_space<vmem>>) target_semaphore(%arg12 : memref<!tpu.dma_semaphore, #tpu.memory_space<semaphore_mem>>)
    %dma_wait3A = arith.constant 0 : i32
    %dma_wait3A_28 = arith.constant 0 : i32
    %dma_wait3A_29 = tpu.memref_slice %arg4[%mul3A_10, %dma_wait3A, %dma_wait3A_28] : memref<2560x2x125xi32, #tpu.memory_space<hbm>> -> memref<1x2x125xi32, #tpu.memory_space<hbm>>
    %dma_wait3A_30 = tpu.memref_squeeze %dma_wait3A_29 : memref<1x2x125xi32, #tpu.memory_space<hbm>> -> memref<2x125xi32, #tpu.memory_space<hbm>>
    %dma_wait3A_31 = arith.constant 0 : i32
    %dma_wait3A_32 = arith.constant 0 : i32
    %dma_wait3A_33 = tpu.memref_slice %arg4[%mul3A_10, %dma_wait3A_31, %dma_wait3A_32] : memref<2560x2x125xi32, #tpu.memory_space<hbm>> -> memref<1x2x125xi32, #tpu.memory_space<hbm>>
    %dma_wait3A_34 = tpu.memref_squeeze %dma_wait3A_33 : memref<1x2x125xi32, #tpu.memory_space<hbm>> -> memref<2x125xi32, #tpu.memory_space<hbm>>
    tpu.wait_dma2 semaphore(%arg11 : memref<!tpu.dma_semaphore, #tpu.memory_space<semaphore_mem>>) src(%dma_wait3A_34 : memref<2x125xi32, #tpu.memory_space<hbm>>) dst(%arg6 : memref<2x125xi32, #tpu.memory_space<vmem>>)
    %dma_start3A_35 = arith.constant 0 : i32
    %dma_start3A_36 = arith.constant 0 : i32
    %dma_start3A_37 = tpu.memref_slice %arg6[%dma_start3A_35, %dma_start3A_36] : memref<2x125xi32, #tpu.memory_space<vmem>> -> memref<1x125xi32, #tpu.memory_space<vmem>>
    %dma_start3A_38 = tpu.memref_squeeze %dma_start3A_37 : memref<1x125xi32, #tpu.memory_space<vmem>> -> memref<125xi32, #tpu.memory_space<vmem>>
    %dma_start3A_39 = arith.constant 0 : i32
    %dma_start3A_40 = arith.constant 0 : i32
    %dma_start3A_41 = tpu.memref_slice %arg2[%dma_start3A_39, %dma_start3A_40] : memref<10000x128xf32, #tpu.memory_space<hbm>> -> memref<10000x128xf32, #tpu.memory_space<hbm>>
    tpu.enqueue_indirect_dma source(%dma_start3A_41 : memref<10000x128xf32, #tpu.memory_space<hbm>>) target(%arg8 : memref<125x128xf32, #tpu.memory_space<vmem>>) offsets(%dma_start3A_38 : memref<125xi32, #tpu.memory_space<vmem>>) semaphore(%arg13 : memref<!tpu.dma_semaphore, #tpu.memory_space<semaphore_mem>>)
    %scan3A = arith.constant 0 : i32
    %scan3A_42 = arith.constant 0 : i32
    %scan3A_43 = arith.constant 40 : i32
    %scan3A_44 = arith.addi %scan3A_42, %scan3A_43 : i32
    %scan3A_45 = arith.constant 1 : i32
    scf.for %scan3A_48 = %scan3A_42 to %scan3A_44 step %scan3A_45  : i32 {
      %mul3A_49 = arith.constant 2 : i32
      %mul3A_50 = arith.muli %mul3A_49, %scan3A_48 : i32
      %add3A_51 = arith.constant 1 : i32
      %add3A_52 = arith.addi %mul3A_50, %add3A_51 : i32
      %lt3A = arith.constant 80 : i32
      %lt3A_53 = arith.cmpi slt, %add3A_52, %lt3A : i32
      %convert_element_type3A_54 = arith.extui %lt3A_53 : i1 to i32
      %cond3A_55 = arith.constant 0 : i32
      %cond3A_56 = arith.cmpi ne, %convert_element_type3A_54, %cond3A_55 : i32
      scf.if %cond3A_56 {
        %add3A_97 = arith.addi %mul3A_10, %mul3A_50 : i32
        %add3A_98 = arith.constant 1 : i32
        %add3A_99 = arith.addi %add3A_97, %add3A_98 : i32
        %dma_wait3A_100 = arith.constant 0 : i32
        %dma_wait3A_101 = arith.constant 0 : i32
        %dma_wait3A_102 = tpu.memref_slice %arg4[%add3A_99, %dma_wait3A_100, %dma_wait3A_101] : memref<2560x2x125xi32, #tpu.memory_space<hbm>> -> memref<1x2x125xi32, #tpu.memory_space<hbm>>
        %dma_wait3A_103 = tpu.memref_squeeze %dma_wait3A_102 : memref<1x2x125xi32, #tpu.memory_space<hbm>> -> memref<2x125xi32, #tpu.memory_space<hbm>>
        %dma_wait3A_104 = arith.constant 0 : i32
        %dma_wait3A_105 = arith.constant 0 : i32
        %dma_wait3A_106 = tpu.memref_slice %arg4[%add3A_99, %dma_wait3A_104, %dma_wait3A_105] : memref<2560x2x125xi32, #tpu.memory_space<hbm>> -> memref<1x2x125xi32, #tpu.memory_space<hbm>>
        %dma_wait3A_107 = tpu.memref_squeeze %dma_wait3A_106 : memref<1x2x125xi32, #tpu.memory_space<hbm>> -> memref<2x125xi32, #tpu.memory_space<hbm>>
        tpu.wait_dma2 semaphore(%arg12 : memref<!tpu.dma_semaphore, #tpu.memory_space<semaphore_mem>>) src(%dma_wait3A_107 : memref<2x125xi32, #tpu.memory_space<hbm>>) dst(%arg7 : memref<2x125xi32, #tpu.memory_space<vmem>>)
        %dma_start3A_108 = arith.constant 0 : i32
        %dma_start3A_109 = arith.constant 0 : i32
        %dma_start3A_110 = tpu.memref_slice %arg7[%dma_start3A_108, %dma_start3A_109] : memref<2x125xi32, #tpu.memory_space<vmem>> -> memref<1x125xi32, #tpu.memory_space<vmem>>
        %dma_start3A_111 = tpu.memref_squeeze %dma_start3A_110 : memref<1x125xi32, #tpu.memory_space<vmem>> -> memref<125xi32, #tpu.memory_space<vmem>>
        %dma_start3A_112 = arith.constant 0 : i32
        %dma_start3A_113 = arith.constant 0 : i32
        %dma_start3A_114 = tpu.memref_slice %arg2[%dma_start3A_112, %dma_start3A_113] : memref<10000x128xf32, #tpu.memory_space<hbm>> -> memref<10000x128xf32, #tpu.memory_space<hbm>>
        tpu.enqueue_indirect_dma source(%dma_start3A_114 : memref<10000x128xf32, #tpu.memory_space<hbm>>) target(%arg9 : memref<125x128xf32, #tpu.memory_space<vmem>>) offsets(%dma_start3A_111 : memref<125xi32, #tpu.memory_space<vmem>>) semaphore(%arg14 : memref<!tpu.dma_semaphore, #tpu.memory_space<semaphore_mem>>)
      } else {
      }
      %dma_wait3A_57 = arith.constant 0 : i32
      %dma_wait3A_58 = arith.constant 0 : i32
      %dma_wait3A_59 = tpu.memref_slice %arg6[%dma_wait3A_57, %dma_wait3A_58] : memref<2x125xi32, #tpu.memory_space<vmem>> -> memref<1x125xi32, #tpu.memory_space<vmem>>
      %dma_wait3A_60 = tpu.memref_squeeze %dma_wait3A_59 : memref<1x125xi32, #tpu.memory_space<vmem>> -> memref<125xi32, #tpu.memory_space<vmem>>
      %dma_wait3A_61 = arith.constant 0 : i32
      %dma_wait3A_62 = arith.constant 0 : i32
      %dma_wait3A_63 = tpu.memref_slice %arg2[%dma_wait3A_61, %dma_wait3A_62] : memref<10000x128xf32, #tpu.memory_space<hbm>> -> memref<10000x128xf32, #tpu.memory_space<hbm>>
      tpu.wait_indirect_dma semaphore(%arg13 : memref<!tpu.dma_semaphore, #tpu.memory_space<semaphore_mem>>) src(%dma_wait3A_63 : memref<10000x128xf32, #tpu.memory_space<hbm>>) dst(%arg8 : memref<125x128xf32, #tpu.memory_space<vmem>>)
      %run_scoped3A = arith.constant 1 : i32
      "tpu.region"() ({
        %run_scoped3A_97 = tpu.sem_alloc : memref<!tpu.dma_semaphore, #tpu.memory_space<semaphore_mem>>
        %dma_start3A_98 = arith.constant 0 : i32
        %dma_start3A_99 = tpu.memref_slice %arg6[%run_scoped3A, %dma_start3A_98] : memref<2x125xi32, #tpu.memory_space<vmem>> -> memref<1x125xi32, #tpu.memory_space<vmem>>
        %dma_start3A_100 = tpu.memref_squeeze %dma_start3A_99 : memref<1x125xi32, #tpu.memory_space<vmem>> -> memref<125xi32, #tpu.memory_space<vmem>>
        %dma_start3A_101 = arith.constant 0 : i32
        %dma_start3A_102 = arith.constant 0 : i32
        %dma_start3A_103 = tpu.memref_slice %arg10[%dma_start3A_101, %dma_start3A_102] : memref<10000x128xf32, #tpu.memory_space<vmem_shared>> -> memref<10000x128xf32, #tpu.memory_space<vmem_shared>>
        tpu.enqueue_indirect_dma source(%arg8 : memref<125x128xf32, #tpu.memory_space<vmem>>) target(%dma_start3A_103 : memref<10000x128xf32, #tpu.memory_space<vmem_shared>>) offsets(%dma_start3A_100 : memref<125xi32, #tpu.memory_space<vmem>>) semaphore(%run_scoped3A_97 : memref<!tpu.dma_semaphore, #tpu.memory_space<semaphore_mem>>) {add = true}
        %dma_wait3A_104 = arith.constant 0 : i32
        %dma_wait3A_105 = tpu.memref_slice %arg6[%run_scoped3A, %dma_wait3A_104] : memref<2x125xi32, #tpu.memory_space<vmem>> -> memref<1x125xi32, #tpu.memory_space<vmem>>
        %dma_wait3A_106 = tpu.memref_squeeze %dma_wait3A_105 : memref<1x125xi32, #tpu.memory_space<vmem>> -> memref<125xi32, #tpu.memory_space<vmem>>
        %dma_wait3A_107 = arith.constant 0 : i32
        %dma_wait3A_108 = arith.constant 0 : i32
        %dma_wait3A_109 = tpu.memref_slice %arg10[%dma_wait3A_107, %dma_wait3A_108] : memref<10000x128xf32, #tpu.memory_space<vmem_shared>> -> memref<10000x128xf32, #tpu.memory_space<vmem_shared>>
        tpu.wait_indirect_dma semaphore(%run_scoped3A_97 : memref<!tpu.dma_semaphore, #tpu.memory_space<semaphore_mem>>) src(%arg8 : memref<125x128xf32, #tpu.memory_space<vmem>>) dst(%dma_wait3A_109 : memref<10000x128xf32, #tpu.memory_space<vmem_shared>>)
        tpu.yield
      }) : () -> ()
      %add3A_64 = arith.constant 2 : i32
      %add3A_65 = arith.addi %mul3A_50, %add3A_64 : i32
      %lt3A_66 = arith.constant 80 : i32
      %lt3A_67 = arith.cmpi slt, %add3A_65, %lt3A_66 : i32
      %convert_element_type3A_68 = arith.extui %lt3A_67 : i1 to i32
      %cond3A_69 = arith.constant 0 : i32
      %cond3A_70 = arith.cmpi ne, %convert_element_type3A_68, %cond3A_69 : i32
      scf.if %cond3A_70 {
        %add3A_97 = arith.addi %mul3A_10, %mul3A_50 : i32
        %add3A_98 = arith.constant 2 : i32
        %add3A_99 = arith.addi %add3A_97, %add3A_98 : i32
        %dma_start3A_100 = arith.constant 0 : i32
        %dma_start3A_101 = arith.constant 0 : i32
        %dma_start3A_102 = tpu.memref_slice %arg4[%add3A_99, %dma_start3A_100, %dma_start3A_101] : memref<2560x2x125xi32, #tpu.memory_space<hbm>> -> memref<1x2x125xi32, #tpu.memory_space<hbm>>
        %dma_start3A_103 = tpu.memref_squeeze %dma_start3A_102 : memref<1x2x125xi32, #tpu.memory_space<hbm>> -> memref<2x125xi32, #tpu.memory_space<hbm>>
        %dma_start3A_104 = arith.constant 0 : i32
        %dma_start3A_105 = arith.constant 0 : i32
        %dma_start3A_106 = tpu.memref_slice %arg4[%add3A_99, %dma_start3A_104, %dma_start3A_105] : memref<2560x2x125xi32, #tpu.memory_space<hbm>> -> memref<1x2x125xi32, #tpu.memory_space<hbm>>
        %dma_start3A_107 = tpu.memref_squeeze %dma_start3A_106 : memref<1x2x125xi32, #tpu.memory_space<hbm>> -> memref<2x125xi32, #tpu.memory_space<hbm>>
        tpu.enqueue_dma source(%dma_start3A_107 : memref<2x125xi32, #tpu.memory_space<hbm>>) target(%arg6 : memref<2x125xi32, #tpu.memory_space<vmem>>) target_semaphore(%arg11 : memref<!tpu.dma_semaphore, #tpu.memory_space<semaphore_mem>>)
      } else {
      }
      %mul3A_71 = arith.constant 2 : i32
      %mul3A_72 = arith.muli %mul3A_71, %scan3A_48 : i32
      %add3A_73 = arith.constant 1 : i32
      %add3A_74 = arith.addi %mul3A_72, %add3A_73 : i32
      %add3A_75 = arith.constant 1 : i32
      %add3A_76 = arith.addi %add3A_74, %add3A_75 : i32
      %lt3A_77 = arith.constant 80 : i32
      %lt3A_78 = arith.cmpi slt, %add3A_76, %lt3A_77 : i32
      %convert_element_type3A_79 = arith.extui %lt3A_78 : i1 to i32
      %cond3A_80 = arith.constant 0 : i32
      %cond3A_81 = arith.cmpi ne, %convert_element_type3A_79, %cond3A_80 : i32
      scf.if %cond3A_81 {
        %add3A_97 = arith.addi %mul3A_10, %add3A_74 : i32
        %add3A_98 = arith.constant 1 : i32
        %add3A_99 = arith.addi %add3A_97, %add3A_98 : i32
        %dma_wait3A_100 = arith.constant 0 : i32
        %dma_wait3A_101 = arith.constant 0 : i32
        %dma_wait3A_102 = tpu.memref_slice %arg4[%add3A_99, %dma_wait3A_100, %dma_wait3A_101] : memref<2560x2x125xi32, #tpu.memory_space<hbm>> -> memref<1x2x125xi32, #tpu.memory_space<hbm>>
        %dma_wait3A_103 = tpu.memref_squeeze %dma_wait3A_102 : memref<1x2x125xi32, #tpu.memory_space<hbm>> -> memref<2x125xi32, #tpu.memory_space<hbm>>
        %dma_wait3A_104 = arith.constant 0 : i32
        %dma_wait3A_105 = arith.constant 0 : i32
        %dma_wait3A_106 = tpu.memref_slice %arg4[%add3A_99, %dma_wait3A_104, %dma_wait3A_105] : memref<2560x2x125xi32, #tpu.memory_space<hbm>> -> memref<1x2x125xi32, #tpu.memory_space<hbm>>
        %dma_wait3A_107 = tpu.memref_squeeze %dma_wait3A_106 : memref<1x2x125xi32, #tpu.memory_space<hbm>> -> memref<2x125xi32, #tpu.memory_space<hbm>>
        tpu.wait_dma2 semaphore(%arg11 : memref<!tpu.dma_semaphore, #tpu.memory_space<semaphore_mem>>) src(%dma_wait3A_107 : memref<2x125xi32, #tpu.memory_space<hbm>>) dst(%arg6 : memref<2x125xi32, #tpu.memory_space<vmem>>)
        %dma_start3A_108 = arith.constant 0 : i32
        %dma_start3A_109 = arith.constant 0 : i32
        %dma_start3A_110 = tpu.memref_slice %arg6[%dma_start3A_108, %dma_start3A_109] : memref<2x125xi32, #tpu.memory_space<vmem>> -> memref<1x125xi32, #tpu.memory_space<vmem>>
        %dma_start3A_111 = tpu.memref_squeeze %dma_start3A_110 : memref<1x125xi32, #tpu.memory_space<vmem>> -> memref<125xi32, #tpu.memory_space<vmem>>
        %dma_start3A_112 = arith.constant 0 : i32
        %dma_start3A_113 = arith.constant 0 : i32
        %dma_start3A_114 = tpu.memref_slice %arg2[%dma_start3A_112, %dma_start3A_113] : memref<10000x128xf32, #tpu.memory_space<hbm>> -> memref<10000x128xf32, #tpu.memory_space<hbm>>
        tpu.enqueue_indirect_dma source(%dma_start3A_114 : memref<10000x128xf32, #tpu.memory_space<hbm>>) target(%arg8 : memref<125x128xf32, #tpu.memory_space<vmem>>) offsets(%dma_start3A_111 : memref<125xi32, #tpu.memory_space<vmem>>) semaphore(%arg13 : memref<!tpu.dma_semaphore, #tpu.memory_space<semaphore_mem>>)
      } else {
      }
      %dma_wait3A_82 = arith.constant 0 : i32
      %dma_wait3A_83 = arith.constant 0 : i32
      %dma_wait3A_84 = tpu.memref_slice %arg7[%dma_wait3A_82, %dma_wait3A_83] : memref<2x125xi32, #tpu.memory_space<vmem>> -> memref<1x125xi32, #tpu.memory_space<vmem>>
      %dma_wait3A_85 = tpu.memref_squeeze %dma_wait3A_84 : memref<1x125xi32, #tpu.memory_space<vmem>> -> memref<125xi32, #tpu.memory_space<vmem>>
      %dma_wait3A_86 = arith.constant 0 : i32
      %dma_wait3A_87 = arith.constant 0 : i32
      %dma_wait3A_88 = tpu.memref_slice %arg2[%dma_wait3A_86, %dma_wait3A_87] : memref<10000x128xf32, #tpu.memory_space<hbm>> -> memref<10000x128xf32, #tpu.memory_space<hbm>>
      tpu.wait_indirect_dma semaphore(%arg14 : memref<!tpu.dma_semaphore, #tpu.memory_space<semaphore_mem>>) src(%dma_wait3A_88 : memref<10000x128xf32, #tpu.memory_space<hbm>>) dst(%arg9 : memref<125x128xf32, #tpu.memory_space<vmem>>)
      %run_scoped3A_89 = arith.constant 1 : i32
      "tpu.region"() ({
        %run_scoped3A_97 = tpu.sem_alloc : memref<!tpu.dma_semaphore, #tpu.memory_space<semaphore_mem>>
        %dma_start3A_98 = arith.constant 0 : i32
        %dma_start3A_99 = tpu.memref_slice %arg7[%run_scoped3A_89, %dma_start3A_98] : memref<2x125xi32, #tpu.memory_space<vmem>> -> memref<1x125xi32, #tpu.memory_space<vmem>>
        %dma_start3A_100 = tpu.memref_squeeze %dma_start3A_99 : memref<1x125xi32, #tpu.memory_space<vmem>> -> memref<125xi32, #tpu.memory_space<vmem>>
        %dma_start3A_101 = arith.constant 0 : i32
        %dma_start3A_102 = arith.constant 0 : i32
        %dma_start3A_103 = tpu.memref_slice %arg10[%dma_start3A_101, %dma_start3A_102] : memref<10000x128xf32, #tpu.memory_space<vmem_shared>> -> memref<10000x128xf32, #tpu.memory_space<vmem_shared>>
        tpu.enqueue_indirect_dma source(%arg9 : memref<125x128xf32, #tpu.memory_space<vmem>>) target(%dma_start3A_103 : memref<10000x128xf32, #tpu.memory_space<vmem_shared>>) offsets(%dma_start3A_100 : memref<125xi32, #tpu.memory_space<vmem>>) semaphore(%run_scoped3A_97 : memref<!tpu.dma_semaphore, #tpu.memory_space<semaphore_mem>>) {add = true}
        %dma_wait3A_104 = arith.constant 0 : i32
        %dma_wait3A_105 = tpu.memref_slice %arg7[%run_scoped3A_89, %dma_wait3A_104] : memref<2x125xi32, #tpu.memory_space<vmem>> -> memref<1x125xi32, #tpu.memory_space<vmem>>
        %dma_wait3A_106 = tpu.memref_squeeze %dma_wait3A_105 : memref<1x125xi32, #tpu.memory_space<vmem>> -> memref<125xi32, #tpu.memory_space<vmem>>
        %dma_wait3A_107 = arith.constant 0 : i32
        %dma_wait3A_108 = arith.constant 0 : i32
        %dma_wait3A_109 = tpu.memref_slice %arg10[%dma_wait3A_107, %dma_wait3A_108] : memref<10000x128xf32, #tpu.memory_space<vmem_shared>> -> memref<10000x128xf32, #tpu.memory_space<vmem_shared>>
        tpu.wait_indirect_dma semaphore(%run_scoped3A_97 : memref<!tpu.dma_semaphore, #tpu.memory_space<semaphore_mem>>) src(%arg9 : memref<125x128xf32, #tpu.memory_space<vmem>>) dst(%dma_wait3A_109 : memref<10000x128xf32, #tpu.memory_space<vmem_shared>>)
        tpu.yield
      }) : () -> ()
      %add3A_90 = arith.constant 2 : i32
      %add3A_91 = arith.addi %add3A_74, %add3A_90 : i32
      %lt3A_92 = arith.constant 80 : i32
      %lt3A_93 = arith.cmpi slt, %add3A_91, %lt3A_92 : i32
      %convert_element_type3A_94 = arith.extui %lt3A_93 : i1 to i32
      %cond3A_95 = arith.constant 0 : i32
      %cond3A_96 = arith.cmpi ne, %convert_element_type3A_94, %cond3A_95 : i32
      scf.if %cond3A_96 {
        %add3A_97 = arith.addi %mul3A_10, %add3A_74 : i32
        %add3A_98 = arith.constant 2 : i32
        %add3A_99 = arith.addi %add3A_97, %add3A_98 : i32
        %dma_start3A_100 = arith.constant 0 : i32
        %dma_start3A_101 = arith.constant 0 : i32
        %dma_start3A_102 = tpu.memref_slice %arg4[%add3A_99, %dma_start3A_100, %dma_start3A_101] : memref<2560x2x125xi32, #tpu.memory_space<hbm>> -> memref<1x2x125xi32, #tpu.memory_space<hbm>>
        %dma_start3A_103 = tpu.memref_squeeze %dma_start3A_102 : memref<1x2x125xi32, #tpu.memory_space<hbm>> -> memref<2x125xi32, #tpu.memory_space<hbm>>
        %dma_start3A_104 = arith.constant 0 : i32
        %dma_start3A_105 = arith.constant 0 : i32
        %dma_start3A_106 = tpu.memref_slice %arg4[%add3A_99, %dma_start3A_104, %dma_start3A_105] : memref<2560x2x125xi32, #tpu.memory_space<hbm>> -> memref<1x2x125xi32, #tpu.memory_space<hbm>>
        %dma_start3A_107 = tpu.memref_squeeze %dma_start3A_106 : memref<1x2x125xi32, #tpu.memory_space<hbm>> -> memref<2x125xi32, #tpu.memory_space<hbm>>
        tpu.enqueue_dma source(%dma_start3A_107 : memref<2x125xi32, #tpu.memory_space<hbm>>) target(%arg7 : memref<2x125xi32, #tpu.memory_space<vmem>>) target_semaphore(%arg12 : memref<!tpu.dma_semaphore, #tpu.memory_space<semaphore_mem>>)
      } else {
      }
    }
    %scan3A_46 = arith.constant 40 : i32
    %barrier3A_47 = arith.constant 0 : index
    tpu.barrier barrier_id(%barrier3A_47)
    "tpu.region"() ({
      %run_scoped3A = tpu.sem_alloc : memref<!tpu.dma_semaphore, #tpu.memory_space<semaphore_mem>>
      %dma_start3A_48 = arith.constant 0 : i32
      %dma_start3A_49 = tpu.memref_slice %arg5[%arg0, %mul3A_0, %dma_start3A_48] : memref<2x10000x128xf32, #tpu.memory_space<hbm>> -> memref<1x625x128xf32, #tpu.memory_space<hbm>>
      %dma_start3A_50 = tpu.memref_squeeze %dma_start3A_49 : memref<1x625x128xf32, #tpu.memory_space<hbm>> -> memref<625x128xf32, #tpu.memory_space<hbm>>
      %dma_start3A_51 = arith.constant 0 : i32
      %dma_start3A_52 = tpu.memref_slice %arg10[%mul3A_0, %dma_start3A_51] : memref<10000x128xf32, #tpu.memory_space<vmem_shared>> -> memref<625x128xf32, #tpu.memory_space<vmem_shared>>
      tpu.enqueue_dma source(%dma_start3A_52 : memref<625x128xf32, #tpu.memory_space<vmem_shared>>) target(%dma_start3A_50 : memref<625x128xf32, #tpu.memory_space<hbm>>) target_semaphore(%run_scoped3A : memref<!tpu.dma_semaphore, #tpu.memory_space<semaphore_mem>>)
      %dma_wait3A_53 = arith.constant 0 : i32
      %dma_wait3A_54 = tpu.memref_slice %arg5[%arg0, %mul3A_0, %dma_wait3A_53] : memref<2x10000x128xf32, #tpu.memory_space<hbm>> -> memref<1x625x128xf32, #tpu.memory_space<hbm>>
      %dma_wait3A_55 = tpu.memref_squeeze %dma_wait3A_54 : memref<1x625x128xf32, #tpu.memory_space<hbm>> -> memref<625x128xf32, #tpu.memory_space<hbm>>
      %dma_wait3A_56 = arith.constant 0 : i32
      %dma_wait3A_57 = tpu.memref_slice %arg10[%mul3A_0, %dma_wait3A_56] : memref<10000x128xf32, #tpu.memory_space<vmem_shared>> -> memref<625x128xf32, #tpu.memory_space<vmem_shared>>
      tpu.wait_dma2 semaphore(%run_scoped3A : memref<!tpu.dma_semaphore, #tpu.memory_space<semaphore_mem>>) src(%dma_wait3A_57 : memref<625x128xf32, #tpu.memory_space<vmem_shared>>) dst(%dma_wait3A_55 : memref<625x128xf32, #tpu.memory_space<hbm>>)
      tpu.yield
    }) : () -> ()
    return
  }
}

#map = affine_map<(d0, d1) -> (0, 0)>
#map1 = affine_map<(d0, d1) -> (0, 0, 0)>
module attributes {stable_mosaic.version = 14 : i64} {
  func.func @spmm_kernel(%arg0: i32, %arg1: i32, %arg2: memref<10000x128xf32, #tpu.memory_space<hbm>>, %arg3: memref<10000x128xf32, #tpu.memory_space<hbm>>, %arg4: memref<2560x2x125xi32, #tpu.memory_space<hbm>>, %arg5: memref<2x10000x128xf32, #tpu.memory_space<hbm>>, %arg6: memref<2x125xi32, #tpu.memory_space<vmem>>, %arg7: memref<2x125xi32, #tpu.memory_space<vmem>>, %arg8: memref<125x128xf32, #tpu.memory_space<vmem>>, %arg9: memref<125x128xf32, #tpu.memory_space<vmem>>, %arg10: memref<10000x128xf32, #tpu.memory_space<vmem_shared>>, %arg11: memref<!tpu.dma_semaphore, #tpu.memory_space<semaphore_mem>>, %arg12: memref<!tpu.dma_semaphore, #tpu.memory_space<semaphore_mem>>, %arg13: memref<!tpu.dma_semaphore, #tpu.memory_space<semaphore_mem>>, %arg14: memref<!tpu.dma_semaphore, #tpu.memory_space<semaphore_mem>>) attributes {dimension_semantics = [#tpu.dimension_semantics<core_parallel>, #tpu.dimension_semantics<subcore_parallel>], iteration_bounds = array<i64: 2, 16>, scalar_prefetch = 0 : i64, scratch_operands = 9 : i64, tpu.core_type = #tpu.core_type<sc_vector_subcore>, window_params = [{transform_indices = #map}, {transform_indices = #map}, {transform_indices = #map1}, {transform_indices = #map1}]} {
    %mul3A = arith.constant 625 : i32
    %mul3A_0 = arith.muli %arg1, %mul3A : i32
    %eq3A = arith.constant 0 : i32
    %eq3A_1 = arith.cmpi eq, %arg0, %eq3A : i32
    %convert_element_type3A = arith.extui %eq3A_1 : i1 to i32
    %cond3A = arith.constant 0 : i32
    %cond3A_2 = arith.cmpi ne, %convert_element_type3A, %cond3A : i32
    scf.if %cond3A_2 {
      "tpu.region"() ({
        %run_scoped3A = tpu.sem_alloc : memref<!tpu.dma_semaphore, #tpu.memory_space<semaphore_mem>>
        %dma_start3A_48 = arith.constant 0 : i32
        %dma_start3A_49 = tpu.memref_slice %arg10[%mul3A_0, %dma_start3A_48] : memref<10000x128xf32, #tpu.memory_space<vmem_shared>> -> memref<625x128xf32, #tpu.memory_space<vmem_shared>>
        %dma_start3A_50 = arith.constant 0 : i32
        %dma_start3A_51 = tpu.memref_slice %arg2[%mul3A_0, %dma_start3A_50] : memref<10000x128xf32, #tpu.memory_space<hbm>> -> memref<625x128xf32, #tpu.memory_space<hbm>>
        tpu.enqueue_dma source(%dma_start3A_51 : memref<625x128xf32, #tpu.memory_space<hbm>>) target(%dma_start3A_49 : memref<625x128xf32, #tpu.memory_space<vmem_shared>>) target_semaphore(%run_scoped3A : memref<!tpu.dma_semaphore, #tpu.memory_space<semaphore_mem>>)
        %dma_wait3A_52 = arith.constant 0 : i32
        %dma_wait3A_53 = tpu.memref_slice %arg10[%mul3A_0, %dma_wait3A_52] : memref<10000x128xf32, #tpu.memory_space<vmem_shared>> -> memref<625x128xf32, #tpu.memory_space<vmem_shared>>
        %dma_wait3A_54 = arith.constant 0 : i32
        %dma_wait3A_55 = tpu.memref_slice %arg2[%mul3A_0, %dma_wait3A_54] : memref<10000x128xf32, #tpu.memory_space<hbm>> -> memref<625x128xf32, #tpu.memory_space<hbm>>
        tpu.wait_dma2 semaphore(%run_scoped3A : memref<!tpu.dma_semaphore, #tpu.memory_space<semaphore_mem>>) src(%dma_wait3A_55 : memref<625x128xf32, #tpu.memory_space<hbm>>) dst(%dma_wait3A_53 : memref<625x128xf32, #tpu.memory_space<vmem_shared>>)
        tpu.yield
      }) : () -> ()
    } else {
    }
    %ne3A = arith.constant 0 : i32
    %ne3A_3 = arith.cmpi ne, %arg0, %ne3A : i32
    %convert_element_type3A_4 = arith.extui %ne3A_3 : i1 to i32
    %cond3A_5 = arith.constant 0 : i32
    %cond3A_6 = arith.cmpi ne, %convert_element_type3A_4, %cond3A_5 : i32
    scf.if %cond3A_6 {
      "tpu.region"() ({
        %run_scoped3A = tpu.sem_alloc : memref<!tpu.dma_semaphore, #tpu.memory_space<semaphore_mem>>
        %dma_start3A_48 = arith.constant 0 : i32
        %dma_start3A_49 = tpu.memref_slice %arg10[%mul3A_0, %dma_start3A_48] : memref<10000x128xf32, #tpu.memory_space<vmem_shared>> -> memref<625x128xf32, #tpu.memory_space<vmem_shared>>
        %dma_start3A_50 = arith.constant 0 : i32
        %dma_start3A_51 = tpu.memref_slice %arg3[%mul3A_0, %dma_start3A_50] : memref<10000x128xf32, #tpu.memory_space<hbm>> -> memref<625x128xf32, #tpu.memory_space<hbm>>
        tpu.enqueue_dma source(%dma_start3A_51 : memref<625x128xf32, #tpu.memory_space<hbm>>) target(%dma_start3A_49 : memref<625x128xf32, #tpu.memory_space<vmem_shared>>) target_semaphore(%run_scoped3A : memref<!tpu.dma_semaphore, #tpu.memory_space<semaphore_mem>>)
        %dma_wait3A_52 = arith.constant 0 : i32
        %dma_wait3A_53 = tpu.memref_slice %arg10[%mul3A_0, %dma_wait3A_52] : memref<10000x128xf32, #tpu.memory_space<vmem_shared>> -> memref<625x128xf32, #tpu.memory_space<vmem_shared>>
        %dma_wait3A_54 = arith.constant 0 : i32
        %dma_wait3A_55 = tpu.memref_slice %arg3[%mul3A_0, %dma_wait3A_54] : memref<10000x128xf32, #tpu.memory_space<hbm>> -> memref<625x128xf32, #tpu.memory_space<hbm>>
        tpu.wait_dma2 semaphore(%run_scoped3A : memref<!tpu.dma_semaphore, #tpu.memory_space<semaphore_mem>>) src(%dma_wait3A_55 : memref<625x128xf32, #tpu.memory_space<hbm>>) dst(%dma_wait3A_53 : memref<625x128xf32, #tpu.memory_space<vmem_shared>>)
        tpu.yield
      }) : () -> ()
    } else {
    }
    %barrier3A = arith.constant 0 : index
    tpu.barrier barrier_id(%barrier3A)
    %mul3A_7 = arith.constant 16 : i32
    %mul3A_8 = arith.muli %arg0, %mul3A_7 : i32
    %add3A = arith.addi %mul3A_8, %arg1 : i32
    %mul3A_9 = arith.constant 80 : i32
    %mul3A_10 = arith.muli %add3A, %mul3A_9 : i32
    %dma_start3A = arith.constant 0 : i32
    %dma_start3A_11 = arith.constant 0 : i32
    %dma_start3A_12 = tpu.memref_slice %arg4[%mul3A_10, %dma_start3A, %dma_start3A_11] : memref<2560x2x125xi32, #tpu.memory_space<hbm>> -> memref<1x2x125xi32, #tpu.memory_space<hbm>>
    %dma_start3A_13 = tpu.memref_squeeze %dma_start3A_12 : memref<1x2x125xi32, #tpu.memory_space<hbm>> -> memref<2x125xi32, #tpu.memory_space<hbm>>
    %dma_start3A_14 = arith.constant 0 : i32
    %dma_start3A_15 = arith.constant 0 : i32
    %dma_start3A_16 = tpu.memref_slice %arg4[%mul3A_10, %dma_start3A_14, %dma_start3A_15] : memref<2560x2x125xi32, #tpu.memory_space<hbm>> -> memref<1x2x125xi32, #tpu.memory_space<hbm>>
    %dma_start3A_17 = tpu.memref_squeeze %dma_start3A_16 : memref<1x2x125xi32, #tpu.memory_space<hbm>> -> memref<2x125xi32, #tpu.memory_space<hbm>>
    tpu.enqueue_dma source(%dma_start3A_17 : memref<2x125xi32, #tpu.memory_space<hbm>>) target(%arg6 : memref<2x125xi32, #tpu.memory_space<vmem>>) target_semaphore(%arg11 : memref<!tpu.dma_semaphore, #tpu.memory_space<semaphore_mem>>)
    %add3A_18 = arith.constant 1 : i32
    %add3A_19 = arith.addi %mul3A_10, %add3A_18 : i32
    %dma_start3A_20 = arith.constant 0 : i32
    %dma_start3A_21 = arith.constant 0 : i32
    %dma_start3A_22 = tpu.memref_slice %arg4[%add3A_19, %dma_start3A_20, %dma_start3A_21] : memref<2560x2x125xi32, #tpu.memory_space<hbm>> -> memref<1x2x125xi32, #tpu.memory_space<hbm>>
    %dma_start3A_23 = tpu.memref_squeeze %dma_start3A_22 : memref<1x2x125xi32, #tpu.memory_space<hbm>> -> memref<2x125xi32, #tpu.memory_space<hbm>>
    %dma_start3A_24 = arith.constant 0 : i32
    %dma_start3A_25 = arith.constant 0 : i32
    %dma_start3A_26 = tpu.memref_slice %arg4[%add3A_19, %dma_start3A_24, %dma_start3A_25] : memref<2560x2x125xi32, #tpu.memory_space<hbm>> -> memref<1x2x125xi32, #tpu.memory_space<hbm>>
    %dma_start3A_27 = tpu.memref_squeeze %dma_start3A_26 : memref<1x2x125xi32, #tpu.memory_space<hbm>> -> memref<2x125xi32, #tpu.memory_space<hbm>>
    tpu.enqueue_dma source(%dma_start3A_27 : memref<2x125xi32, #tpu.memory_space<hbm>>) target(%arg7 : memref<2x125xi32, #tpu.memory_space<vmem>>) target_semaphore(%arg12 : memref<!tpu.dma_semaphore, #tpu.memory_space<semaphore_mem>>)
    %dma_wait3A = arith.constant 0 : i32
    %dma_wait3A_28 = arith.constant 0 : i32
    %dma_wait3A_29 = tpu.memref_slice %arg4[%mul3A_10, %dma_wait3A, %dma_wait3A_28] : memref<2560x2x125xi32, #tpu.memory_space<hbm>> -> memref<1x2x125xi32, #tpu.memory_space<hbm>>
    %dma_wait3A_30 = tpu.memref_squeeze %dma_wait3A_29 : memref<1x2x125xi32, #tpu.memory_space<hbm>> -> memref<2x125xi32, #tpu.memory_space<hbm>>
    %dma_wait3A_31 = arith.constant 0 : i32
    %dma_wait3A_32 = arith.constant 0 : i32
    %dma_wait3A_33 = tpu.memref_slice %arg4[%mul3A_10, %dma_wait3A_31, %dma_wait3A_32] : memref<2560x2x125xi32, #tpu.memory_space<hbm>> -> memref<1x2x125xi32, #tpu.memory_space<hbm>>
    %dma_wait3A_34 = tpu.memref_squeeze %dma_wait3A_33 : memref<1x2x125xi32, #tpu.memory_space<hbm>> -> memref<2x125xi32, #tpu.memory_space<hbm>>
    tpu.wait_dma2 semaphore(%arg11 : memref<!tpu.dma_semaphore, #tpu.memory_space<semaphore_mem>>) src(%dma_wait3A_34 : memref<2x125xi32, #tpu.memory_space<hbm>>) dst(%arg6 : memref<2x125xi32, #tpu.memory_space<vmem>>)
    %dma_start3A_35 = arith.constant 0 : i32
    %dma_start3A_36 = arith.constant 0 : i32
    %dma_start3A_37 = tpu.memref_slice %arg6[%dma_start3A_35, %dma_start3A_36] : memref<2x125xi32, #tpu.memory_space<vmem>> -> memref<1x125xi32, #tpu.memory_space<vmem>>
    %dma_start3A_38 = tpu.memref_squeeze %dma_start3A_37 : memref<1x125xi32, #tpu.memory_space<vmem>> -> memref<125xi32, #tpu.memory_space<vmem>>
    %dma_start3A_39 = arith.constant 0 : i32
    %dma_start3A_40 = arith.constant 0 : i32
    %dma_start3A_41 = tpu.memref_slice %arg2[%dma_start3A_39, %dma_start3A_40] : memref<10000x128xf32, #tpu.memory_space<hbm>> -> memref<10000x128xf32, #tpu.memory_space<hbm>>
    tpu.enqueue_indirect_dma source(%dma_start3A_41 : memref<10000x128xf32, #tpu.memory_space<hbm>>) target(%arg8 : memref<125x128xf32, #tpu.memory_space<vmem>>) offsets(%dma_start3A_38 : memref<125xi32, #tpu.memory_space<vmem>>) semaphore(%arg13 : memref<!tpu.dma_semaphore, #tpu.memory_space<semaphore_mem>>)
    %scan3A = arith.constant 0 : i32
    %scan3A_42 = arith.constant 0 : i32
    %scan3A_43 = arith.constant 40 : i32
    %scan3A_44 = arith.addi %scan3A_42, %scan3A_43 : i32
    %scan3A_45 = arith.constant 1 : i32
    scf.for %scan3A_48 = %scan3A_42 to %scan3A_44 step %scan3A_45  : i32 {
      %mul3A_49 = arith.constant 2 : i32
      %mul3A_50 = arith.muli %mul3A_49, %scan3A_48 : i32
      %add3A_51 = arith.constant 1 : i32
      %add3A_52 = arith.addi %mul3A_50, %add3A_51 : i32
      %lt3A = arith.constant 80 : i32
      %lt3A_53 = arith.cmpi slt, %add3A_52, %lt3A : i32
      %convert_element_type3A_54 = arith.extui %lt3A_53 : i1 to i32
      %cond3A_55 = arith.constant 0 : i32
      %cond3A_56 = arith.cmpi ne, %convert_element_type3A_54, %cond3A_55 : i32
      scf.if %cond3A_56 {
        %add3A_97 = arith.addi %mul3A_10, %mul3A_50 : i32
        %add3A_98 = arith.constant 1 : i32
        %add3A_99 = arith.addi %add3A_97, %add3A_98 : i32
        %dma_wait3A_100 = arith.constant 0 : i32
        %dma_wait3A_101 = arith.constant 0 : i32
        %dma_wait3A_102 = tpu.memref_slice %arg4[%add3A_99, %dma_wait3A_100, %dma_wait3A_101] : memref<2560x2x125xi32, #tpu.memory_space<hbm>> -> memref<1x2x125xi32, #tpu.memory_space<hbm>>
        %dma_wait3A_103 = tpu.memref_squeeze %dma_wait3A_102 : memref<1x2x125xi32, #tpu.memory_space<hbm>> -> memref<2x125xi32, #tpu.memory_space<hbm>>
        %dma_wait3A_104 = arith.constant 0 : i32
        %dma_wait3A_105 = arith.constant 0 : i32
        %dma_wait3A_106 = tpu.memref_slice %arg4[%add3A_99, %dma_wait3A_104, %dma_wait3A_105] : memref<2560x2x125xi32, #tpu.memory_space<hbm>> -> memref<1x2x125xi32, #tpu.memory_space<hbm>>
        %dma_wait3A_107 = tpu.memref_squeeze %dma_wait3A_106 : memref<1x2x125xi32, #tpu.memory_space<hbm>> -> memref<2x125xi32, #tpu.memory_space<hbm>>
        tpu.wait_dma2 semaphore(%arg12 : memref<!tpu.dma_semaphore, #tpu.memory_space<semaphore_mem>>) src(%dma_wait3A_107 : memref<2x125xi32, #tpu.memory_space<hbm>>) dst(%arg7 : memref<2x125xi32, #tpu.memory_space<vmem>>)
        %dma_start3A_108 = arith.constant 0 : i32
        %dma_start3A_109 = arith.constant 0 : i32
        %dma_start3A_110 = tpu.memref_slice %arg7[%dma_start3A_108, %dma_start3A_109] : memref<2x125xi32, #tpu.memory_space<vmem>> -> memref<1x125xi32, #tpu.memory_space<vmem>>
        %dma_start3A_111 = tpu.memref_squeeze %dma_start3A_110 : memref<1x125xi32, #tpu.memory_space<vmem>> -> memref<125xi32, #tpu.memory_space<vmem>>
        %dma_start3A_112 = arith.constant 0 : i32
        %dma_start3A_113 = arith.constant 0 : i32
        %dma_start3A_114 = tpu.memref_slice %arg2[%dma_start3A_112, %dma_start3A_113] : memref<10000x128xf32, #tpu.memory_space<hbm>> -> memref<10000x128xf32, #tpu.memory_space<hbm>>
        tpu.enqueue_indirect_dma source(%dma_start3A_114 : memref<10000x128xf32, #tpu.memory_space<hbm>>) target(%arg9 : memref<125x128xf32, #tpu.memory_space<vmem>>) offsets(%dma_start3A_111 : memref<125xi32, #tpu.memory_space<vmem>>) semaphore(%arg14 : memref<!tpu.dma_semaphore, #tpu.memory_space<semaphore_mem>>)
      } else {
      }
      %dma_wait3A_57 = arith.constant 0 : i32
      %dma_wait3A_58 = arith.constant 0 : i32
      %dma_wait3A_59 = tpu.memref_slice %arg6[%dma_wait3A_57, %dma_wait3A_58] : memref<2x125xi32, #tpu.memory_space<vmem>> -> memref<1x125xi32, #tpu.memory_space<vmem>>
      %dma_wait3A_60 = tpu.memref_squeeze %dma_wait3A_59 : memref<1x125xi32, #tpu.memory_space<vmem>> -> memref<125xi32, #tpu.memory_space<vmem>>
      %dma_wait3A_61 = arith.constant 0 : i32
      %dma_wait3A_62 = arith.constant 0 : i32
      %dma_wait3A_63 = tpu.memref_slice %arg2[%dma_wait3A_61, %dma_wait3A_62] : memref<10000x128xf32, #tpu.memory_space<hbm>> -> memref<10000x128xf32, #tpu.memory_space<hbm>>
      tpu.wait_indirect_dma semaphore(%arg13 : memref<!tpu.dma_semaphore, #tpu.memory_space<semaphore_mem>>) src(%dma_wait3A_63 : memref<10000x128xf32, #tpu.memory_space<hbm>>) dst(%arg8 : memref<125x128xf32, #tpu.memory_space<vmem>>)
      %run_scoped3A = arith.constant 1 : i32
      "tpu.region"() ({
        %run_scoped3A_97 = tpu.sem_alloc : memref<!tpu.dma_semaphore, #tpu.memory_space<semaphore_mem>>
        %dma_start3A_98 = arith.constant 0 : i32
        %dma_start3A_99 = tpu.memref_slice %arg6[%run_scoped3A, %dma_start3A_98] : memref<2x125xi32, #tpu.memory_space<vmem>> -> memref<1x125xi32, #tpu.memory_space<vmem>>
        %dma_start3A_100 = tpu.memref_squeeze %dma_start3A_99 : memref<1x125xi32, #tpu.memory_space<vmem>> -> memref<125xi32, #tpu.memory_space<vmem>>
        %dma_start3A_101 = arith.constant 0 : i32
        %dma_start3A_102 = arith.constant 0 : i32
        %dma_start3A_103 = tpu.memref_slice %arg10[%dma_start3A_101, %dma_start3A_102] : memref<10000x128xf32, #tpu.memory_space<vmem_shared>> -> memref<10000x128xf32, #tpu.memory_space<vmem_shared>>
        tpu.enqueue_indirect_dma source(%arg8 : memref<125x128xf32, #tpu.memory_space<vmem>>) target(%dma_start3A_103 : memref<10000x128xf32, #tpu.memory_space<vmem_shared>>) offsets(%dma_start3A_100 : memref<125xi32, #tpu.memory_space<vmem>>) semaphore(%run_scoped3A_97 : memref<!tpu.dma_semaphore, #tpu.memory_space<semaphore_mem>>) {add = true}
        %dma_wait3A_104 = arith.constant 0 : i32
        %dma_wait3A_105 = tpu.memref_slice %arg6[%run_scoped3A, %dma_wait3A_104] : memref<2x125xi32, #tpu.memory_space<vmem>> -> memref<1x125xi32, #tpu.memory_space<vmem>>
        %dma_wait3A_106 = tpu.memref_squeeze %dma_wait3A_105 : memref<1x125xi32, #tpu.memory_space<vmem>> -> memref<125xi32, #tpu.memory_space<vmem>>
        %dma_wait3A_107 = arith.constant 0 : i32
        %dma_wait3A_108 = arith.constant 0 : i32
        %dma_wait3A_109 = tpu.memref_slice %arg10[%dma_wait3A_107, %dma_wait3A_108] : memref<10000x128xf32, #tpu.memory_space<vmem_shared>> -> memref<10000x128xf32, #tpu.memory_space<vmem_shared>>
        tpu.wait_indirect_dma semaphore(%run_scoped3A_97 : memref<!tpu.dma_semaphore, #tpu.memory_space<semaphore_mem>>) src(%arg8 : memref<125x128xf32, #tpu.memory_space<vmem>>) dst(%dma_wait3A_109 : memref<10000x128xf32, #tpu.memory_space<vmem_shared>>)
        tpu.yield
      }) : () -> ()
      %add3A_64 = arith.constant 2 : i32
      %add3A_65 = arith.addi %mul3A_50, %add3A_64 : i32
      %lt3A_66 = arith.constant 80 : i32
      %lt3A_67 = arith.cmpi slt, %add3A_65, %lt3A_66 : i32
      %convert_element_type3A_68 = arith.extui %lt3A_67 : i1 to i32
      %cond3A_69 = arith.constant 0 : i32
      %cond3A_70 = arith.cmpi ne, %convert_element_type3A_68, %cond3A_69 : i32
      scf.if %cond3A_70 {
        %add3A_97 = arith.addi %mul3A_10, %mul3A_50 : i32
        %add3A_98 = arith.constant 2 : i32
        %add3A_99 = arith.addi %add3A_97, %add3A_98 : i32
        %dma_start3A_100 = arith.constant 0 : i32
        %dma_start3A_101 = arith.constant 0 : i32
        %dma_start3A_102 = tpu.memref_slice %arg4[%add3A_99, %dma_start3A_100, %dma_start3A_101] : memref<2560x2x125xi32, #tpu.memory_space<hbm>> -> memref<1x2x125xi32, #tpu.memory_space<hbm>>
        %dma_start3A_103 = tpu.memref_squeeze %dma_start3A_102 : memref<1x2x125xi32, #tpu.memory_space<hbm>> -> memref<2x125xi32, #tpu.memory_space<hbm>>
        %dma_start3A_104 = arith.constant 0 : i32
        %dma_start3A_105 = arith.constant 0 : i32
        %dma_start3A_106 = tpu.memref_slice %arg4[%add3A_99, %dma_start3A_104, %dma_start3A_105] : memref<2560x2x125xi32, #tpu.memory_space<hbm>> -> memref<1x2x125xi32, #tpu.memory_space<hbm>>
        %dma_start3A_107 = tpu.memref_squeeze %dma_start3A_106 : memref<1x2x125xi32, #tpu.memory_space<hbm>> -> memref<2x125xi32, #tpu.memory_space<hbm>>
        tpu.enqueue_dma source(%dma_start3A_107 : memref<2x125xi32, #tpu.memory_space<hbm>>) target(%arg6 : memref<2x125xi32, #tpu.memory_space<vmem>>) target_semaphore(%arg11 : memref<!tpu.dma_semaphore, #tpu.memory_space<semaphore_mem>>)
      } else {
      }
      %mul3A_71 = arith.constant 2 : i32
      %mul3A_72 = arith.muli %mul3A_71, %scan3A_48 : i32
      %add3A_73 = arith.constant 1 : i32
      %add3A_74 = arith.addi %mul3A_72, %add3A_73 : i32
      %add3A_75 = arith.constant 1 : i32
      %add3A_76 = arith.addi %add3A_74, %add3A_75 : i32
      %lt3A_77 = arith.constant 80 : i32
      %lt3A_78 = arith.cmpi slt, %add3A_76, %lt3A_77 : i32
      %convert_element_type3A_79 = arith.extui %lt3A_78 : i1 to i32
      %cond3A_80 = arith.constant 0 : i32
      %cond3A_81 = arith.cmpi ne, %convert_element_type3A_79, %cond3A_80 : i32
      scf.if %cond3A_81 {
        %add3A_97 = arith.addi %mul3A_10, %add3A_74 : i32
        %add3A_98 = arith.constant 1 : i32
        %add3A_99 = arith.addi %add3A_97, %add3A_98 : i32
        %dma_wait3A_100 = arith.constant 0 : i32
        %dma_wait3A_101 = arith.constant 0 : i32
        %dma_wait3A_102 = tpu.memref_slice %arg4[%add3A_99, %dma_wait3A_100, %dma_wait3A_101] : memref<2560x2x125xi32, #tpu.memory_space<hbm>> -> memref<1x2x125xi32, #tpu.memory_space<hbm>>
        %dma_wait3A_103 = tpu.memref_squeeze %dma_wait3A_102 : memref<1x2x125xi32, #tpu.memory_space<hbm>> -> memref<2x125xi32, #tpu.memory_space<hbm>>
        %dma_wait3A_104 = arith.constant 0 : i32
        %dma_wait3A_105 = arith.constant 0 : i32
        %dma_wait3A_106 = tpu.memref_slice %arg4[%add3A_99, %dma_wait3A_104, %dma_wait3A_105] : memref<2560x2x125xi32, #tpu.memory_space<hbm>> -> memref<1x2x125xi32, #tpu.memory_space<hbm>>
        %dma_wait3A_107 = tpu.memref_squeeze %dma_wait3A_106 : memref<1x2x125xi32, #tpu.memory_space<hbm>> -> memref<2x125xi32, #tpu.memory_space<hbm>>
        tpu.wait_dma2 semaphore(%arg11 : memref<!tpu.dma_semaphore, #tpu.memory_space<semaphore_mem>>) src(%dma_wait3A_107 : memref<2x125xi32, #tpu.memory_space<hbm>>) dst(%arg6 : memref<2x125xi32, #tpu.memory_space<vmem>>)
        %dma_start3A_108 = arith.constant 0 : i32
        %dma_start3A_109 = arith.constant 0 : i32
        %dma_start3A_110 = tpu.memref_slice %arg6[%dma_start3A_108, %dma_start3A_109] : memref<2x125xi32, #tpu.memory_space<vmem>> -> memref<1x125xi32, #tpu.memory_space<vmem>>
        %dma_start3A_111 = tpu.memref_squeeze %dma_start3A_110 : memref<1x125xi32, #tpu.memory_space<vmem>> -> memref<125xi32, #tpu.memory_space<vmem>>
        %dma_start3A_112 = arith.constant 0 : i32
        %dma_start3A_113 = arith.constant 0 : i32
        %dma_start3A_114 = tpu.memref_slice %arg2[%dma_start3A_112, %dma_start3A_113] : memref<10000x128xf32, #tpu.memory_space<hbm>> -> memref<10000x128xf32, #tpu.memory_space<hbm>>
        tpu.enqueue_indirect_dma source(%dma_start3A_114 : memref<10000x128xf32, #tpu.memory_space<hbm>>) target(%arg8 : memref<125x128xf32, #tpu.memory_space<vmem>>) offsets(%dma_start3A_111 : memref<125xi32, #tpu.memory_space<vmem>>) semaphore(%arg13 : memref<!tpu.dma_semaphore, #tpu.memory_space<semaphore_mem>>)
      } else {
      }
      %dma_wait3A_82 = arith.constant 0 : i32
      %dma_wait3A_83 = arith.constant 0 : i32
      %dma_wait3A_84 = tpu.memref_slice %arg7[%dma_wait3A_82, %dma_wait3A_83] : memref<2x125xi32, #tpu.memory_space<vmem>> -> memref<1x125xi32, #tpu.memory_space<vmem>>
      %dma_wait3A_85 = tpu.memref_squeeze %dma_wait3A_84 : memref<1x125xi32, #tpu.memory_space<vmem>> -> memref<125xi32, #tpu.memory_space<vmem>>
      %dma_wait3A_86 = arith.constant 0 : i32
      %dma_wait3A_87 = arith.constant 0 : i32
      %dma_wait3A_88 = tpu.memref_slice %arg2[%dma_wait3A_86, %dma_wait3A_87] : memref<10000x128xf32, #tpu.memory_space<hbm>> -> memref<10000x128xf32, #tpu.memory_space<hbm>>
      tpu.wait_indirect_dma semaphore(%arg14 : memref<!tpu.dma_semaphore, #tpu.memory_space<semaphore_mem>>) src(%dma_wait3A_88 : memref<10000x128xf32, #tpu.memory_space<hbm>>) dst(%arg9 : memref<125x128xf32, #tpu.memory_space<vmem>>)
      %run_scoped3A_89 = arith.constant 1 : i32
      "tpu.region"() ({
        %run_scoped3A_97 = tpu.sem_alloc : memref<!tpu.dma_semaphore, #tpu.memory_space<semaphore_mem>>
        %dma_start3A_98 = arith.constant 0 : i32
        %dma_start3A_99 = tpu.memref_slice %arg7[%run_scoped3A_89, %dma_start3A_98] : memref<2x125xi32, #tpu.memory_space<vmem>> -> memref<1x125xi32, #tpu.memory_space<vmem>>
        %dma_start3A_100 = tpu.memref_squeeze %dma_start3A_99 : memref<1x125xi32, #tpu.memory_space<vmem>> -> memref<125xi32, #tpu.memory_space<vmem>>
        %dma_start3A_101 = arith.constant 0 : i32
        %dma_start3A_102 = arith.constant 0 : i32
        %dma_start3A_103 = tpu.memref_slice %arg10[%dma_start3A_101, %dma_start3A_102] : memref<10000x128xf32, #tpu.memory_space<vmem_shared>> -> memref<10000x128xf32, #tpu.memory_space<vmem_shared>>
        tpu.enqueue_indirect_dma source(%arg9 : memref<125x128xf32, #tpu.memory_space<vmem>>) target(%dma_start3A_103 : memref<10000x128xf32, #tpu.memory_space<vmem_shared>>) offsets(%dma_start3A_100 : memref<125xi32, #tpu.memory_space<vmem>>) semaphore(%run_scoped3A_97 : memref<!tpu.dma_semaphore, #tpu.memory_space<semaphore_mem>>) {add = true}
        %dma_wait3A_104 = arith.constant 0 : i32
        %dma_wait3A_105 = tpu.memref_slice %arg7[%run_scoped3A_89, %dma_wait3A_104] : memref<2x125xi32, #tpu.memory_space<vmem>> -> memref<1x125xi32, #tpu.memory_space<vmem>>
        %dma_wait3A_106 = tpu.memref_squeeze %dma_wait3A_105 : memref<1x125xi32, #tpu.memory_space<vmem>> -> memref<125xi32, #tpu.memory_space<vmem>>
        %dma_wait3A_107 = arith.constant 0 : i32
        %dma_wait3A_108 = arith.constant 0 : i32
        %dma_wait3A_109 = tpu.memref_slice %arg10[%dma_wait3A_107, %dma_wait3A_108] : memref<10000x128xf32, #tpu.memory_space<vmem_shared>> -> memref<10000x128xf32, #tpu.memory_space<vmem_shared>>
        tpu.wait_indirect_dma semaphore(%run_scoped3A_97 : memref<!tpu.dma_semaphore, #tpu.memory_space<semaphore_mem>>) src(%arg9 : memref<125x128xf32, #tpu.memory_space<vmem>>) dst(%dma_wait3A_109 : memref<10000x128xf32, #tpu.memory_space<vmem_shared>>)
        tpu.yield
      }) : () -> ()
      %add3A_90 = arith.constant 2 : i32
      %add3A_91 = arith.addi %add3A_74, %add3A_90 : i32
      %lt3A_92 = arith.constant 80 : i32
      %lt3A_93 = arith.cmpi slt, %add3A_91, %lt3A_92 : i32
      %convert_element_type3A_94 = arith.extui %lt3A_93 : i1 to i32
      %cond3A_95 = arith.constant 0 : i32
      %cond3A_96 = arith.cmpi ne, %convert_element_type3A_94, %cond3A_95 : i32
      scf.if %cond3A_96 {
        %add3A_97 = arith.addi %mul3A_10, %add3A_74 : i32
        %add3A_98 = arith.constant 2 : i32
        %add3A_99 = arith.addi %add3A_97, %add3A_98 : i32
        %dma_start3A_100 = arith.constant 0 : i32
        %dma_start3A_101 = arith.constant 0 : i32
        %dma_start3A_102 = tpu.memref_slice %arg4[%add3A_99, %dma_start3A_100, %dma_start3A_101] : memref<2560x2x125xi32, #tpu.memory_space<hbm>> -> memref<1x2x125xi32, #tpu.memory_space<hbm>>
        %dma_start3A_103 = tpu.memref_squeeze %dma_start3A_102 : memref<1x2x125xi32, #tpu.memory_space<hbm>> -> memref<2x125xi32, #tpu.memory_space<hbm>>
        %dma_start3A_104 = arith.constant 0 : i32
        %dma_start3A_105 = arith.constant 0 : i32
        %dma_start3A_106 = tpu.memref_slice %arg4[%add3A_99, %dma_start3A_104, %dma_start3A_105] : memref<2560x2x125xi32, #tpu.memory_space<hbm>> -> memref<1x2x125xi32, #tpu.memory_space<hbm>>
        %dma_start3A_107 = tpu.memref_squeeze %dma_start3A_106 : memref<1x2x125xi32, #tpu.memory_space<hbm>> -> memref<2x125xi32, #tpu.memory_space<hbm>>
        tpu.enqueue_dma source(%dma_start3A_107 : memref<2x125xi32, #tpu.memory_space<hbm>>) target(%arg7 : memref<2x125xi32, #tpu.memory_space<vmem>>) target_semaphore(%arg12 : memref<!tpu.dma_semaphore, #tpu.memory_space<semaphore_mem>>)
      } else {
      }
    }
    %scan3A_46 = arith.constant 40 : i32
    %barrier3A_47 = arith.constant 0 : index
    tpu.barrier barrier_id(%barrier3A_47)
    "tpu.region"() ({
      %run_scoped3A = tpu.sem_alloc : memref<!tpu.dma_semaphore, #tpu.memory_space<semaphore_mem>>
      %dma_start3A_48 = arith.constant 0 : i32
      %dma_start3A_49 = tpu.memref_slice %arg5[%arg0, %mul3A_0, %dma_start3A_48] : memref<2x10000x128xf32, #tpu.memory_space<hbm>> -> memref<1x625x128xf32, #tpu.memory_space<hbm>>
      %dma_start3A_50 = tpu.memref_squeeze %dma_start3A_49 : memref<1x625x128xf32, #tpu.memory_space<hbm>> -> memref<625x128xf32, #tpu.memory_space<hbm>>
      %dma_start3A_51 = arith.constant 0 : i32
      %dma_start3A_52 = tpu.memref_slice %arg10[%mul3A_0, %dma_start3A_51] : memref<10000x128xf32, #tpu.memory_space<vmem_shared>> -> memref<625x128xf32, #tpu.memory_space<vmem_shared>>
      tpu.enqueue_dma source(%dma_start3A_52 : memref<625x128xf32, #tpu.memory_space<vmem_shared>>) target(%dma_start3A_50 : memref<625x128xf32, #tpu.memory_space<hbm>>) target_semaphore(%run_scoped3A : memref<!tpu.dma_semaphore, #tpu.memory_space<semaphore_mem>>)
      %dma_wait3A_53 = arith.constant 0 : i32
      %dma_wait3A_54 = tpu.memref_slice %arg5[%arg0, %mul3A_0, %dma_wait3A_53] : memref<2x10000x128xf32, #tpu.memory_space<hbm>> -> memref<1x625x128xf32, #tpu.memory_space<hbm>>
      %dma_wait3A_55 = tpu.memref_squeeze %dma_wait3A_54 : memref<1x625x128xf32, #tpu.memory_space<hbm>> -> memref<625x128xf32, #tpu.memory_space<hbm>>
      %dma_wait3A_56 = arith.constant 0 : i32
      %dma_wait3A_57 = tpu.memref_slice %arg10[%mul3A_0, %dma_wait3A_56] : memref<10000x128xf32, #tpu.memory_space<vmem_shared>> -> memref<625x128xf32, #tpu.memory_space<vmem_shared>>
      tpu.wait_dma2 semaphore(%run_scoped3A : memref<!tpu.dma_semaphore, #tpu.memory_space<semaphore_mem>>) src(%dma_wait3A_57 : memref<625x128xf32, #tpu.memory_space<vmem_shared>>) dst(%dma_wait3A_55 : memref<625x128xf32, #tpu.memory_space<hbm>>)
      tpu.yield
    }) : () -> ()
    return
  }
}

#map = affine_map<(d0, d1) -> (0, 0)>
#map1 = affine_map<(d0, d1) -> (0, 0, 0)>
module attributes {stable_mosaic.version = 14 : i64} {
  func.func @spmm_kernel(%arg0: i32, %arg1: i32, %arg2: memref<10000x128xf32, #tpu.memory_space<hbm>>, %arg3: memref<10000x128xf32, #tpu.memory_space<hbm>>, %arg4: memref<2560x2x125xi32, #tpu.memory_space<hbm>>, %arg5: memref<2x10000x128xf32, #tpu.memory_space<hbm>>, %arg6: memref<2x125xi32, #tpu.memory_space<vmem>>, %arg7: memref<2x125xi32, #tpu.memory_space<vmem>>, %arg8: memref<125x128xf32, #tpu.memory_space<vmem>>, %arg9: memref<125x128xf32, #tpu.memory_space<vmem>>, %arg10: memref<10000x128xf32, #tpu.memory_space<vmem_shared>>, %arg11: memref<!tpu.dma_semaphore, #tpu.memory_space<semaphore_mem>>, %arg12: memref<!tpu.dma_semaphore, #tpu.memory_space<semaphore_mem>>, %arg13: memref<!tpu.dma_semaphore, #tpu.memory_space<semaphore_mem>>, %arg14: memref<!tpu.dma_semaphore, #tpu.memory_space<semaphore_mem>>) attributes {dimension_semantics = [#tpu.dimension_semantics<core_parallel>, #tpu.dimension_semantics<subcore_parallel>], iteration_bounds = array<i64: 2, 16>, scalar_prefetch = 0 : i64, scratch_operands = 9 : i64, tpu.core_type = #tpu.core_type<sc_vector_subcore>, window_params = [{transform_indices = #map}, {transform_indices = #map}, {transform_indices = #map1}, {transform_indices = #map1}]} {
    %mul3A = arith.constant 625 : i32
    %mul3A_0 = arith.muli %arg1, %mul3A : i32
    %eq3A = arith.constant 0 : i32
    %eq3A_1 = arith.cmpi eq, %arg0, %eq3A : i32
    %convert_element_type3A = arith.extui %eq3A_1 : i1 to i32
    %cond3A = arith.constant 0 : i32
    %cond3A_2 = arith.cmpi ne, %convert_element_type3A, %cond3A : i32
    scf.if %cond3A_2 {
      "tpu.region"() ({
        %run_scoped3A = tpu.sem_alloc : memref<!tpu.dma_semaphore, #tpu.memory_space<semaphore_mem>>
        %dma_start3A_48 = arith.constant 0 : i32
        %dma_start3A_49 = tpu.memref_slice %arg10[%mul3A_0, %dma_start3A_48] : memref<10000x128xf32, #tpu.memory_space<vmem_shared>> -> memref<625x128xf32, #tpu.memory_space<vmem_shared>>
        %dma_start3A_50 = arith.constant 0 : i32
        %dma_start3A_51 = tpu.memref_slice %arg2[%mul3A_0, %dma_start3A_50] : memref<10000x128xf32, #tpu.memory_space<hbm>> -> memref<625x128xf32, #tpu.memory_space<hbm>>
        tpu.enqueue_dma source(%dma_start3A_51 : memref<625x128xf32, #tpu.memory_space<hbm>>) target(%dma_start3A_49 : memref<625x128xf32, #tpu.memory_space<vmem_shared>>) target_semaphore(%run_scoped3A : memref<!tpu.dma_semaphore, #tpu.memory_space<semaphore_mem>>)
        %dma_wait3A_52 = arith.constant 0 : i32
        %dma_wait3A_53 = tpu.memref_slice %arg10[%mul3A_0, %dma_wait3A_52] : memref<10000x128xf32, #tpu.memory_space<vmem_shared>> -> memref<625x128xf32, #tpu.memory_space<vmem_shared>>
        %dma_wait3A_54 = arith.constant 0 : i32
        %dma_wait3A_55 = tpu.memref_slice %arg2[%mul3A_0, %dma_wait3A_54] : memref<10000x128xf32, #tpu.memory_space<hbm>> -> memref<625x128xf32, #tpu.memory_space<hbm>>
        tpu.wait_dma2 semaphore(%run_scoped3A : memref<!tpu.dma_semaphore, #tpu.memory_space<semaphore_mem>>) src(%dma_wait3A_55 : memref<625x128xf32, #tpu.memory_space<hbm>>) dst(%dma_wait3A_53 : memref<625x128xf32, #tpu.memory_space<vmem_shared>>)
        tpu.yield
      }) : () -> ()
    } else {
    }
    %ne3A = arith.constant 0 : i32
    %ne3A_3 = arith.cmpi ne, %arg0, %ne3A : i32
    %convert_element_type3A_4 = arith.extui %ne3A_3 : i1 to i32
    %cond3A_5 = arith.constant 0 : i32
    %cond3A_6 = arith.cmpi ne, %convert_element_type3A_4, %cond3A_5 : i32
    scf.if %cond3A_6 {
      "tpu.region"() ({
        %run_scoped3A = tpu.sem_alloc : memref<!tpu.dma_semaphore, #tpu.memory_space<semaphore_mem>>
        %dma_start3A_48 = arith.constant 0 : i32
        %dma_start3A_49 = tpu.memref_slice %arg10[%mul3A_0, %dma_start3A_48] : memref<10000x128xf32, #tpu.memory_space<vmem_shared>> -> memref<625x128xf32, #tpu.memory_space<vmem_shared>>
        %dma_start3A_50 = arith.constant 0 : i32
        %dma_start3A_51 = tpu.memref_slice %arg3[%mul3A_0, %dma_start3A_50] : memref<10000x128xf32, #tpu.memory_space<hbm>> -> memref<625x128xf32, #tpu.memory_space<hbm>>
        tpu.enqueue_dma source(%dma_start3A_51 : memref<625x128xf32, #tpu.memory_space<hbm>>) target(%dma_start3A_49 : memref<625x128xf32, #tpu.memory_space<vmem_shared>>) target_semaphore(%run_scoped3A : memref<!tpu.dma_semaphore, #tpu.memory_space<semaphore_mem>>)
        %dma_wait3A_52 = arith.constant 0 : i32
        %dma_wait3A_53 = tpu.memref_slice %arg10[%mul3A_0, %dma_wait3A_52] : memref<10000x128xf32, #tpu.memory_space<vmem_shared>> -> memref<625x128xf32, #tpu.memory_space<vmem_shared>>
        %dma_wait3A_54 = arith.constant 0 : i32
        %dma_wait3A_55 = tpu.memref_slice %arg3[%mul3A_0, %dma_wait3A_54] : memref<10000x128xf32, #tpu.memory_space<hbm>> -> memref<625x128xf32, #tpu.memory_space<hbm>>
        tpu.wait_dma2 semaphore(%run_scoped3A : memref<!tpu.dma_semaphore, #tpu.memory_space<semaphore_mem>>) src(%dma_wait3A_55 : memref<625x128xf32, #tpu.memory_space<hbm>>) dst(%dma_wait3A_53 : memref<625x128xf32, #tpu.memory_space<vmem_shared>>)
        tpu.yield
      }) : () -> ()
    } else {
    }
    %barrier3A = arith.constant 0 : index
    tpu.barrier barrier_id(%barrier3A)
    %mul3A_7 = arith.constant 16 : i32
    %mul3A_8 = arith.muli %arg0, %mul3A_7 : i32
    %add3A = arith.addi %mul3A_8, %arg1 : i32
    %mul3A_9 = arith.constant 80 : i32
    %mul3A_10 = arith.muli %add3A, %mul3A_9 : i32
    %dma_start3A = arith.constant 0 : i32
    %dma_start3A_11 = arith.constant 0 : i32
    %dma_start3A_12 = tpu.memref_slice %arg4[%mul3A_10, %dma_start3A, %dma_start3A_11] : memref<2560x2x125xi32, #tpu.memory_space<hbm>> -> memref<1x2x125xi32, #tpu.memory_space<hbm>>
    %dma_start3A_13 = tpu.memref_squeeze %dma_start3A_12 : memref<1x2x125xi32, #tpu.memory_space<hbm>> -> memref<2x125xi32, #tpu.memory_space<hbm>>
    %dma_start3A_14 = arith.constant 0 : i32
    %dma_start3A_15 = arith.constant 0 : i32
    %dma_start3A_16 = tpu.memref_slice %arg4[%mul3A_10, %dma_start3A_14, %dma_start3A_15] : memref<2560x2x125xi32, #tpu.memory_space<hbm>> -> memref<1x2x125xi32, #tpu.memory_space<hbm>>
    %dma_start3A_17 = tpu.memref_squeeze %dma_start3A_16 : memref<1x2x125xi32, #tpu.memory_space<hbm>> -> memref<2x125xi32, #tpu.memory_space<hbm>>
    tpu.enqueue_dma source(%dma_start3A_17 : memref<2x125xi32, #tpu.memory_space<hbm>>) target(%arg6 : memref<2x125xi32, #tpu.memory_space<vmem>>) target_semaphore(%arg11 : memref<!tpu.dma_semaphore, #tpu.memory_space<semaphore_mem>>)
    %add3A_18 = arith.constant 1 : i32
    %add3A_19 = arith.addi %mul3A_10, %add3A_18 : i32
    %dma_start3A_20 = arith.constant 0 : i32
    %dma_start3A_21 = arith.constant 0 : i32
    %dma_start3A_22 = tpu.memref_slice %arg4[%add3A_19, %dma_start3A_20, %dma_start3A_21] : memref<2560x2x125xi32, #tpu.memory_space<hbm>> -> memref<1x2x125xi32, #tpu.memory_space<hbm>>
    %dma_start3A_23 = tpu.memref_squeeze %dma_start3A_22 : memref<1x2x125xi32, #tpu.memory_space<hbm>> -> memref<2x125xi32, #tpu.memory_space<hbm>>
    %dma_start3A_24 = arith.constant 0 : i32
    %dma_start3A_25 = arith.constant 0 : i32
    %dma_start3A_26 = tpu.memref_slice %arg4[%add3A_19, %dma_start3A_24, %dma_start3A_25] : memref<2560x2x125xi32, #tpu.memory_space<hbm>> -> memref<1x2x125xi32, #tpu.memory_space<hbm>>
    %dma_start3A_27 = tpu.memref_squeeze %dma_start3A_26 : memref<1x2x125xi32, #tpu.memory_space<hbm>> -> memref<2x125xi32, #tpu.memory_space<hbm>>
    tpu.enqueue_dma source(%dma_start3A_27 : memref<2x125xi32, #tpu.memory_space<hbm>>) target(%arg7 : memref<2x125xi32, #tpu.memory_space<vmem>>) target_semaphore(%arg12 : memref<!tpu.dma_semaphore, #tpu.memory_space<semaphore_mem>>)
    %dma_wait3A = arith.constant 0 : i32
    %dma_wait3A_28 = arith.constant 0 : i32
    %dma_wait3A_29 = tpu.memref_slice %arg4[%mul3A_10, %dma_wait3A, %dma_wait3A_28] : memref<2560x2x125xi32, #tpu.memory_space<hbm>> -> memref<1x2x125xi32, #tpu.memory_space<hbm>>
    %dma_wait3A_30 = tpu.memref_squeeze %dma_wait3A_29 : memref<1x2x125xi32, #tpu.memory_space<hbm>> -> memref<2x125xi32, #tpu.memory_space<hbm>>
    %dma_wait3A_31 = arith.constant 0 : i32
    %dma_wait3A_32 = arith.constant 0 : i32
    %dma_wait3A_33 = tpu.memref_slice %arg4[%mul3A_10, %dma_wait3A_31, %dma_wait3A_32] : memref<2560x2x125xi32, #tpu.memory_space<hbm>> -> memref<1x2x125xi32, #tpu.memory_space<hbm>>
    %dma_wait3A_34 = tpu.memref_squeeze %dma_wait3A_33 : memref<1x2x125xi32, #tpu.memory_space<hbm>> -> memref<2x125xi32, #tpu.memory_space<hbm>>
    tpu.wait_dma2 semaphore(%arg11 : memref<!tpu.dma_semaphore, #tpu.memory_space<semaphore_mem>>) src(%dma_wait3A_34 : memref<2x125xi32, #tpu.memory_space<hbm>>) dst(%arg6 : memref<2x125xi32, #tpu.memory_space<vmem>>)
    %dma_start3A_35 = arith.constant 0 : i32
    %dma_start3A_36 = arith.constant 0 : i32
    %dma_start3A_37 = tpu.memref_slice %arg6[%dma_start3A_35, %dma_start3A_36] : memref<2x125xi32, #tpu.memory_space<vmem>> -> memref<1x125xi32, #tpu.memory_space<vmem>>
    %dma_start3A_38 = tpu.memref_squeeze %dma_start3A_37 : memref<1x125xi32, #tpu.memory_space<vmem>> -> memref<125xi32, #tpu.memory_space<vmem>>
    %dma_start3A_39 = arith.constant 0 : i32
    %dma_start3A_40 = arith.constant 0 : i32
    %dma_start3A_41 = tpu.memref_slice %arg2[%dma_start3A_39, %dma_start3A_40] : memref<10000x128xf32, #tpu.memory_space<hbm>> -> memref<10000x128xf32, #tpu.memory_space<hbm>>
    tpu.enqueue_indirect_dma source(%dma_start3A_41 : memref<10000x128xf32, #tpu.memory_space<hbm>>) target(%arg8 : memref<125x128xf32, #tpu.memory_space<vmem>>) offsets(%dma_start3A_38 : memref<125xi32, #tpu.memory_space<vmem>>) semaphore(%arg13 : memref<!tpu.dma_semaphore, #tpu.memory_space<semaphore_mem>>)
    %scan3A = arith.constant 0 : i32
    %scan3A_42 = arith.constant 0 : i32
    %scan3A_43 = arith.constant 40 : i32
    %scan3A_44 = arith.addi %scan3A_42, %scan3A_43 : i32
    %scan3A_45 = arith.constant 1 : i32
    scf.for %scan3A_48 = %scan3A_42 to %scan3A_44 step %scan3A_45  : i32 {
      %mul3A_49 = arith.constant 2 : i32
      %mul3A_50 = arith.muli %mul3A_49, %scan3A_48 : i32
      %add3A_51 = arith.constant 1 : i32
      %add3A_52 = arith.addi %mul3A_50, %add3A_51 : i32
      %lt3A = arith.constant 80 : i32
      %lt3A_53 = arith.cmpi slt, %add3A_52, %lt3A : i32
      %convert_element_type3A_54 = arith.extui %lt3A_53 : i1 to i32
      %cond3A_55 = arith.constant 0 : i32
      %cond3A_56 = arith.cmpi ne, %convert_element_type3A_54, %cond3A_55 : i32
      scf.if %cond3A_56 {
        %add3A_97 = arith.addi %mul3A_10, %mul3A_50 : i32
        %add3A_98 = arith.constant 1 : i32
        %add3A_99 = arith.addi %add3A_97, %add3A_98 : i32
        %dma_wait3A_100 = arith.constant 0 : i32
        %dma_wait3A_101 = arith.constant 0 : i32
        %dma_wait3A_102 = tpu.memref_slice %arg4[%add3A_99, %dma_wait3A_100, %dma_wait3A_101] : memref<2560x2x125xi32, #tpu.memory_space<hbm>> -> memref<1x2x125xi32, #tpu.memory_space<hbm>>
        %dma_wait3A_103 = tpu.memref_squeeze %dma_wait3A_102 : memref<1x2x125xi32, #tpu.memory_space<hbm>> -> memref<2x125xi32, #tpu.memory_space<hbm>>
        %dma_wait3A_104 = arith.constant 0 : i32
        %dma_wait3A_105 = arith.constant 0 : i32
        %dma_wait3A_106 = tpu.memref_slice %arg4[%add3A_99, %dma_wait3A_104, %dma_wait3A_105] : memref<2560x2x125xi32, #tpu.memory_space<hbm>> -> memref<1x2x125xi32, #tpu.memory_space<hbm>>
        %dma_wait3A_107 = tpu.memref_squeeze %dma_wait3A_106 : memref<1x2x125xi32, #tpu.memory_space<hbm>> -> memref<2x125xi32, #tpu.memory_space<hbm>>
        tpu.wait_dma2 semaphore(%arg12 : memref<!tpu.dma_semaphore, #tpu.memory_space<semaphore_mem>>) src(%dma_wait3A_107 : memref<2x125xi32, #tpu.memory_space<hbm>>) dst(%arg7 : memref<2x125xi32, #tpu.memory_space<vmem>>)
        %dma_start3A_108 = arith.constant 0 : i32
        %dma_start3A_109 = arith.constant 0 : i32
        %dma_start3A_110 = tpu.memref_slice %arg7[%dma_start3A_108, %dma_start3A_109] : memref<2x125xi32, #tpu.memory_space<vmem>> -> memref<1x125xi32, #tpu.memory_space<vmem>>
        %dma_start3A_111 = tpu.memref_squeeze %dma_start3A_110 : memref<1x125xi32, #tpu.memory_space<vmem>> -> memref<125xi32, #tpu.memory_space<vmem>>
        %dma_start3A_112 = arith.constant 0 : i32
        %dma_start3A_113 = arith.constant 0 : i32
        %dma_start3A_114 = tpu.memref_slice %arg2[%dma_start3A_112, %dma_start3A_113] : memref<10000x128xf32, #tpu.memory_space<hbm>> -> memref<10000x128xf32, #tpu.memory_space<hbm>>
        tpu.enqueue_indirect_dma source(%dma_start3A_114 : memref<10000x128xf32, #tpu.memory_space<hbm>>) target(%arg9 : memref<125x128xf32, #tpu.memory_space<vmem>>) offsets(%dma_start3A_111 : memref<125xi32, #tpu.memory_space<vmem>>) semaphore(%arg14 : memref<!tpu.dma_semaphore, #tpu.memory_space<semaphore_mem>>)
      } else {
      }
      %dma_wait3A_57 = arith.constant 0 : i32
      %dma_wait3A_58 = arith.constant 0 : i32
      %dma_wait3A_59 = tpu.memref_slice %arg6[%dma_wait3A_57, %dma_wait3A_58] : memref<2x125xi32, #tpu.memory_space<vmem>> -> memref<1x125xi32, #tpu.memory_space<vmem>>
      %dma_wait3A_60 = tpu.memref_squeeze %dma_wait3A_59 : memref<1x125xi32, #tpu.memory_space<vmem>> -> memref<125xi32, #tpu.memory_space<vmem>>
      %dma_wait3A_61 = arith.constant 0 : i32
      %dma_wait3A_62 = arith.constant 0 : i32
      %dma_wait3A_63 = tpu.memref_slice %arg2[%dma_wait3A_61, %dma_wait3A_62] : memref<10000x128xf32, #tpu.memory_space<hbm>> -> memref<10000x128xf32, #tpu.memory_space<hbm>>
      tpu.wait_indirect_dma semaphore(%arg13 : memref<!tpu.dma_semaphore, #tpu.memory_space<semaphore_mem>>) src(%dma_wait3A_63 : memref<10000x128xf32, #tpu.memory_space<hbm>>) dst(%arg8 : memref<125x128xf32, #tpu.memory_space<vmem>>)
      %run_scoped3A = arith.constant 1 : i32
      "tpu.region"() ({
        %run_scoped3A_97 = tpu.sem_alloc : memref<!tpu.dma_semaphore, #tpu.memory_space<semaphore_mem>>
        %dma_start3A_98 = arith.constant 0 : i32
        %dma_start3A_99 = tpu.memref_slice %arg6[%run_scoped3A, %dma_start3A_98] : memref<2x125xi32, #tpu.memory_space<vmem>> -> memref<1x125xi32, #tpu.memory_space<vmem>>
        %dma_start3A_100 = tpu.memref_squeeze %dma_start3A_99 : memref<1x125xi32, #tpu.memory_space<vmem>> -> memref<125xi32, #tpu.memory_space<vmem>>
        %dma_start3A_101 = arith.constant 0 : i32
        %dma_start3A_102 = arith.constant 0 : i32
        %dma_start3A_103 = tpu.memref_slice %arg10[%dma_start3A_101, %dma_start3A_102] : memref<10000x128xf32, #tpu.memory_space<vmem_shared>> -> memref<10000x128xf32, #tpu.memory_space<vmem_shared>>
        tpu.enqueue_indirect_dma source(%arg8 : memref<125x128xf32, #tpu.memory_space<vmem>>) target(%dma_start3A_103 : memref<10000x128xf32, #tpu.memory_space<vmem_shared>>) offsets(%dma_start3A_100 : memref<125xi32, #tpu.memory_space<vmem>>) semaphore(%run_scoped3A_97 : memref<!tpu.dma_semaphore, #tpu.memory_space<semaphore_mem>>) {add = true}
        %dma_wait3A_104 = arith.constant 0 : i32
        %dma_wait3A_105 = tpu.memref_slice %arg6[%run_scoped3A, %dma_wait3A_104] : memref<2x125xi32, #tpu.memory_space<vmem>> -> memref<1x125xi32, #tpu.memory_space<vmem>>
        %dma_wait3A_106 = tpu.memref_squeeze %dma_wait3A_105 : memref<1x125xi32, #tpu.memory_space<vmem>> -> memref<125xi32, #tpu.memory_space<vmem>>
        %dma_wait3A_107 = arith.constant 0 : i32
        %dma_wait3A_108 = arith.constant 0 : i32
        %dma_wait3A_109 = tpu.memref_slice %arg10[%dma_wait3A_107, %dma_wait3A_108] : memref<10000x128xf32, #tpu.memory_space<vmem_shared>> -> memref<10000x128xf32, #tpu.memory_space<vmem_shared>>
        tpu.wait_indirect_dma semaphore(%run_scoped3A_97 : memref<!tpu.dma_semaphore, #tpu.memory_space<semaphore_mem>>) src(%arg8 : memref<125x128xf32, #tpu.memory_space<vmem>>) dst(%dma_wait3A_109 : memref<10000x128xf32, #tpu.memory_space<vmem_shared>>)
        tpu.yield
      }) : () -> ()
      %add3A_64 = arith.constant 2 : i32
      %add3A_65 = arith.addi %mul3A_50, %add3A_64 : i32
      %lt3A_66 = arith.constant 80 : i32
      %lt3A_67 = arith.cmpi slt, %add3A_65, %lt3A_66 : i32
      %convert_element_type3A_68 = arith.extui %lt3A_67 : i1 to i32
      %cond3A_69 = arith.constant 0 : i32
      %cond3A_70 = arith.cmpi ne, %convert_element_type3A_68, %cond3A_69 : i32
      scf.if %cond3A_70 {
        %add3A_97 = arith.addi %mul3A_10, %mul3A_50 : i32
        %add3A_98 = arith.constant 2 : i32
        %add3A_99 = arith.addi %add3A_97, %add3A_98 : i32
        %dma_start3A_100 = arith.constant 0 : i32
        %dma_start3A_101 = arith.constant 0 : i32
        %dma_start3A_102 = tpu.memref_slice %arg4[%add3A_99, %dma_start3A_100, %dma_start3A_101] : memref<2560x2x125xi32, #tpu.memory_space<hbm>> -> memref<1x2x125xi32, #tpu.memory_space<hbm>>
        %dma_start3A_103 = tpu.memref_squeeze %dma_start3A_102 : memref<1x2x125xi32, #tpu.memory_space<hbm>> -> memref<2x125xi32, #tpu.memory_space<hbm>>
        %dma_start3A_104 = arith.constant 0 : i32
        %dma_start3A_105 = arith.constant 0 : i32
        %dma_start3A_106 = tpu.memref_slice %arg4[%add3A_99, %dma_start3A_104, %dma_start3A_105] : memref<2560x2x125xi32, #tpu.memory_space<hbm>> -> memref<1x2x125xi32, #tpu.memory_space<hbm>>
        %dma_start3A_107 = tpu.memref_squeeze %dma_start3A_106 : memref<1x2x125xi32, #tpu.memory_space<hbm>> -> memref<2x125xi32, #tpu.memory_space<hbm>>
        tpu.enqueue_dma source(%dma_start3A_107 : memref<2x125xi32, #tpu.memory_space<hbm>>) target(%arg6 : memref<2x125xi32, #tpu.memory_space<vmem>>) target_semaphore(%arg11 : memref<!tpu.dma_semaphore, #tpu.memory_space<semaphore_mem>>)
      } else {
      }
      %mul3A_71 = arith.constant 2 : i32
      %mul3A_72 = arith.muli %mul3A_71, %scan3A_48 : i32
      %add3A_73 = arith.constant 1 : i32
      %add3A_74 = arith.addi %mul3A_72, %add3A_73 : i32
      %add3A_75 = arith.constant 1 : i32
      %add3A_76 = arith.addi %add3A_74, %add3A_75 : i32
      %lt3A_77 = arith.constant 80 : i32
      %lt3A_78 = arith.cmpi slt, %add3A_76, %lt3A_77 : i32
      %convert_element_type3A_79 = arith.extui %lt3A_78 : i1 to i32
      %cond3A_80 = arith.constant 0 : i32
      %cond3A_81 = arith.cmpi ne, %convert_element_type3A_79, %cond3A_80 : i32
      scf.if %cond3A_81 {
        %add3A_97 = arith.addi %mul3A_10, %add3A_74 : i32
        %add3A_98 = arith.constant 1 : i32
        %add3A_99 = arith.addi %add3A_97, %add3A_98 : i32
        %dma_wait3A_100 = arith.constant 0 : i32
        %dma_wait3A_101 = arith.constant 0 : i32
        %dma_wait3A_102 = tpu.memref_slice %arg4[%add3A_99, %dma_wait3A_100, %dma_wait3A_101] : memref<2560x2x125xi32, #tpu.memory_space<hbm>> -> memref<1x2x125xi32, #tpu.memory_space<hbm>>
        %dma_wait3A_103 = tpu.memref_squeeze %dma_wait3A_102 : memref<1x2x125xi32, #tpu.memory_space<hbm>> -> memref<2x125xi32, #tpu.memory_space<hbm>>
        %dma_wait3A_104 = arith.constant 0 : i32
        %dma_wait3A_105 = arith.constant 0 : i32
        %dma_wait3A_106 = tpu.memref_slice %arg4[%add3A_99, %dma_wait3A_104, %dma_wait3A_105] : memref<2560x2x125xi32, #tpu.memory_space<hbm>> -> memref<1x2x125xi32, #tpu.memory_space<hbm>>
        %dma_wait3A_107 = tpu.memref_squeeze %dma_wait3A_106 : memref<1x2x125xi32, #tpu.memory_space<hbm>> -> memref<2x125xi32, #tpu.memory_space<hbm>>
        tpu.wait_dma2 semaphore(%arg11 : memref<!tpu.dma_semaphore, #tpu.memory_space<semaphore_mem>>) src(%dma_wait3A_107 : memref<2x125xi32, #tpu.memory_space<hbm>>) dst(%arg6 : memref<2x125xi32, #tpu.memory_space<vmem>>)
        %dma_start3A_108 = arith.constant 0 : i32
        %dma_start3A_109 = arith.constant 0 : i32
        %dma_start3A_110 = tpu.memref_slice %arg6[%dma_start3A_108, %dma_start3A_109] : memref<2x125xi32, #tpu.memory_space<vmem>> -> memref<1x125xi32, #tpu.memory_space<vmem>>
        %dma_start3A_111 = tpu.memref_squeeze %dma_start3A_110 : memref<1x125xi32, #tpu.memory_space<vmem>> -> memref<125xi32, #tpu.memory_space<vmem>>
        %dma_start3A_112 = arith.constant 0 : i32
        %dma_start3A_113 = arith.constant 0 : i32
        %dma_start3A_114 = tpu.memref_slice %arg2[%dma_start3A_112, %dma_start3A_113] : memref<10000x128xf32, #tpu.memory_space<hbm>> -> memref<10000x128xf32, #tpu.memory_space<hbm>>
        tpu.enqueue_indirect_dma source(%dma_start3A_114 : memref<10000x128xf32, #tpu.memory_space<hbm>>) target(%arg8 : memref<125x128xf32, #tpu.memory_space<vmem>>) offsets(%dma_start3A_111 : memref<125xi32, #tpu.memory_space<vmem>>) semaphore(%arg13 : memref<!tpu.dma_semaphore, #tpu.memory_space<semaphore_mem>>)
      } else {
      }
      %dma_wait3A_82 = arith.constant 0 : i32
      %dma_wait3A_83 = arith.constant 0 : i32
      %dma_wait3A_84 = tpu.memref_slice %arg7[%dma_wait3A_82, %dma_wait3A_83] : memref<2x125xi32, #tpu.memory_space<vmem>> -> memref<1x125xi32, #tpu.memory_space<vmem>>
      %dma_wait3A_85 = tpu.memref_squeeze %dma_wait3A_84 : memref<1x125xi32, #tpu.memory_space<vmem>> -> memref<125xi32, #tpu.memory_space<vmem>>
      %dma_wait3A_86 = arith.constant 0 : i32
      %dma_wait3A_87 = arith.constant 0 : i32
      %dma_wait3A_88 = tpu.memref_slice %arg2[%dma_wait3A_86, %dma_wait3A_87] : memref<10000x128xf32, #tpu.memory_space<hbm>> -> memref<10000x128xf32, #tpu.memory_space<hbm>>
      tpu.wait_indirect_dma semaphore(%arg14 : memref<!tpu.dma_semaphore, #tpu.memory_space<semaphore_mem>>) src(%dma_wait3A_88 : memref<10000x128xf32, #tpu.memory_space<hbm>>) dst(%arg9 : memref<125x128xf32, #tpu.memory_space<vmem>>)
      %run_scoped3A_89 = arith.constant 1 : i32
      "tpu.region"() ({
        %run_scoped3A_97 = tpu.sem_alloc : memref<!tpu.dma_semaphore, #tpu.memory_space<semaphore_mem>>
        %dma_start3A_98 = arith.constant 0 : i32
        %dma_start3A_99 = tpu.memref_slice %arg7[%run_scoped3A_89, %dma_start3A_98] : memref<2x125xi32, #tpu.memory_space<vmem>> -> memref<1x125xi32, #tpu.memory_space<vmem>>
        %dma_start3A_100 = tpu.memref_squeeze %dma_start3A_99 : memref<1x125xi32, #tpu.memory_space<vmem>> -> memref<125xi32, #tpu.memory_space<vmem>>
        %dma_start3A_101 = arith.constant 0 : i32
        %dma_start3A_102 = arith.constant 0 : i32
        %dma_start3A_103 = tpu.memref_slice %arg10[%dma_start3A_101, %dma_start3A_102] : memref<10000x128xf32, #tpu.memory_space<vmem_shared>> -> memref<10000x128xf32, #tpu.memory_space<vmem_shared>>
        tpu.enqueue_indirect_dma source(%arg9 : memref<125x128xf32, #tpu.memory_space<vmem>>) target(%dma_start3A_103 : memref<10000x128xf32, #tpu.memory_space<vmem_shared>>) offsets(%dma_start3A_100 : memref<125xi32, #tpu.memory_space<vmem>>) semaphore(%run_scoped3A_97 : memref<!tpu.dma_semaphore, #tpu.memory_space<semaphore_mem>>) {add = true}
        %dma_wait3A_104 = arith.constant 0 : i32
        %dma_wait3A_105 = tpu.memref_slice %arg7[%run_scoped3A_89, %dma_wait3A_104] : memref<2x125xi32, #tpu.memory_space<vmem>> -> memref<1x125xi32, #tpu.memory_space<vmem>>
        %dma_wait3A_106 = tpu.memref_squeeze %dma_wait3A_105 : memref<1x125xi32, #tpu.memory_space<vmem>> -> memref<125xi32, #tpu.memory_space<vmem>>
        %dma_wait3A_107 = arith.constant 0 : i32
        %dma_wait3A_108 = arith.constant 0 : i32
        %dma_wait3A_109 = tpu.memref_slice %arg10[%dma_wait3A_107, %dma_wait3A_108] : memref<10000x128xf32, #tpu.memory_space<vmem_shared>> -> memref<10000x128xf32, #tpu.memory_space<vmem_shared>>
        tpu.wait_indirect_dma semaphore(%run_scoped3A_97 : memref<!tpu.dma_semaphore, #tpu.memory_space<semaphore_mem>>) src(%arg9 : memref<125x128xf32, #tpu.memory_space<vmem>>) dst(%dma_wait3A_109 : memref<10000x128xf32, #tpu.memory_space<vmem_shared>>)
        tpu.yield
      }) : () -> ()
      %add3A_90 = arith.constant 2 : i32
      %add3A_91 = arith.addi %add3A_74, %add3A_90 : i32
      %lt3A_92 = arith.constant 80 : i32
      %lt3A_93 = arith.cmpi slt, %add3A_91, %lt3A_92 : i32
      %convert_element_type3A_94 = arith.extui %lt3A_93 : i1 to i32
      %cond3A_95 = arith.constant 0 : i32
      %cond3A_96 = arith.cmpi ne, %convert_element_type3A_94, %cond3A_95 : i32
      scf.if %cond3A_96 {
        %add3A_97 = arith.addi %mul3A_10, %add3A_74 : i32
        %add3A_98 = arith.constant 2 : i32
        %add3A_99 = arith.addi %add3A_97, %add3A_98 : i32
        %dma_start3A_100 = arith.constant 0 : i32
        %dma_start3A_101 = arith.constant 0 : i32
        %dma_start3A_102 = tpu.memref_slice %arg4[%add3A_99, %dma_start3A_100, %dma_start3A_101] : memref<2560x2x125xi32, #tpu.memory_space<hbm>> -> memref<1x2x125xi32, #tpu.memory_space<hbm>>
        %dma_start3A_103 = tpu.memref_squeeze %dma_start3A_102 : memref<1x2x125xi32, #tpu.memory_space<hbm>> -> memref<2x125xi32, #tpu.memory_space<hbm>>
        %dma_start3A_104 = arith.constant 0 : i32
        %dma_start3A_105 = arith.constant 0 : i32
        %dma_start3A_106 = tpu.memref_slice %arg4[%add3A_99, %dma_start3A_104, %dma_start3A_105] : memref<2560x2x125xi32, #tpu.memory_space<hbm>> -> memref<1x2x125xi32, #tpu.memory_space<hbm>>
        %dma_start3A_107 = tpu.memref_squeeze %dma_start3A_106 : memref<1x2x125xi32, #tpu.memory_space<hbm>> -> memref<2x125xi32, #tpu.memory_space<hbm>>
        tpu.enqueue_dma source(%dma_start3A_107 : memref<2x125xi32, #tpu.memory_space<hbm>>) target(%arg7 : memref<2x125xi32, #tpu.memory_space<vmem>>) target_semaphore(%arg12 : memref<!tpu.dma_semaphore, #tpu.memory_space<semaphore_mem>>)
      } else {
      }
    }
    %scan3A_46 = arith.constant 40 : i32
    %barrier3A_47 = arith.constant 0 : index
    tpu.barrier barrier_id(%barrier3A_47)
    "tpu.region"() ({
      %run_scoped3A = tpu.sem_alloc : memref<!tpu.dma_semaphore, #tpu.memory_space<semaphore_mem>>
      %dma_start3A_48 = arith.constant 0 : i32
      %dma_start3A_49 = tpu.memref_slice %arg5[%arg0, %mul3A_0, %dma_start3A_48] : memref<2x10000x128xf32, #tpu.memory_space<hbm>> -> memref<1x625x128xf32, #tpu.memory_space<hbm>>
      %dma_start3A_50 = tpu.memref_squeeze %dma_start3A_49 : memref<1x625x128xf32, #tpu.memory_space<hbm>> -> memref<625x128xf32, #tpu.memory_space<hbm>>
      %dma_start3A_51 = arith.constant 0 : i32
      %dma_start3A_52 = tpu.memref_slice %arg10[%mul3A_0, %dma_start3A_51] : memref<10000x128xf32, #tpu.memory_space<vmem_shared>> -> memref<625x128xf32, #tpu.memory_space<vmem_shared>>
      tpu.enqueue_dma source(%dma_start3A_52 : memref<625x128xf32, #tpu.memory_space<vmem_shared>>) target(%dma_start3A_50 : memref<625x128xf32, #tpu.memory_space<hbm>>) target_semaphore(%run_scoped3A : memref<!tpu.dma_semaphore, #tpu.memory_space<semaphore_mem>>)
      %dma_wait3A_53 = arith.constant 0 : i32
      %dma_wait3A_54 = tpu.memref_slice %arg5[%arg0, %mul3A_0, %dma_wait3A_53] : memref<2x10000x128xf32, #tpu.memory_space<hbm>> -> memref<1x625x128xf32, #tpu.memory_space<hbm>>
      %dma_wait3A_55 = tpu.memref_squeeze %dma_wait3A_54 : memref<1x625x128xf32, #tpu.memory_space<hbm>> -> memref<625x128xf32, #tpu.memory_space<hbm>>
      %dma_wait3A_56 = arith.constant 0 : i32
      %dma_wait3A_57 = tpu.memref_slice %arg10[%mul3A_0, %dma_wait3A_56] : memref<10000x128xf32, #tpu.memory_space<vmem_shared>> -> memref<625x128xf32, #tpu.memory_space<vmem_shared>>
      tpu.wait_dma2 semaphore(%run_scoped3A : memref<!tpu.dma_semaphore, #tpu.memory_space<semaphore_mem>>) src(%dma_wait3A_57 : memref<625x128xf32, #tpu.memory_space<vmem_shared>>) dst(%dma_wait3A_55 : memref<625x128xf32, #tpu.memory_space<hbm>>)
      tpu.yield
    }) : () -> ()
    return
  }
}

#map = affine_map<(d0, d1) -> (0, 0)>
#map1 = affine_map<(d0, d1) -> (0, 0, 0)>
module attributes {stable_mosaic.version = 14 : i64} {
  func.func @spmm_kernel(%arg0: i32, %arg1: i32, %arg2: memref<10000x128xf32, #tpu.memory_space<hbm>>, %arg3: memref<10000x128xf32, #tpu.memory_space<hbm>>, %arg4: memref<2560x2x125xi32, #tpu.memory_space<hbm>>, %arg5: memref<2x10000x128xf32, #tpu.memory_space<hbm>>, %arg6: memref<2x125xi32, #tpu.memory_space<vmem>>, %arg7: memref<2x125xi32, #tpu.memory_space<vmem>>, %arg8: memref<125x128xf32, #tpu.memory_space<vmem>>, %arg9: memref<125x128xf32, #tpu.memory_space<vmem>>, %arg10: memref<10000x128xf32, #tpu.memory_space<vmem_shared>>, %arg11: memref<!tpu.dma_semaphore, #tpu.memory_space<semaphore_mem>>, %arg12: memref<!tpu.dma_semaphore, #tpu.memory_space<semaphore_mem>>, %arg13: memref<!tpu.dma_semaphore, #tpu.memory_space<semaphore_mem>>, %arg14: memref<!tpu.dma_semaphore, #tpu.memory_space<semaphore_mem>>) attributes {dimension_semantics = [#tpu.dimension_semantics<core_parallel>, #tpu.dimension_semantics<subcore_parallel>], iteration_bounds = array<i64: 2, 16>, scalar_prefetch = 0 : i64, scratch_operands = 9 : i64, tpu.core_type = #tpu.core_type<sc_vector_subcore>, window_params = [{transform_indices = #map}, {transform_indices = #map}, {transform_indices = #map1}, {transform_indices = #map1}]} {
    %mul3A = arith.constant 625 : i32
    %mul3A_0 = arith.muli %arg1, %mul3A : i32
    %eq3A = arith.constant 0 : i32
    %eq3A_1 = arith.cmpi eq, %arg0, %eq3A : i32
    %convert_element_type3A = arith.extui %eq3A_1 : i1 to i32
    %cond3A = arith.constant 0 : i32
    %cond3A_2 = arith.cmpi ne, %convert_element_type3A, %cond3A : i32
    scf.if %cond3A_2 {
      "tpu.region"() ({
        %run_scoped3A = tpu.sem_alloc : memref<!tpu.dma_semaphore, #tpu.memory_space<semaphore_mem>>
        %dma_start3A_48 = arith.constant 0 : i32
        %dma_start3A_49 = tpu.memref_slice %arg10[%mul3A_0, %dma_start3A_48] : memref<10000x128xf32, #tpu.memory_space<vmem_shared>> -> memref<625x128xf32, #tpu.memory_space<vmem_shared>>
        %dma_start3A_50 = arith.constant 0 : i32
        %dma_start3A_51 = tpu.memref_slice %arg2[%mul3A_0, %dma_start3A_50] : memref<10000x128xf32, #tpu.memory_space<hbm>> -> memref<625x128xf32, #tpu.memory_space<hbm>>
        tpu.enqueue_dma source(%dma_start3A_51 : memref<625x128xf32, #tpu.memory_space<hbm>>) target(%dma_start3A_49 : memref<625x128xf32, #tpu.memory_space<vmem_shared>>) target_semaphore(%run_scoped3A : memref<!tpu.dma_semaphore, #tpu.memory_space<semaphore_mem>>)
        %dma_wait3A_52 = arith.constant 0 : i32
        %dma_wait3A_53 = tpu.memref_slice %arg10[%mul3A_0, %dma_wait3A_52] : memref<10000x128xf32, #tpu.memory_space<vmem_shared>> -> memref<625x128xf32, #tpu.memory_space<vmem_shared>>
        %dma_wait3A_54 = arith.constant 0 : i32
        %dma_wait3A_55 = tpu.memref_slice %arg2[%mul3A_0, %dma_wait3A_54] : memref<10000x128xf32, #tpu.memory_space<hbm>> -> memref<625x128xf32, #tpu.memory_space<hbm>>
        tpu.wait_dma2 semaphore(%run_scoped3A : memref<!tpu.dma_semaphore, #tpu.memory_space<semaphore_mem>>) src(%dma_wait3A_55 : memref<625x128xf32, #tpu.memory_space<hbm>>) dst(%dma_wait3A_53 : memref<625x128xf32, #tpu.memory_space<vmem_shared>>)
        tpu.yield
      }) : () -> ()
    } else {
    }
    %ne3A = arith.constant 0 : i32
    %ne3A_3 = arith.cmpi ne, %arg0, %ne3A : i32
    %convert_element_type3A_4 = arith.extui %ne3A_3 : i1 to i32
    %cond3A_5 = arith.constant 0 : i32
    %cond3A_6 = arith.cmpi ne, %convert_element_type3A_4, %cond3A_5 : i32
    scf.if %cond3A_6 {
      "tpu.region"() ({
        %run_scoped3A = tpu.sem_alloc : memref<!tpu.dma_semaphore, #tpu.memory_space<semaphore_mem>>
        %dma_start3A_48 = arith.constant 0 : i32
        %dma_start3A_49 = tpu.memref_slice %arg10[%mul3A_0, %dma_start3A_48] : memref<10000x128xf32, #tpu.memory_space<vmem_shared>> -> memref<625x128xf32, #tpu.memory_space<vmem_shared>>
        %dma_start3A_50 = arith.constant 0 : i32
        %dma_start3A_51 = tpu.memref_slice %arg3[%mul3A_0, %dma_start3A_50] : memref<10000x128xf32, #tpu.memory_space<hbm>> -> memref<625x128xf32, #tpu.memory_space<hbm>>
        tpu.enqueue_dma source(%dma_start3A_51 : memref<625x128xf32, #tpu.memory_space<hbm>>) target(%dma_start3A_49 : memref<625x128xf32, #tpu.memory_space<vmem_shared>>) target_semaphore(%run_scoped3A : memref<!tpu.dma_semaphore, #tpu.memory_space<semaphore_mem>>)
        %dma_wait3A_52 = arith.constant 0 : i32
        %dma_wait3A_53 = tpu.memref_slice %arg10[%mul3A_0, %dma_wait3A_52] : memref<10000x128xf32, #tpu.memory_space<vmem_shared>> -> memref<625x128xf32, #tpu.memory_space<vmem_shared>>
        %dma_wait3A_54 = arith.constant 0 : i32
        %dma_wait3A_55 = tpu.memref_slice %arg3[%mul3A_0, %dma_wait3A_54] : memref<10000x128xf32, #tpu.memory_space<hbm>> -> memref<625x128xf32, #tpu.memory_space<hbm>>
        tpu.wait_dma2 semaphore(%run_scoped3A : memref<!tpu.dma_semaphore, #tpu.memory_space<semaphore_mem>>) src(%dma_wait3A_55 : memref<625x128xf32, #tpu.memory_space<hbm>>) dst(%dma_wait3A_53 : memref<625x128xf32, #tpu.memory_space<vmem_shared>>)
        tpu.yield
      }) : () -> ()
    } else {
    }
    %barrier3A = arith.constant 0 : index
    tpu.barrier barrier_id(%barrier3A)
    %mul3A_7 = arith.constant 16 : i32
    %mul3A_8 = arith.muli %arg0, %mul3A_7 : i32
    %add3A = arith.addi %mul3A_8, %arg1 : i32
    %mul3A_9 = arith.constant 80 : i32
    %mul3A_10 = arith.muli %add3A, %mul3A_9 : i32
    %dma_start3A = arith.constant 0 : i32
    %dma_start3A_11 = arith.constant 0 : i32
    %dma_start3A_12 = tpu.memref_slice %arg4[%mul3A_10, %dma_start3A, %dma_start3A_11] : memref<2560x2x125xi32, #tpu.memory_space<hbm>> -> memref<1x2x125xi32, #tpu.memory_space<hbm>>
    %dma_start3A_13 = tpu.memref_squeeze %dma_start3A_12 : memref<1x2x125xi32, #tpu.memory_space<hbm>> -> memref<2x125xi32, #tpu.memory_space<hbm>>
    %dma_start3A_14 = arith.constant 0 : i32
    %dma_start3A_15 = arith.constant 0 : i32
    %dma_start3A_16 = tpu.memref_slice %arg4[%mul3A_10, %dma_start3A_14, %dma_start3A_15] : memref<2560x2x125xi32, #tpu.memory_space<hbm>> -> memref<1x2x125xi32, #tpu.memory_space<hbm>>
    %dma_start3A_17 = tpu.memref_squeeze %dma_start3A_16 : memref<1x2x125xi32, #tpu.memory_space<hbm>> -> memref<2x125xi32, #tpu.memory_space<hbm>>
    tpu.enqueue_dma source(%dma_start3A_17 : memref<2x125xi32, #tpu.memory_space<hbm>>) target(%arg6 : memref<2x125xi32, #tpu.memory_space<vmem>>) target_semaphore(%arg11 : memref<!tpu.dma_semaphore, #tpu.memory_space<semaphore_mem>>)
    %add3A_18 = arith.constant 1 : i32
    %add3A_19 = arith.addi %mul3A_10, %add3A_18 : i32
    %dma_start3A_20 = arith.constant 0 : i32
    %dma_start3A_21 = arith.constant 0 : i32
    %dma_start3A_22 = tpu.memref_slice %arg4[%add3A_19, %dma_start3A_20, %dma_start3A_21] : memref<2560x2x125xi32, #tpu.memory_space<hbm>> -> memref<1x2x125xi32, #tpu.memory_space<hbm>>
    %dma_start3A_23 = tpu.memref_squeeze %dma_start3A_22 : memref<1x2x125xi32, #tpu.memory_space<hbm>> -> memref<2x125xi32, #tpu.memory_space<hbm>>
    %dma_start3A_24 = arith.constant 0 : i32
    %dma_start3A_25 = arith.constant 0 : i32
    %dma_start3A_26 = tpu.memref_slice %arg4[%add3A_19, %dma_start3A_24, %dma_start3A_25] : memref<2560x2x125xi32, #tpu.memory_space<hbm>> -> memref<1x2x125xi32, #tpu.memory_space<hbm>>
    %dma_start3A_27 = tpu.memref_squeeze %dma_start3A_26 : memref<1x2x125xi32, #tpu.memory_space<hbm>> -> memref<2x125xi32, #tpu.memory_space<hbm>>
    tpu.enqueue_dma source(%dma_start3A_27 : memref<2x125xi32, #tpu.memory_space<hbm>>) target(%arg7 : memref<2x125xi32, #tpu.memory_space<vmem>>) target_semaphore(%arg12 : memref<!tpu.dma_semaphore, #tpu.memory_space<semaphore_mem>>)
    %dma_wait3A = arith.constant 0 : i32
    %dma_wait3A_28 = arith.constant 0 : i32
    %dma_wait3A_29 = tpu.memref_slice %arg4[%mul3A_10, %dma_wait3A, %dma_wait3A_28] : memref<2560x2x125xi32, #tpu.memory_space<hbm>> -> memref<1x2x125xi32, #tpu.memory_space<hbm>>
    %dma_wait3A_30 = tpu.memref_squeeze %dma_wait3A_29 : memref<1x2x125xi32, #tpu.memory_space<hbm>> -> memref<2x125xi32, #tpu.memory_space<hbm>>
    %dma_wait3A_31 = arith.constant 0 : i32
    %dma_wait3A_32 = arith.constant 0 : i32
    %dma_wait3A_33 = tpu.memref_slice %arg4[%mul3A_10, %dma_wait3A_31, %dma_wait3A_32] : memref<2560x2x125xi32, #tpu.memory_space<hbm>> -> memref<1x2x125xi32, #tpu.memory_space<hbm>>
    %dma_wait3A_34 = tpu.memref_squeeze %dma_wait3A_33 : memref<1x2x125xi32, #tpu.memory_space<hbm>> -> memref<2x125xi32, #tpu.memory_space<hbm>>
    tpu.wait_dma2 semaphore(%arg11 : memref<!tpu.dma_semaphore, #tpu.memory_space<semaphore_mem>>) src(%dma_wait3A_34 : memref<2x125xi32, #tpu.memory_space<hbm>>) dst(%arg6 : memref<2x125xi32, #tpu.memory_space<vmem>>)
    %dma_start3A_35 = arith.constant 0 : i32
    %dma_start3A_36 = arith.constant 0 : i32
    %dma_start3A_37 = tpu.memref_slice %arg6[%dma_start3A_35, %dma_start3A_36] : memref<2x125xi32, #tpu.memory_space<vmem>> -> memref<1x125xi32, #tpu.memory_space<vmem>>
    %dma_start3A_38 = tpu.memref_squeeze %dma_start3A_37 : memref<1x125xi32, #tpu.memory_space<vmem>> -> memref<125xi32, #tpu.memory_space<vmem>>
    %dma_start3A_39 = arith.constant 0 : i32
    %dma_start3A_40 = arith.constant 0 : i32
    %dma_start3A_41 = tpu.memref_slice %arg2[%dma_start3A_39, %dma_start3A_40] : memref<10000x128xf32, #tpu.memory_space<hbm>> -> memref<10000x128xf32, #tpu.memory_space<hbm>>
    tpu.enqueue_indirect_dma source(%dma_start3A_41 : memref<10000x128xf32, #tpu.memory_space<hbm>>) target(%arg8 : memref<125x128xf32, #tpu.memory_space<vmem>>) offsets(%dma_start3A_38 : memref<125xi32, #tpu.memory_space<vmem>>) semaphore(%arg13 : memref<!tpu.dma_semaphore, #tpu.memory_space<semaphore_mem>>)
    %scan3A = arith.constant 0 : i32
    %scan3A_42 = arith.constant 0 : i32
    %scan3A_43 = arith.constant 40 : i32
    %scan3A_44 = arith.addi %scan3A_42, %scan3A_43 : i32
    %scan3A_45 = arith.constant 1 : i32
    scf.for %scan3A_48 = %scan3A_42 to %scan3A_44 step %scan3A_45  : i32 {
      %mul3A_49 = arith.constant 2 : i32
      %mul3A_50 = arith.muli %mul3A_49, %scan3A_48 : i32
      %add3A_51 = arith.constant 1 : i32
      %add3A_52 = arith.addi %mul3A_50, %add3A_51 : i32
      %lt3A = arith.constant 80 : i32
      %lt3A_53 = arith.cmpi slt, %add3A_52, %lt3A : i32
      %convert_element_type3A_54 = arith.extui %lt3A_53 : i1 to i32
      %cond3A_55 = arith.constant 0 : i32
      %cond3A_56 = arith.cmpi ne, %convert_element_type3A_54, %cond3A_55 : i32
      scf.if %cond3A_56 {
        %add3A_97 = arith.addi %mul3A_10, %mul3A_50 : i32
        %add3A_98 = arith.constant 1 : i32
        %add3A_99 = arith.addi %add3A_97, %add3A_98 : i32
        %dma_wait3A_100 = arith.constant 0 : i32
        %dma_wait3A_101 = arith.constant 0 : i32
        %dma_wait3A_102 = tpu.memref_slice %arg4[%add3A_99, %dma_wait3A_100, %dma_wait3A_101] : memref<2560x2x125xi32, #tpu.memory_space<hbm>> -> memref<1x2x125xi32, #tpu.memory_space<hbm>>
        %dma_wait3A_103 = tpu.memref_squeeze %dma_wait3A_102 : memref<1x2x125xi32, #tpu.memory_space<hbm>> -> memref<2x125xi32, #tpu.memory_space<hbm>>
        %dma_wait3A_104 = arith.constant 0 : i32
        %dma_wait3A_105 = arith.constant 0 : i32
        %dma_wait3A_106 = tpu.memref_slice %arg4[%add3A_99, %dma_wait3A_104, %dma_wait3A_105] : memref<2560x2x125xi32, #tpu.memory_space<hbm>> -> memref<1x2x125xi32, #tpu.memory_space<hbm>>
        %dma_wait3A_107 = tpu.memref_squeeze %dma_wait3A_106 : memref<1x2x125xi32, #tpu.memory_space<hbm>> -> memref<2x125xi32, #tpu.memory_space<hbm>>
        tpu.wait_dma2 semaphore(%arg12 : memref<!tpu.dma_semaphore, #tpu.memory_space<semaphore_mem>>) src(%dma_wait3A_107 : memref<2x125xi32, #tpu.memory_space<hbm>>) dst(%arg7 : memref<2x125xi32, #tpu.memory_space<vmem>>)
        %dma_start3A_108 = arith.constant 0 : i32
        %dma_start3A_109 = arith.constant 0 : i32
        %dma_start3A_110 = tpu.memref_slice %arg7[%dma_start3A_108, %dma_start3A_109] : memref<2x125xi32, #tpu.memory_space<vmem>> -> memref<1x125xi32, #tpu.memory_space<vmem>>
        %dma_start3A_111 = tpu.memref_squeeze %dma_start3A_110 : memref<1x125xi32, #tpu.memory_space<vmem>> -> memref<125xi32, #tpu.memory_space<vmem>>
        %dma_start3A_112 = arith.constant 0 : i32
        %dma_start3A_113 = arith.constant 0 : i32
        %dma_start3A_114 = tpu.memref_slice %arg2[%dma_start3A_112, %dma_start3A_113] : memref<10000x128xf32, #tpu.memory_space<hbm>> -> memref<10000x128xf32, #tpu.memory_space<hbm>>
        tpu.enqueue_indirect_dma source(%dma_start3A_114 : memref<10000x128xf32, #tpu.memory_space<hbm>>) target(%arg9 : memref<125x128xf32, #tpu.memory_space<vmem>>) offsets(%dma_start3A_111 : memref<125xi32, #tpu.memory_space<vmem>>) semaphore(%arg14 : memref<!tpu.dma_semaphore, #tpu.memory_space<semaphore_mem>>)
      } else {
      }
      %dma_wait3A_57 = arith.constant 0 : i32
      %dma_wait3A_58 = arith.constant 0 : i32
      %dma_wait3A_59 = tpu.memref_slice %arg6[%dma_wait3A_57, %dma_wait3A_58] : memref<2x125xi32, #tpu.memory_space<vmem>> -> memref<1x125xi32, #tpu.memory_space<vmem>>
      %dma_wait3A_60 = tpu.memref_squeeze %dma_wait3A_59 : memref<1x125xi32, #tpu.memory_space<vmem>> -> memref<125xi32, #tpu.memory_space<vmem>>
      %dma_wait3A_61 = arith.constant 0 : i32
      %dma_wait3A_62 = arith.constant 0 : i32
      %dma_wait3A_63 = tpu.memref_slice %arg2[%dma_wait3A_61, %dma_wait3A_62] : memref<10000x128xf32, #tpu.memory_space<hbm>> -> memref<10000x128xf32, #tpu.memory_space<hbm>>
      tpu.wait_indirect_dma semaphore(%arg13 : memref<!tpu.dma_semaphore, #tpu.memory_space<semaphore_mem>>) src(%dma_wait3A_63 : memref<10000x128xf32, #tpu.memory_space<hbm>>) dst(%arg8 : memref<125x128xf32, #tpu.memory_space<vmem>>)
      %run_scoped3A = arith.constant 1 : i32
      "tpu.region"() ({
        %run_scoped3A_97 = tpu.sem_alloc : memref<!tpu.dma_semaphore, #tpu.memory_space<semaphore_mem>>
        %dma_start3A_98 = arith.constant 0 : i32
        %dma_start3A_99 = tpu.memref_slice %arg6[%run_scoped3A, %dma_start3A_98] : memref<2x125xi32, #tpu.memory_space<vmem>> -> memref<1x125xi32, #tpu.memory_space<vmem>>
        %dma_start3A_100 = tpu.memref_squeeze %dma_start3A_99 : memref<1x125xi32, #tpu.memory_space<vmem>> -> memref<125xi32, #tpu.memory_space<vmem>>
        %dma_start3A_101 = arith.constant 0 : i32
        %dma_start3A_102 = arith.constant 0 : i32
        %dma_start3A_103 = tpu.memref_slice %arg10[%dma_start3A_101, %dma_start3A_102] : memref<10000x128xf32, #tpu.memory_space<vmem_shared>> -> memref<10000x128xf32, #tpu.memory_space<vmem_shared>>
        tpu.enqueue_indirect_dma source(%arg8 : memref<125x128xf32, #tpu.memory_space<vmem>>) target(%dma_start3A_103 : memref<10000x128xf32, #tpu.memory_space<vmem_shared>>) offsets(%dma_start3A_100 : memref<125xi32, #tpu.memory_space<vmem>>) semaphore(%run_scoped3A_97 : memref<!tpu.dma_semaphore, #tpu.memory_space<semaphore_mem>>) {add = true}
        %dma_wait3A_104 = arith.constant 0 : i32
        %dma_wait3A_105 = tpu.memref_slice %arg6[%run_scoped3A, %dma_wait3A_104] : memref<2x125xi32, #tpu.memory_space<vmem>> -> memref<1x125xi32, #tpu.memory_space<vmem>>
        %dma_wait3A_106 = tpu.memref_squeeze %dma_wait3A_105 : memref<1x125xi32, #tpu.memory_space<vmem>> -> memref<125xi32, #tpu.memory_space<vmem>>
        %dma_wait3A_107 = arith.constant 0 : i32
        %dma_wait3A_108 = arith.constant 0 : i32
        %dma_wait3A_109 = tpu.memref_slice %arg10[%dma_wait3A_107, %dma_wait3A_108] : memref<10000x128xf32, #tpu.memory_space<vmem_shared>> -> memref<10000x128xf32, #tpu.memory_space<vmem_shared>>
        tpu.wait_indirect_dma semaphore(%run_scoped3A_97 : memref<!tpu.dma_semaphore, #tpu.memory_space<semaphore_mem>>) src(%arg8 : memref<125x128xf32, #tpu.memory_space<vmem>>) dst(%dma_wait3A_109 : memref<10000x128xf32, #tpu.memory_space<vmem_shared>>)
        tpu.yield
      }) : () -> ()
      %add3A_64 = arith.constant 2 : i32
      %add3A_65 = arith.addi %mul3A_50, %add3A_64 : i32
      %lt3A_66 = arith.constant 80 : i32
      %lt3A_67 = arith.cmpi slt, %add3A_65, %lt3A_66 : i32
      %convert_element_type3A_68 = arith.extui %lt3A_67 : i1 to i32
      %cond3A_69 = arith.constant 0 : i32
      %cond3A_70 = arith.cmpi ne, %convert_element_type3A_68, %cond3A_69 : i32
      scf.if %cond3A_70 {
        %add3A_97 = arith.addi %mul3A_10, %mul3A_50 : i32
        %add3A_98 = arith.constant 2 : i32
        %add3A_99 = arith.addi %add3A_97, %add3A_98 : i32
        %dma_start3A_100 = arith.constant 0 : i32
        %dma_start3A_101 = arith.constant 0 : i32
        %dma_start3A_102 = tpu.memref_slice %arg4[%add3A_99, %dma_start3A_100, %dma_start3A_101] : memref<2560x2x125xi32, #tpu.memory_space<hbm>> -> memref<1x2x125xi32, #tpu.memory_space<hbm>>
        %dma_start3A_103 = tpu.memref_squeeze %dma_start3A_102 : memref<1x2x125xi32, #tpu.memory_space<hbm>> -> memref<2x125xi32, #tpu.memory_space<hbm>>
        %dma_start3A_104 = arith.constant 0 : i32
        %dma_start3A_105 = arith.constant 0 : i32
        %dma_start3A_106 = tpu.memref_slice %arg4[%add3A_99, %dma_start3A_104, %dma_start3A_105] : memref<2560x2x125xi32, #tpu.memory_space<hbm>> -> memref<1x2x125xi32, #tpu.memory_space<hbm>>
        %dma_start3A_107 = tpu.memref_squeeze %dma_start3A_106 : memref<1x2x125xi32, #tpu.memory_space<hbm>> -> memref<2x125xi32, #tpu.memory_space<hbm>>
        tpu.enqueue_dma source(%dma_start3A_107 : memref<2x125xi32, #tpu.memory_space<hbm>>) target(%arg6 : memref<2x125xi32, #tpu.memory_space<vmem>>) target_semaphore(%arg11 : memref<!tpu.dma_semaphore, #tpu.memory_space<semaphore_mem>>)
      } else {
      }
      %mul3A_71 = arith.constant 2 : i32
      %mul3A_72 = arith.muli %mul3A_71, %scan3A_48 : i32
      %add3A_73 = arith.constant 1 : i32
      %add3A_74 = arith.addi %mul3A_72, %add3A_73 : i32
      %add3A_75 = arith.constant 1 : i32
      %add3A_76 = arith.addi %add3A_74, %add3A_75 : i32
      %lt3A_77 = arith.constant 80 : i32
      %lt3A_78 = arith.cmpi slt, %add3A_76, %lt3A_77 : i32
      %convert_element_type3A_79 = arith.extui %lt3A_78 : i1 to i32
      %cond3A_80 = arith.constant 0 : i32
      %cond3A_81 = arith.cmpi ne, %convert_element_type3A_79, %cond3A_80 : i32
      scf.if %cond3A_81 {
        %add3A_97 = arith.addi %mul3A_10, %add3A_74 : i32
        %add3A_98 = arith.constant 1 : i32
        %add3A_99 = arith.addi %add3A_97, %add3A_98 : i32
        %dma_wait3A_100 = arith.constant 0 : i32
        %dma_wait3A_101 = arith.constant 0 : i32
        %dma_wait3A_102 = tpu.memref_slice %arg4[%add3A_99, %dma_wait3A_100, %dma_wait3A_101] : memref<2560x2x125xi32, #tpu.memory_space<hbm>> -> memref<1x2x125xi32, #tpu.memory_space<hbm>>
        %dma_wait3A_103 = tpu.memref_squeeze %dma_wait3A_102 : memref<1x2x125xi32, #tpu.memory_space<hbm>> -> memref<2x125xi32, #tpu.memory_space<hbm>>
        %dma_wait3A_104 = arith.constant 0 : i32
        %dma_wait3A_105 = arith.constant 0 : i32
        %dma_wait3A_106 = tpu.memref_slice %arg4[%add3A_99, %dma_wait3A_104, %dma_wait3A_105] : memref<2560x2x125xi32, #tpu.memory_space<hbm>> -> memref<1x2x125xi32, #tpu.memory_space<hbm>>
        %dma_wait3A_107 = tpu.memref_squeeze %dma_wait3A_106 : memref<1x2x125xi32, #tpu.memory_space<hbm>> -> memref<2x125xi32, #tpu.memory_space<hbm>>
        tpu.wait_dma2 semaphore(%arg11 : memref<!tpu.dma_semaphore, #tpu.memory_space<semaphore_mem>>) src(%dma_wait3A_107 : memref<2x125xi32, #tpu.memory_space<hbm>>) dst(%arg6 : memref<2x125xi32, #tpu.memory_space<vmem>>)
        %dma_start3A_108 = arith.constant 0 : i32
        %dma_start3A_109 = arith.constant 0 : i32
        %dma_start3A_110 = tpu.memref_slice %arg6[%dma_start3A_108, %dma_start3A_109] : memref<2x125xi32, #tpu.memory_space<vmem>> -> memref<1x125xi32, #tpu.memory_space<vmem>>
        %dma_start3A_111 = tpu.memref_squeeze %dma_start3A_110 : memref<1x125xi32, #tpu.memory_space<vmem>> -> memref<125xi32, #tpu.memory_space<vmem>>
        %dma_start3A_112 = arith.constant 0 : i32
        %dma_start3A_113 = arith.constant 0 : i32
        %dma_start3A_114 = tpu.memref_slice %arg2[%dma_start3A_112, %dma_start3A_113] : memref<10000x128xf32, #tpu.memory_space<hbm>> -> memref<10000x128xf32, #tpu.memory_space<hbm>>
        tpu.enqueue_indirect_dma source(%dma_start3A_114 : memref<10000x128xf32, #tpu.memory_space<hbm>>) target(%arg8 : memref<125x128xf32, #tpu.memory_space<vmem>>) offsets(%dma_start3A_111 : memref<125xi32, #tpu.memory_space<vmem>>) semaphore(%arg13 : memref<!tpu.dma_semaphore, #tpu.memory_space<semaphore_mem>>)
      } else {
      }
      %dma_wait3A_82 = arith.constant 0 : i32
      %dma_wait3A_83 = arith.constant 0 : i32
      %dma_wait3A_84 = tpu.memref_slice %arg7[%dma_wait3A_82, %dma_wait3A_83] : memref<2x125xi32, #tpu.memory_space<vmem>> -> memref<1x125xi32, #tpu.memory_space<vmem>>
      %dma_wait3A_85 = tpu.memref_squeeze %dma_wait3A_84 : memref<1x125xi32, #tpu.memory_space<vmem>> -> memref<125xi32, #tpu.memory_space<vmem>>
      %dma_wait3A_86 = arith.constant 0 : i32
      %dma_wait3A_87 = arith.constant 0 : i32
      %dma_wait3A_88 = tpu.memref_slice %arg2[%dma_wait3A_86, %dma_wait3A_87] : memref<10000x128xf32, #tpu.memory_space<hbm>> -> memref<10000x128xf32, #tpu.memory_space<hbm>>
      tpu.wait_indirect_dma semaphore(%arg14 : memref<!tpu.dma_semaphore, #tpu.memory_space<semaphore_mem>>) src(%dma_wait3A_88 : memref<10000x128xf32, #tpu.memory_space<hbm>>) dst(%arg9 : memref<125x128xf32, #tpu.memory_space<vmem>>)
      %run_scoped3A_89 = arith.constant 1 : i32
      "tpu.region"() ({
        %run_scoped3A_97 = tpu.sem_alloc : memref<!tpu.dma_semaphore, #tpu.memory_space<semaphore_mem>>
        %dma_start3A_98 = arith.constant 0 : i32
        %dma_start3A_99 = tpu.memref_slice %arg7[%run_scoped3A_89, %dma_start3A_98] : memref<2x125xi32, #tpu.memory_space<vmem>> -> memref<1x125xi32, #tpu.memory_space<vmem>>
        %dma_start3A_100 = tpu.memref_squeeze %dma_start3A_99 : memref<1x125xi32, #tpu.memory_space<vmem>> -> memref<125xi32, #tpu.memory_space<vmem>>
        %dma_start3A_101 = arith.constant 0 : i32
        %dma_start3A_102 = arith.constant 0 : i32
        %dma_start3A_103 = tpu.memref_slice %arg10[%dma_start3A_101, %dma_start3A_102] : memref<10000x128xf32, #tpu.memory_space<vmem_shared>> -> memref<10000x128xf32, #tpu.memory_space<vmem_shared>>
        tpu.enqueue_indirect_dma source(%arg9 : memref<125x128xf32, #tpu.memory_space<vmem>>) target(%dma_start3A_103 : memref<10000x128xf32, #tpu.memory_space<vmem_shared>>) offsets(%dma_start3A_100 : memref<125xi32, #tpu.memory_space<vmem>>) semaphore(%run_scoped3A_97 : memref<!tpu.dma_semaphore, #tpu.memory_space<semaphore_mem>>) {add = true}
        %dma_wait3A_104 = arith.constant 0 : i32
        %dma_wait3A_105 = tpu.memref_slice %arg7[%run_scoped3A_89, %dma_wait3A_104] : memref<2x125xi32, #tpu.memory_space<vmem>> -> memref<1x125xi32, #tpu.memory_space<vmem>>
        %dma_wait3A_106 = tpu.memref_squeeze %dma_wait3A_105 : memref<1x125xi32, #tpu.memory_space<vmem>> -> memref<125xi32, #tpu.memory_space<vmem>>
        %dma_wait3A_107 = arith.constant 0 : i32
        %dma_wait3A_108 = arith.constant 0 : i32
        %dma_wait3A_109 = tpu.memref_slice %arg10[%dma_wait3A_107, %dma_wait3A_108] : memref<10000x128xf32, #tpu.memory_space<vmem_shared>> -> memref<10000x128xf32, #tpu.memory_space<vmem_shared>>
        tpu.wait_indirect_dma semaphore(%run_scoped3A_97 : memref<!tpu.dma_semaphore, #tpu.memory_space<semaphore_mem>>) src(%arg9 : memref<125x128xf32, #tpu.memory_space<vmem>>) dst(%dma_wait3A_109 : memref<10000x128xf32, #tpu.memory_space<vmem_shared>>)
        tpu.yield
      }) : () -> ()
      %add3A_90 = arith.constant 2 : i32
      %add3A_91 = arith.addi %add3A_74, %add3A_90 : i32
      %lt3A_92 = arith.constant 80 : i32
      %lt3A_93 = arith.cmpi slt, %add3A_91, %lt3A_92 : i32
      %convert_element_type3A_94 = arith.extui %lt3A_93 : i1 to i32
      %cond3A_95 = arith.constant 0 : i32
      %cond3A_96 = arith.cmpi ne, %convert_element_type3A_94, %cond3A_95 : i32
      scf.if %cond3A_96 {
        %add3A_97 = arith.addi %mul3A_10, %add3A_74 : i32
        %add3A_98 = arith.constant 2 : i32
        %add3A_99 = arith.addi %add3A_97, %add3A_98 : i32
        %dma_start3A_100 = arith.constant 0 : i32
        %dma_start3A_101 = arith.constant 0 : i32
        %dma_start3A_102 = tpu.memref_slice %arg4[%add3A_99, %dma_start3A_100, %dma_start3A_101] : memref<2560x2x125xi32, #tpu.memory_space<hbm>> -> memref<1x2x125xi32, #tpu.memory_space<hbm>>
        %dma_start3A_103 = tpu.memref_squeeze %dma_start3A_102 : memref<1x2x125xi32, #tpu.memory_space<hbm>> -> memref<2x125xi32, #tpu.memory_space<hbm>>
        %dma_start3A_104 = arith.constant 0 : i32
        %dma_start3A_105 = arith.constant 0 : i32
        %dma_start3A_106 = tpu.memref_slice %arg4[%add3A_99, %dma_start3A_104, %dma_start3A_105] : memref<2560x2x125xi32, #tpu.memory_space<hbm>> -> memref<1x2x125xi32, #tpu.memory_space<hbm>>
        %dma_start3A_107 = tpu.memref_squeeze %dma_start3A_106 : memref<1x2x125xi32, #tpu.memory_space<hbm>> -> memref<2x125xi32, #tpu.memory_space<hbm>>
        tpu.enqueue_dma source(%dma_start3A_107 : memref<2x125xi32, #tpu.memory_space<hbm>>) target(%arg7 : memref<2x125xi32, #tpu.memory_space<vmem>>) target_semaphore(%arg12 : memref<!tpu.dma_semaphore, #tpu.memory_space<semaphore_mem>>)
      } else {
      }
    }
    %scan3A_46 = arith.constant 40 : i32
    %barrier3A_47 = arith.constant 0 : index
    tpu.barrier barrier_id(%barrier3A_47)
    "tpu.region"() ({
      %run_scoped3A = tpu.sem_alloc : memref<!tpu.dma_semaphore, #tpu.memory_space<semaphore_mem>>
      %dma_start3A_48 = arith.constant 0 : i32
      %dma_start3A_49 = tpu.memref_slice %arg5[%arg0, %mul3A_0, %dma_start3A_48] : memref<2x10000x128xf32, #tpu.memory_space<hbm>> -> memref<1x625x128xf32, #tpu.memory_space<hbm>>
      %dma_start3A_50 = tpu.memref_squeeze %dma_start3A_49 : memref<1x625x128xf32, #tpu.memory_space<hbm>> -> memref<625x128xf32, #tpu.memory_space<hbm>>
      %dma_start3A_51 = arith.constant 0 : i32
      %dma_start3A_52 = tpu.memref_slice %arg10[%mul3A_0, %dma_start3A_51] : memref<10000x128xf32, #tpu.memory_space<vmem_shared>> -> memref<625x128xf32, #tpu.memory_space<vmem_shared>>
      tpu.enqueue_dma source(%dma_start3A_52 : memref<625x128xf32, #tpu.memory_space<vmem_shared>>) target(%dma_start3A_50 : memref<625x128xf32, #tpu.memory_space<hbm>>) target_semaphore(%run_scoped3A : memref<!tpu.dma_semaphore, #tpu.memory_space<semaphore_mem>>)
      %dma_wait3A_53 = arith.constant 0 : i32
      %dma_wait3A_54 = tpu.memref_slice %arg5[%arg0, %mul3A_0, %dma_wait3A_53] : memref<2x10000x128xf32, #tpu.memory_space<hbm>> -> memref<1x625x128xf32, #tpu.memory_space<hbm>>
      %dma_wait3A_55 = tpu.memref_squeeze %dma_wait3A_54 : memref<1x625x128xf32, #tpu.memory_space<hbm>> -> memref<625x128xf32, #tpu.memory_space<hbm>>
      %dma_wait3A_56 = arith.constant 0 : i32
      %dma_wait3A_57 = tpu.memref_slice %arg10[%mul3A_0, %dma_wait3A_56] : memref<10000x128xf32, #tpu.memory_space<vmem_shared>> -> memref<625x128xf32, #tpu.memory_space<vmem_shared>>
      tpu.wait_dma2 semaphore(%run_scoped3A : memref<!tpu.dma_semaphore, #tpu.memory_space<semaphore_mem>>) src(%dma_wait3A_57 : memref<625x128xf32, #tpu.memory_space<vmem_shared>>) dst(%dma_wait3A_55 : memref<625x128xf32, #tpu.memory_space<hbm>>)
      tpu.yield
    }) : () -> ()
    return
  }
}

#map = affine_map<(d0, d1) -> (0, 0)>
#map1 = affine_map<(d0, d1) -> (0, 0, 0)>
module attributes {stable_mosaic.version = 14 : i64} {
  func.func @spmm_kernel(%arg0: i32, %arg1: i32, %arg2: memref<10000x128xf32, #tpu.memory_space<hbm>>, %arg3: memref<10000x128xf32, #tpu.memory_space<hbm>>, %arg4: memref<2560x2x125xi32, #tpu.memory_space<hbm>>, %arg5: memref<2x10000x128xf32, #tpu.memory_space<hbm>>, %arg6: memref<2x125xi32, #tpu.memory_space<vmem>>, %arg7: memref<2x125xi32, #tpu.memory_space<vmem>>, %arg8: memref<125x128xf32, #tpu.memory_space<vmem>>, %arg9: memref<125x128xf32, #tpu.memory_space<vmem>>, %arg10: memref<10000x128xf32, #tpu.memory_space<vmem_shared>>, %arg11: memref<!tpu.dma_semaphore, #tpu.memory_space<semaphore_mem>>, %arg12: memref<!tpu.dma_semaphore, #tpu.memory_space<semaphore_mem>>, %arg13: memref<!tpu.dma_semaphore, #tpu.memory_space<semaphore_mem>>, %arg14: memref<!tpu.dma_semaphore, #tpu.memory_space<semaphore_mem>>) attributes {dimension_semantics = [#tpu.dimension_semantics<core_parallel>, #tpu.dimension_semantics<subcore_parallel>], iteration_bounds = array<i64: 2, 16>, scalar_prefetch = 0 : i64, scratch_operands = 9 : i64, tpu.core_type = #tpu.core_type<sc_vector_subcore>, window_params = [{transform_indices = #map}, {transform_indices = #map}, {transform_indices = #map1}, {transform_indices = #map1}]} {
    %mul3A = arith.constant 625 : i32
    %mul3A_0 = arith.muli %arg1, %mul3A : i32
    %eq3A = arith.constant 0 : i32
    %eq3A_1 = arith.cmpi eq, %arg0, %eq3A : i32
    %convert_element_type3A = arith.extui %eq3A_1 : i1 to i32
    %cond3A = arith.constant 0 : i32
    %cond3A_2 = arith.cmpi ne, %convert_element_type3A, %cond3A : i32
    scf.if %cond3A_2 {
      "tpu.region"() ({
        %run_scoped3A = tpu.sem_alloc : memref<!tpu.dma_semaphore, #tpu.memory_space<semaphore_mem>>
        %dma_start3A_48 = arith.constant 0 : i32
        %dma_start3A_49 = tpu.memref_slice %arg10[%mul3A_0, %dma_start3A_48] : memref<10000x128xf32, #tpu.memory_space<vmem_shared>> -> memref<625x128xf32, #tpu.memory_space<vmem_shared>>
        %dma_start3A_50 = arith.constant 0 : i32
        %dma_start3A_51 = tpu.memref_slice %arg2[%mul3A_0, %dma_start3A_50] : memref<10000x128xf32, #tpu.memory_space<hbm>> -> memref<625x128xf32, #tpu.memory_space<hbm>>
        tpu.enqueue_dma source(%dma_start3A_51 : memref<625x128xf32, #tpu.memory_space<hbm>>) target(%dma_start3A_49 : memref<625x128xf32, #tpu.memory_space<vmem_shared>>) target_semaphore(%run_scoped3A : memref<!tpu.dma_semaphore, #tpu.memory_space<semaphore_mem>>)
        %dma_wait3A_52 = arith.constant 0 : i32
        %dma_wait3A_53 = tpu.memref_slice %arg10[%mul3A_0, %dma_wait3A_52] : memref<10000x128xf32, #tpu.memory_space<vmem_shared>> -> memref<625x128xf32, #tpu.memory_space<vmem_shared>>
        %dma_wait3A_54 = arith.constant 0 : i32
        %dma_wait3A_55 = tpu.memref_slice %arg2[%mul3A_0, %dma_wait3A_54] : memref<10000x128xf32, #tpu.memory_space<hbm>> -> memref<625x128xf32, #tpu.memory_space<hbm>>
        tpu.wait_dma2 semaphore(%run_scoped3A : memref<!tpu.dma_semaphore, #tpu.memory_space<semaphore_mem>>) src(%dma_wait3A_55 : memref<625x128xf32, #tpu.memory_space<hbm>>) dst(%dma_wait3A_53 : memref<625x128xf32, #tpu.memory_space<vmem_shared>>)
        tpu.yield
      }) : () -> ()
    } else {
    }
    %ne3A = arith.constant 0 : i32
    %ne3A_3 = arith.cmpi ne, %arg0, %ne3A : i32
    %convert_element_type3A_4 = arith.extui %ne3A_3 : i1 to i32
    %cond3A_5 = arith.constant 0 : i32
    %cond3A_6 = arith.cmpi ne, %convert_element_type3A_4, %cond3A_5 : i32
    scf.if %cond3A_6 {
      "tpu.region"() ({
        %run_scoped3A = tpu.sem_alloc : memref<!tpu.dma_semaphore, #tpu.memory_space<semaphore_mem>>
        %dma_start3A_48 = arith.constant 0 : i32
        %dma_start3A_49 = tpu.memref_slice %arg10[%mul3A_0, %dma_start3A_48] : memref<10000x128xf32, #tpu.memory_space<vmem_shared>> -> memref<625x128xf32, #tpu.memory_space<vmem_shared>>
        %dma_start3A_50 = arith.constant 0 : i32
        %dma_start3A_51 = tpu.memref_slice %arg3[%mul3A_0, %dma_start3A_50] : memref<10000x128xf32, #tpu.memory_space<hbm>> -> memref<625x128xf32, #tpu.memory_space<hbm>>
        tpu.enqueue_dma source(%dma_start3A_51 : memref<625x128xf32, #tpu.memory_space<hbm>>) target(%dma_start3A_49 : memref<625x128xf32, #tpu.memory_space<vmem_shared>>) target_semaphore(%run_scoped3A : memref<!tpu.dma_semaphore, #tpu.memory_space<semaphore_mem>>)
        %dma_wait3A_52 = arith.constant 0 : i32
        %dma_wait3A_53 = tpu.memref_slice %arg10[%mul3A_0, %dma_wait3A_52] : memref<10000x128xf32, #tpu.memory_space<vmem_shared>> -> memref<625x128xf32, #tpu.memory_space<vmem_shared>>
        %dma_wait3A_54 = arith.constant 0 : i32
        %dma_wait3A_55 = tpu.memref_slice %arg3[%mul3A_0, %dma_wait3A_54] : memref<10000x128xf32, #tpu.memory_space<hbm>> -> memref<625x128xf32, #tpu.memory_space<hbm>>
        tpu.wait_dma2 semaphore(%run_scoped3A : memref<!tpu.dma_semaphore, #tpu.memory_space<semaphore_mem>>) src(%dma_wait3A_55 : memref<625x128xf32, #tpu.memory_space<hbm>>) dst(%dma_wait3A_53 : memref<625x128xf32, #tpu.memory_space<vmem_shared>>)
        tpu.yield
      }) : () -> ()
    } else {
    }
    %barrier3A = arith.constant 0 : index
    tpu.barrier barrier_id(%barrier3A)
    %mul3A_7 = arith.constant 16 : i32
    %mul3A_8 = arith.muli %arg0, %mul3A_7 : i32
    %add3A = arith.addi %mul3A_8, %arg1 : i32
    %mul3A_9 = arith.constant 80 : i32
    %mul3A_10 = arith.muli %add3A, %mul3A_9 : i32
    %dma_start3A = arith.constant 0 : i32
    %dma_start3A_11 = arith.constant 0 : i32
    %dma_start3A_12 = tpu.memref_slice %arg4[%mul3A_10, %dma_start3A, %dma_start3A_11] : memref<2560x2x125xi32, #tpu.memory_space<hbm>> -> memref<1x2x125xi32, #tpu.memory_space<hbm>>
    %dma_start3A_13 = tpu.memref_squeeze %dma_start3A_12 : memref<1x2x125xi32, #tpu.memory_space<hbm>> -> memref<2x125xi32, #tpu.memory_space<hbm>>
    %dma_start3A_14 = arith.constant 0 : i32
    %dma_start3A_15 = arith.constant 0 : i32
    %dma_start3A_16 = tpu.memref_slice %arg4[%mul3A_10, %dma_start3A_14, %dma_start3A_15] : memref<2560x2x125xi32, #tpu.memory_space<hbm>> -> memref<1x2x125xi32, #tpu.memory_space<hbm>>
    %dma_start3A_17 = tpu.memref_squeeze %dma_start3A_16 : memref<1x2x125xi32, #tpu.memory_space<hbm>> -> memref<2x125xi32, #tpu.memory_space<hbm>>
    tpu.enqueue_dma source(%dma_start3A_17 : memref<2x125xi32, #tpu.memory_space<hbm>>) target(%arg6 : memref<2x125xi32, #tpu.memory_space<vmem>>) target_semaphore(%arg11 : memref<!tpu.dma_semaphore, #tpu.memory_space<semaphore_mem>>)
    %add3A_18 = arith.constant 1 : i32
    %add3A_19 = arith.addi %mul3A_10, %add3A_18 : i32
    %dma_start3A_20 = arith.constant 0 : i32
    %dma_start3A_21 = arith.constant 0 : i32
    %dma_start3A_22 = tpu.memref_slice %arg4[%add3A_19, %dma_start3A_20, %dma_start3A_21] : memref<2560x2x125xi32, #tpu.memory_space<hbm>> -> memref<1x2x125xi32, #tpu.memory_space<hbm>>
    %dma_start3A_23 = tpu.memref_squeeze %dma_start3A_22 : memref<1x2x125xi32, #tpu.memory_space<hbm>> -> memref<2x125xi32, #tpu.memory_space<hbm>>
    %dma_start3A_24 = arith.constant 0 : i32
    %dma_start3A_25 = arith.constant 0 : i32
    %dma_start3A_26 = tpu.memref_slice %arg4[%add3A_19, %dma_start3A_24, %dma_start3A_25] : memref<2560x2x125xi32, #tpu.memory_space<hbm>> -> memref<1x2x125xi32, #tpu.memory_space<hbm>>
    %dma_start3A_27 = tpu.memref_squeeze %dma_start3A_26 : memref<1x2x125xi32, #tpu.memory_space<hbm>> -> memref<2x125xi32, #tpu.memory_space<hbm>>
    tpu.enqueue_dma source(%dma_start3A_27 : memref<2x125xi32, #tpu.memory_space<hbm>>) target(%arg7 : memref<2x125xi32, #tpu.memory_space<vmem>>) target_semaphore(%arg12 : memref<!tpu.dma_semaphore, #tpu.memory_space<semaphore_mem>>)
    %dma_wait3A = arith.constant 0 : i32
    %dma_wait3A_28 = arith.constant 0 : i32
    %dma_wait3A_29 = tpu.memref_slice %arg4[%mul3A_10, %dma_wait3A, %dma_wait3A_28] : memref<2560x2x125xi32, #tpu.memory_space<hbm>> -> memref<1x2x125xi32, #tpu.memory_space<hbm>>
    %dma_wait3A_30 = tpu.memref_squeeze %dma_wait3A_29 : memref<1x2x125xi32, #tpu.memory_space<hbm>> -> memref<2x125xi32, #tpu.memory_space<hbm>>
    %dma_wait3A_31 = arith.constant 0 : i32
    %dma_wait3A_32 = arith.constant 0 : i32
    %dma_wait3A_33 = tpu.memref_slice %arg4[%mul3A_10, %dma_wait3A_31, %dma_wait3A_32] : memref<2560x2x125xi32, #tpu.memory_space<hbm>> -> memref<1x2x125xi32, #tpu.memory_space<hbm>>
    %dma_wait3A_34 = tpu.memref_squeeze %dma_wait3A_33 : memref<1x2x125xi32, #tpu.memory_space<hbm>> -> memref<2x125xi32, #tpu.memory_space<hbm>>
    tpu.wait_dma2 semaphore(%arg11 : memref<!tpu.dma_semaphore, #tpu.memory_space<semaphore_mem>>) src(%dma_wait3A_34 : memref<2x125xi32, #tpu.memory_space<hbm>>) dst(%arg6 : memref<2x125xi32, #tpu.memory_space<vmem>>)
    %dma_start3A_35 = arith.constant 0 : i32
    %dma_start3A_36 = arith.constant 0 : i32
    %dma_start3A_37 = tpu.memref_slice %arg6[%dma_start3A_35, %dma_start3A_36] : memref<2x125xi32, #tpu.memory_space<vmem>> -> memref<1x125xi32, #tpu.memory_space<vmem>>
    %dma_start3A_38 = tpu.memref_squeeze %dma_start3A_37 : memref<1x125xi32, #tpu.memory_space<vmem>> -> memref<125xi32, #tpu.memory_space<vmem>>
    %dma_start3A_39 = arith.constant 0 : i32
    %dma_start3A_40 = arith.constant 0 : i32
    %dma_start3A_41 = tpu.memref_slice %arg2[%dma_start3A_39, %dma_start3A_40] : memref<10000x128xf32, #tpu.memory_space<hbm>> -> memref<10000x128xf32, #tpu.memory_space<hbm>>
    tpu.enqueue_indirect_dma source(%dma_start3A_41 : memref<10000x128xf32, #tpu.memory_space<hbm>>) target(%arg8 : memref<125x128xf32, #tpu.memory_space<vmem>>) offsets(%dma_start3A_38 : memref<125xi32, #tpu.memory_space<vmem>>) semaphore(%arg13 : memref<!tpu.dma_semaphore, #tpu.memory_space<semaphore_mem>>)
    %scan3A = arith.constant 0 : i32
    %scan3A_42 = arith.constant 0 : i32
    %scan3A_43 = arith.constant 40 : i32
    %scan3A_44 = arith.addi %scan3A_42, %scan3A_43 : i32
    %scan3A_45 = arith.constant 1 : i32
    scf.for %scan3A_48 = %scan3A_42 to %scan3A_44 step %scan3A_45  : i32 {
      %mul3A_49 = arith.constant 2 : i32
      %mul3A_50 = arith.muli %mul3A_49, %scan3A_48 : i32
      %add3A_51 = arith.constant 1 : i32
      %add3A_52 = arith.addi %mul3A_50, %add3A_51 : i32
      %lt3A = arith.constant 80 : i32
      %lt3A_53 = arith.cmpi slt, %add3A_52, %lt3A : i32
      %convert_element_type3A_54 = arith.extui %lt3A_53 : i1 to i32
      %cond3A_55 = arith.constant 0 : i32
      %cond3A_56 = arith.cmpi ne, %convert_element_type3A_54, %cond3A_55 : i32
      scf.if %cond3A_56 {
        %add3A_97 = arith.addi %mul3A_10, %mul3A_50 : i32
        %add3A_98 = arith.constant 1 : i32
        %add3A_99 = arith.addi %add3A_97, %add3A_98 : i32
        %dma_wait3A_100 = arith.constant 0 : i32
        %dma_wait3A_101 = arith.constant 0 : i32
        %dma_wait3A_102 = tpu.memref_slice %arg4[%add3A_99, %dma_wait3A_100, %dma_wait3A_101] : memref<2560x2x125xi32, #tpu.memory_space<hbm>> -> memref<1x2x125xi32, #tpu.memory_space<hbm>>
        %dma_wait3A_103 = tpu.memref_squeeze %dma_wait3A_102 : memref<1x2x125xi32, #tpu.memory_space<hbm>> -> memref<2x125xi32, #tpu.memory_space<hbm>>
        %dma_wait3A_104 = arith.constant 0 : i32
        %dma_wait3A_105 = arith.constant 0 : i32
        %dma_wait3A_106 = tpu.memref_slice %arg4[%add3A_99, %dma_wait3A_104, %dma_wait3A_105] : memref<2560x2x125xi32, #tpu.memory_space<hbm>> -> memref<1x2x125xi32, #tpu.memory_space<hbm>>
        %dma_wait3A_107 = tpu.memref_squeeze %dma_wait3A_106 : memref<1x2x125xi32, #tpu.memory_space<hbm>> -> memref<2x125xi32, #tpu.memory_space<hbm>>
        tpu.wait_dma2 semaphore(%arg12 : memref<!tpu.dma_semaphore, #tpu.memory_space<semaphore_mem>>) src(%dma_wait3A_107 : memref<2x125xi32, #tpu.memory_space<hbm>>) dst(%arg7 : memref<2x125xi32, #tpu.memory_space<vmem>>)
        %dma_start3A_108 = arith.constant 0 : i32
        %dma_start3A_109 = arith.constant 0 : i32
        %dma_start3A_110 = tpu.memref_slice %arg7[%dma_start3A_108, %dma_start3A_109] : memref<2x125xi32, #tpu.memory_space<vmem>> -> memref<1x125xi32, #tpu.memory_space<vmem>>
        %dma_start3A_111 = tpu.memref_squeeze %dma_start3A_110 : memref<1x125xi32, #tpu.memory_space<vmem>> -> memref<125xi32, #tpu.memory_space<vmem>>
        %dma_start3A_112 = arith.constant 0 : i32
        %dma_start3A_113 = arith.constant 0 : i32
        %dma_start3A_114 = tpu.memref_slice %arg2[%dma_start3A_112, %dma_start3A_113] : memref<10000x128xf32, #tpu.memory_space<hbm>> -> memref<10000x128xf32, #tpu.memory_space<hbm>>
        tpu.enqueue_indirect_dma source(%dma_start3A_114 : memref<10000x128xf32, #tpu.memory_space<hbm>>) target(%arg9 : memref<125x128xf32, #tpu.memory_space<vmem>>) offsets(%dma_start3A_111 : memref<125xi32, #tpu.memory_space<vmem>>) semaphore(%arg14 : memref<!tpu.dma_semaphore, #tpu.memory_space<semaphore_mem>>)
      } else {
      }
      %dma_wait3A_57 = arith.constant 0 : i32
      %dma_wait3A_58 = arith.constant 0 : i32
      %dma_wait3A_59 = tpu.memref_slice %arg6[%dma_wait3A_57, %dma_wait3A_58] : memref<2x125xi32, #tpu.memory_space<vmem>> -> memref<1x125xi32, #tpu.memory_space<vmem>>
      %dma_wait3A_60 = tpu.memref_squeeze %dma_wait3A_59 : memref<1x125xi32, #tpu.memory_space<vmem>> -> memref<125xi32, #tpu.memory_space<vmem>>
      %dma_wait3A_61 = arith.constant 0 : i32
      %dma_wait3A_62 = arith.constant 0 : i32
      %dma_wait3A_63 = tpu.memref_slice %arg2[%dma_wait3A_61, %dma_wait3A_62] : memref<10000x128xf32, #tpu.memory_space<hbm>> -> memref<10000x128xf32, #tpu.memory_space<hbm>>
      tpu.wait_indirect_dma semaphore(%arg13 : memref<!tpu.dma_semaphore, #tpu.memory_space<semaphore_mem>>) src(%dma_wait3A_63 : memref<10000x128xf32, #tpu.memory_space<hbm>>) dst(%arg8 : memref<125x128xf32, #tpu.memory_space<vmem>>)
      %run_scoped3A = arith.constant 1 : i32
      "tpu.region"() ({
        %run_scoped3A_97 = tpu.sem_alloc : memref<!tpu.dma_semaphore, #tpu.memory_space<semaphore_mem>>
        %dma_start3A_98 = arith.constant 0 : i32
        %dma_start3A_99 = tpu.memref_slice %arg6[%run_scoped3A, %dma_start3A_98] : memref<2x125xi32, #tpu.memory_space<vmem>> -> memref<1x125xi32, #tpu.memory_space<vmem>>
        %dma_start3A_100 = tpu.memref_squeeze %dma_start3A_99 : memref<1x125xi32, #tpu.memory_space<vmem>> -> memref<125xi32, #tpu.memory_space<vmem>>
        %dma_start3A_101 = arith.constant 0 : i32
        %dma_start3A_102 = arith.constant 0 : i32
        %dma_start3A_103 = tpu.memref_slice %arg10[%dma_start3A_101, %dma_start3A_102] : memref<10000x128xf32, #tpu.memory_space<vmem_shared>> -> memref<10000x128xf32, #tpu.memory_space<vmem_shared>>
        tpu.enqueue_indirect_dma source(%arg8 : memref<125x128xf32, #tpu.memory_space<vmem>>) target(%dma_start3A_103 : memref<10000x128xf32, #tpu.memory_space<vmem_shared>>) offsets(%dma_start3A_100 : memref<125xi32, #tpu.memory_space<vmem>>) semaphore(%run_scoped3A_97 : memref<!tpu.dma_semaphore, #tpu.memory_space<semaphore_mem>>) {add = true}
        %dma_wait3A_104 = arith.constant 0 : i32
        %dma_wait3A_105 = tpu.memref_slice %arg6[%run_scoped3A, %dma_wait3A_104] : memref<2x125xi32, #tpu.memory_space<vmem>> -> memref<1x125xi32, #tpu.memory_space<vmem>>
        %dma_wait3A_106 = tpu.memref_squeeze %dma_wait3A_105 : memref<1x125xi32, #tpu.memory_space<vmem>> -> memref<125xi32, #tpu.memory_space<vmem>>
        %dma_wait3A_107 = arith.constant 0 : i32
        %dma_wait3A_108 = arith.constant 0 : i32
        %dma_wait3A_109 = tpu.memref_slice %arg10[%dma_wait3A_107, %dma_wait3A_108] : memref<10000x128xf32, #tpu.memory_space<vmem_shared>> -> memref<10000x128xf32, #tpu.memory_space<vmem_shared>>
        tpu.wait_indirect_dma semaphore(%run_scoped3A_97 : memref<!tpu.dma_semaphore, #tpu.memory_space<semaphore_mem>>) src(%arg8 : memref<125x128xf32, #tpu.memory_space<vmem>>) dst(%dma_wait3A_109 : memref<10000x128xf32, #tpu.memory_space<vmem_shared>>)
        tpu.yield
      }) : () -> ()
      %add3A_64 = arith.constant 2 : i32
      %add3A_65 = arith.addi %mul3A_50, %add3A_64 : i32
      %lt3A_66 = arith.constant 80 : i32
      %lt3A_67 = arith.cmpi slt, %add3A_65, %lt3A_66 : i32
      %convert_element_type3A_68 = arith.extui %lt3A_67 : i1 to i32
      %cond3A_69 = arith.constant 0 : i32
      %cond3A_70 = arith.cmpi ne, %convert_element_type3A_68, %cond3A_69 : i32
      scf.if %cond3A_70 {
        %add3A_97 = arith.addi %mul3A_10, %mul3A_50 : i32
        %add3A_98 = arith.constant 2 : i32
        %add3A_99 = arith.addi %add3A_97, %add3A_98 : i32
        %dma_start3A_100 = arith.constant 0 : i32
        %dma_start3A_101 = arith.constant 0 : i32
        %dma_start3A_102 = tpu.memref_slice %arg4[%add3A_99, %dma_start3A_100, %dma_start3A_101] : memref<2560x2x125xi32, #tpu.memory_space<hbm>> -> memref<1x2x125xi32, #tpu.memory_space<hbm>>
        %dma_start3A_103 = tpu.memref_squeeze %dma_start3A_102 : memref<1x2x125xi32, #tpu.memory_space<hbm>> -> memref<2x125xi32, #tpu.memory_space<hbm>>
        %dma_start3A_104 = arith.constant 0 : i32
        %dma_start3A_105 = arith.constant 0 : i32
        %dma_start3A_106 = tpu.memref_slice %arg4[%add3A_99, %dma_start3A_104, %dma_start3A_105] : memref<2560x2x125xi32, #tpu.memory_space<hbm>> -> memref<1x2x125xi32, #tpu.memory_space<hbm>>
        %dma_start3A_107 = tpu.memref_squeeze %dma_start3A_106 : memref<1x2x125xi32, #tpu.memory_space<hbm>> -> memref<2x125xi32, #tpu.memory_space<hbm>>
        tpu.enqueue_dma source(%dma_start3A_107 : memref<2x125xi32, #tpu.memory_space<hbm>>) target(%arg6 : memref<2x125xi32, #tpu.memory_space<vmem>>) target_semaphore(%arg11 : memref<!tpu.dma_semaphore, #tpu.memory_space<semaphore_mem>>)
      } else {
      }
      %mul3A_71 = arith.constant 2 : i32
      %mul3A_72 = arith.muli %mul3A_71, %scan3A_48 : i32
      %add3A_73 = arith.constant 1 : i32
      %add3A_74 = arith.addi %mul3A_72, %add3A_73 : i32
      %add3A_75 = arith.constant 1 : i32
      %add3A_76 = arith.addi %add3A_74, %add3A_75 : i32
      %lt3A_77 = arith.constant 80 : i32
      %lt3A_78 = arith.cmpi slt, %add3A_76, %lt3A_77 : i32
      %convert_element_type3A_79 = arith.extui %lt3A_78 : i1 to i32
      %cond3A_80 = arith.constant 0 : i32
      %cond3A_81 = arith.cmpi ne, %convert_element_type3A_79, %cond3A_80 : i32
      scf.if %cond3A_81 {
        %add3A_97 = arith.addi %mul3A_10, %add3A_74 : i32
        %add3A_98 = arith.constant 1 : i32
        %add3A_99 = arith.addi %add3A_97, %add3A_98 : i32
        %dma_wait3A_100 = arith.constant 0 : i32
        %dma_wait3A_101 = arith.constant 0 : i32
        %dma_wait3A_102 = tpu.memref_slice %arg4[%add3A_99, %dma_wait3A_100, %dma_wait3A_101] : memref<2560x2x125xi32, #tpu.memory_space<hbm>> -> memref<1x2x125xi32, #tpu.memory_space<hbm>>
        %dma_wait3A_103 = tpu.memref_squeeze %dma_wait3A_102 : memref<1x2x125xi32, #tpu.memory_space<hbm>> -> memref<2x125xi32, #tpu.memory_space<hbm>>
        %dma_wait3A_104 = arith.constant 0 : i32
        %dma_wait3A_105 = arith.constant 0 : i32
        %dma_wait3A_106 = tpu.memref_slice %arg4[%add3A_99, %dma_wait3A_104, %dma_wait3A_105] : memref<2560x2x125xi32, #tpu.memory_space<hbm>> -> memref<1x2x125xi32, #tpu.memory_space<hbm>>
        %dma_wait3A_107 = tpu.memref_squeeze %dma_wait3A_106 : memref<1x2x125xi32, #tpu.memory_space<hbm>> -> memref<2x125xi32, #tpu.memory_space<hbm>>
        tpu.wait_dma2 semaphore(%arg11 : memref<!tpu.dma_semaphore, #tpu.memory_space<semaphore_mem>>) src(%dma_wait3A_107 : memref<2x125xi32, #tpu.memory_space<hbm>>) dst(%arg6 : memref<2x125xi32, #tpu.memory_space<vmem>>)
        %dma_start3A_108 = arith.constant 0 : i32
        %dma_start3A_109 = arith.constant 0 : i32
        %dma_start3A_110 = tpu.memref_slice %arg6[%dma_start3A_108, %dma_start3A_109] : memref<2x125xi32, #tpu.memory_space<vmem>> -> memref<1x125xi32, #tpu.memory_space<vmem>>
        %dma_start3A_111 = tpu.memref_squeeze %dma_start3A_110 : memref<1x125xi32, #tpu.memory_space<vmem>> -> memref<125xi32, #tpu.memory_space<vmem>>
        %dma_start3A_112 = arith.constant 0 : i32
        %dma_start3A_113 = arith.constant 0 : i32
        %dma_start3A_114 = tpu.memref_slice %arg2[%dma_start3A_112, %dma_start3A_113] : memref<10000x128xf32, #tpu.memory_space<hbm>> -> memref<10000x128xf32, #tpu.memory_space<hbm>>
        tpu.enqueue_indirect_dma source(%dma_start3A_114 : memref<10000x128xf32, #tpu.memory_space<hbm>>) target(%arg8 : memref<125x128xf32, #tpu.memory_space<vmem>>) offsets(%dma_start3A_111 : memref<125xi32, #tpu.memory_space<vmem>>) semaphore(%arg13 : memref<!tpu.dma_semaphore, #tpu.memory_space<semaphore_mem>>)
      } else {
      }
      %dma_wait3A_82 = arith.constant 0 : i32
      %dma_wait3A_83 = arith.constant 0 : i32
      %dma_wait3A_84 = tpu.memref_slice %arg7[%dma_wait3A_82, %dma_wait3A_83] : memref<2x125xi32, #tpu.memory_space<vmem>> -> memref<1x125xi32, #tpu.memory_space<vmem>>
      %dma_wait3A_85 = tpu.memref_squeeze %dma_wait3A_84 : memref<1x125xi32, #tpu.memory_space<vmem>> -> memref<125xi32, #tpu.memory_space<vmem>>
      %dma_wait3A_86 = arith.constant 0 : i32
      %dma_wait3A_87 = arith.constant 0 : i32
      %dma_wait3A_88 = tpu.memref_slice %arg2[%dma_wait3A_86, %dma_wait3A_87] : memref<10000x128xf32, #tpu.memory_space<hbm>> -> memref<10000x128xf32, #tpu.memory_space<hbm>>
      tpu.wait_indirect_dma semaphore(%arg14 : memref<!tpu.dma_semaphore, #tpu.memory_space<semaphore_mem>>) src(%dma_wait3A_88 : memref<10000x128xf32, #tpu.memory_space<hbm>>) dst(%arg9 : memref<125x128xf32, #tpu.memory_space<vmem>>)
      %run_scoped3A_89 = arith.constant 1 : i32
      "tpu.region"() ({
        %run_scoped3A_97 = tpu.sem_alloc : memref<!tpu.dma_semaphore, #tpu.memory_space<semaphore_mem>>
        %dma_start3A_98 = arith.constant 0 : i32
        %dma_start3A_99 = tpu.memref_slice %arg7[%run_scoped3A_89, %dma_start3A_98] : memref<2x125xi32, #tpu.memory_space<vmem>> -> memref<1x125xi32, #tpu.memory_space<vmem>>
        %dma_start3A_100 = tpu.memref_squeeze %dma_start3A_99 : memref<1x125xi32, #tpu.memory_space<vmem>> -> memref<125xi32, #tpu.memory_space<vmem>>
        %dma_start3A_101 = arith.constant 0 : i32
        %dma_start3A_102 = arith.constant 0 : i32
        %dma_start3A_103 = tpu.memref_slice %arg10[%dma_start3A_101, %dma_start3A_102] : memref<10000x128xf32, #tpu.memory_space<vmem_shared>> -> memref<10000x128xf32, #tpu.memory_space<vmem_shared>>
        tpu.enqueue_indirect_dma source(%arg9 : memref<125x128xf32, #tpu.memory_space<vmem>>) target(%dma_start3A_103 : memref<10000x128xf32, #tpu.memory_space<vmem_shared>>) offsets(%dma_start3A_100 : memref<125xi32, #tpu.memory_space<vmem>>) semaphore(%run_scoped3A_97 : memref<!tpu.dma_semaphore, #tpu.memory_space<semaphore_mem>>) {add = true}
        %dma_wait3A_104 = arith.constant 0 : i32
        %dma_wait3A_105 = tpu.memref_slice %arg7[%run_scoped3A_89, %dma_wait3A_104] : memref<2x125xi32, #tpu.memory_space<vmem>> -> memref<1x125xi32, #tpu.memory_space<vmem>>
        %dma_wait3A_106 = tpu.memref_squeeze %dma_wait3A_105 : memref<1x125xi32, #tpu.memory_space<vmem>> -> memref<125xi32, #tpu.memory_space<vmem>>
        %dma_wait3A_107 = arith.constant 0 : i32
        %dma_wait3A_108 = arith.constant 0 : i32
        %dma_wait3A_109 = tpu.memref_slice %arg10[%dma_wait3A_107, %dma_wait3A_108] : memref<10000x128xf32, #tpu.memory_space<vmem_shared>> -> memref<10000x128xf32, #tpu.memory_space<vmem_shared>>
        tpu.wait_indirect_dma semaphore(%run_scoped3A_97 : memref<!tpu.dma_semaphore, #tpu.memory_space<semaphore_mem>>) src(%arg9 : memref<125x128xf32, #tpu.memory_space<vmem>>) dst(%dma_wait3A_109 : memref<10000x128xf32, #tpu.memory_space<vmem_shared>>)
        tpu.yield
      }) : () -> ()
      %add3A_90 = arith.constant 2 : i32
      %add3A_91 = arith.addi %add3A_74, %add3A_90 : i32
      %lt3A_92 = arith.constant 80 : i32
      %lt3A_93 = arith.cmpi slt, %add3A_91, %lt3A_92 : i32
      %convert_element_type3A_94 = arith.extui %lt3A_93 : i1 to i32
      %cond3A_95 = arith.constant 0 : i32
      %cond3A_96 = arith.cmpi ne, %convert_element_type3A_94, %cond3A_95 : i32
      scf.if %cond3A_96 {
        %add3A_97 = arith.addi %mul3A_10, %add3A_74 : i32
        %add3A_98 = arith.constant 2 : i32
        %add3A_99 = arith.addi %add3A_97, %add3A_98 : i32
        %dma_start3A_100 = arith.constant 0 : i32
        %dma_start3A_101 = arith.constant 0 : i32
        %dma_start3A_102 = tpu.memref_slice %arg4[%add3A_99, %dma_start3A_100, %dma_start3A_101] : memref<2560x2x125xi32, #tpu.memory_space<hbm>> -> memref<1x2x125xi32, #tpu.memory_space<hbm>>
        %dma_start3A_103 = tpu.memref_squeeze %dma_start3A_102 : memref<1x2x125xi32, #tpu.memory_space<hbm>> -> memref<2x125xi32, #tpu.memory_space<hbm>>
        %dma_start3A_104 = arith.constant 0 : i32
        %dma_start3A_105 = arith.constant 0 : i32
        %dma_start3A_106 = tpu.memref_slice %arg4[%add3A_99, %dma_start3A_104, %dma_start3A_105] : memref<2560x2x125xi32, #tpu.memory_space<hbm>> -> memref<1x2x125xi32, #tpu.memory_space<hbm>>
        %dma_start3A_107 = tpu.memref_squeeze %dma_start3A_106 : memref<1x2x125xi32, #tpu.memory_space<hbm>> -> memref<2x125xi32, #tpu.memory_space<hbm>>
        tpu.enqueue_dma source(%dma_start3A_107 : memref<2x125xi32, #tpu.memory_space<hbm>>) target(%arg7 : memref<2x125xi32, #tpu.memory_space<vmem>>) target_semaphore(%arg12 : memref<!tpu.dma_semaphore, #tpu.memory_space<semaphore_mem>>)
      } else {
      }
    }
    %scan3A_46 = arith.constant 40 : i32
    %barrier3A_47 = arith.constant 0 : index
    tpu.barrier barrier_id(%barrier3A_47)
    "tpu.region"() ({
      %run_scoped3A = tpu.sem_alloc : memref<!tpu.dma_semaphore, #tpu.memory_space<semaphore_mem>>
      %dma_start3A_48 = arith.constant 0 : i32
      %dma_start3A_49 = tpu.memref_slice %arg5[%arg0, %mul3A_0, %dma_start3A_48] : memref<2x10000x128xf32, #tpu.memory_space<hbm>> -> memref<1x625x128xf32, #tpu.memory_space<hbm>>
      %dma_start3A_50 = tpu.memref_squeeze %dma_start3A_49 : memref<1x625x128xf32, #tpu.memory_space<hbm>> -> memref<625x128xf32, #tpu.memory_space<hbm>>
      %dma_start3A_51 = arith.constant 0 : i32
      %dma_start3A_52 = tpu.memref_slice %arg10[%mul3A_0, %dma_start3A_51] : memref<10000x128xf32, #tpu.memory_space<vmem_shared>> -> memref<625x128xf32, #tpu.memory_space<vmem_shared>>
      tpu.enqueue_dma source(%dma_start3A_52 : memref<625x128xf32, #tpu.memory_space<vmem_shared>>) target(%dma_start3A_50 : memref<625x128xf32, #tpu.memory_space<hbm>>) target_semaphore(%run_scoped3A : memref<!tpu.dma_semaphore, #tpu.memory_space<semaphore_mem>>)
      %dma_wait3A_53 = arith.constant 0 : i32
      %dma_wait3A_54 = tpu.memref_slice %arg5[%arg0, %mul3A_0, %dma_wait3A_53] : memref<2x10000x128xf32, #tpu.memory_space<hbm>> -> memref<1x625x128xf32, #tpu.memory_space<hbm>>
      %dma_wait3A_55 = tpu.memref_squeeze %dma_wait3A_54 : memref<1x625x128xf32, #tpu.memory_space<hbm>> -> memref<625x128xf32, #tpu.memory_space<hbm>>
      %dma_wait3A_56 = arith.constant 0 : i32
      %dma_wait3A_57 = tpu.memref_slice %arg10[%mul3A_0, %dma_wait3A_56] : memref<10000x128xf32, #tpu.memory_space<vmem_shared>> -> memref<625x128xf32, #tpu.memory_space<vmem_shared>>
      tpu.wait_dma2 semaphore(%run_scoped3A : memref<!tpu.dma_semaphore, #tpu.memory_space<semaphore_mem>>) src(%dma_wait3A_57 : memref<625x128xf32, #tpu.memory_space<vmem_shared>>) dst(%dma_wait3A_55 : memref<625x128xf32, #tpu.memory_space<hbm>>)
      tpu.yield
    }) : () -> ()
    return
  }
}

module attributes {stable_mosaic.version = 14 : i64} {
  func.func @body(%arg0: i32, %arg1: memref<1000x128xf32, #tpu.memory_space<vmem>>, %arg2: memref<128x128xf32, #tpu.memory_space<vmem>>, %arg3: memref<1x128xf32, #tpu.memory_space<vmem>>, %arg4: memref<1000x16xf32, #tpu.memory_space<vmem>>, %arg5: memref<1000x16xf32, #tpu.memory_space<vmem>>, %arg6: memref<1000x128xf32, #tpu.memory_space<vmem>>, %arg7: memref<1000x1xf32, #tpu.memory_space<vmem>>) attributes {dimension_semantics = [#tpu.dimension_semantics<arbitrary>], iteration_bounds = array<i64: 10>, scalar_prefetch = 0 : i64, scratch_operands = 0 : i64, tpu.core_type = #tpu.core_type<tc>, window_params = [{transform_indices = @transform_0, window_bounds = array<i64: 1000, 128>}, {pipeline_mode = #tpu.pipeline_mode<synchronous>, transform_indices = @transform_1, window_bounds = array<i64: 128, 128>}, {pipeline_mode = #tpu.pipeline_mode<synchronous>, transform_indices = @transform_2, window_bounds = array<i64: 1, 128>}, {transform_indices = @transform_3, window_bounds = array<i64: 1000, 16>}, {transform_indices = @transform_4, window_bounds = array<i64: 1000, 16>}, {transform_indices = @transform_5, window_bounds = array<i64: 1000, 128>}, {transform_indices = @transform_6, window_bounds = array<i64: 1000, 1>}]} {
    %get3A = arith.constant 0 : index
    %get3A_0 = arith.constant 0 : index
    %get3A_1 = vector.load %arg4[%get3A, %get3A_0] : memref<1000x16xf32, #tpu.memory_space<vmem>>, vector<1000x1xf32>
    %get3A_2 = arith.constant 0 : index
    %get3A_3 = arith.constant 0 : index
    %get3A_4 = vector.load %arg5[%get3A_2, %get3A_3] : memref<1000x16xf32, #tpu.memory_space<vmem>>, vector<1000x1xf32>
    %add3A = arith.addf %get3A_1, %get3A_4 : vector<1000x1xf32>
    %add3A_5 = arith.constant 1.000000e+00 : f32
    %add3A_6 = vector.broadcast %add3A_5 : f32 to vector<1000x1xf32>
    %add3A_7 = arith.addf %add3A, %add3A_6 : vector<1000x1xf32>
    %rsqrt3A = math.rsqrt %add3A_7 : vector<1000x1xf32>
    %get3A_8 = arith.constant 0 : index
    %get3A_9 = arith.constant 0 : index
    %get3A_10 = vector.load %arg1[%get3A_8, %get3A_9] : memref<1000x128xf32, #tpu.memory_space<vmem>>, vector<1000x128xf32>
    %get3A_11 = arith.constant 0 : index
    %get3A_12 = arith.constant 0 : index
    %get3A_13 = vector.load %arg2[%get3A_11, %get3A_12] : memref<128x128xf32, #tpu.memory_space<vmem>>, vector<128x128xf32>
    %dot_general3A = arith.constant dense<0.000000e+00> : vector<1000x128xf32>
    %dot_general3A_14 = tpu.matmul %get3A_10, %get3A_13, %dot_general3A {dimension_numbers = #tpu.dot_dimension_numbers<[1], [0], [0], [1], [0, 0, 1, 1], [], []>, transpose_lhs_hint = false} : vector<1000x128xf32>, vector<128x128xf32>, vector<1000x128xf32> -> vector<1000x128xf32>
    %get3A_15 = arith.constant 0 : index
    %get3A_16 = arith.constant 0 : index
    %get3A_17 = vector.load %arg3[%get3A_15, %get3A_16] : memref<1x128xf32, #tpu.memory_space<vmem>>, vector<1x128xf32>
    %add3A_18 = vector.broadcast %get3A_17 : vector<1x128xf32> to vector<1000x128xf32>
    %add3A_19 = arith.addf %dot_general3A_14, %add3A_18 : vector<1000x128xf32>
    %mul3A = vector.broadcast %rsqrt3A : vector<1000x1xf32> to vector<1000x128xf32>
    %mul3A_20 = arith.mulf %add3A_19, %mul3A : vector<1000x128xf32>
    %swap3A = arith.constant 0 : index
    %swap3A_21 = arith.constant 0 : index
    %swap3A_22 = vector.load %arg6[%swap3A, %swap3A_21] : memref<1000x128xf32, #tpu.memory_space<vmem>>, vector<1000x128xf32>
    tpu.vector_store %arg6[%swap3A, %swap3A_21], %mul3A_20 {strides = array<i32>} : memref<1000x128xf32, #tpu.memory_space<vmem>>, vector<1000x128xf32>,
    %swap3A_23 = arith.constant 0 : index
    %swap3A_24 = arith.constant 0 : index
    %swap3A_25 = vector.load %arg7[%swap3A_23, %swap3A_24] : memref<1000x1xf32, #tpu.memory_space<vmem>>, vector<1000x1xf32>
    tpu.vector_store %arg7[%swap3A_23, %swap3A_24], %rsqrt3A {strides = array<i32>} : memref<1000x1xf32, #tpu.memory_space<vmem>>, vector<1000x1xf32>,
    return
  }
  func.func @transform_0(%arg0: i32) -> (i32, i32) {
    %c0_i32 = arith.constant 0 : i32
    %c0_i32_0 = arith.constant 0 : i32
    return %arg0, %c0_i32 : i32, i32
  }
  func.func @transform_1(%arg0: i32) -> (i32, i32) {
    %c0_i32 = arith.constant 0 : i32
    %c0_i32_0 = arith.constant 0 : i32
    %c0_i32_1 = arith.constant 0 : i32
    return %c0_i32, %c0_i32_0 : i32, i32
  }
  func.func @transform_2(%arg0: i32) -> (i32, i32) {
    %c0_i32 = arith.constant 0 : i32
    %c0_i32_0 = arith.constant 0 : i32
    %c0_i32_1 = arith.constant 0 : i32
    return %c0_i32, %c0_i32_0 : i32, i32
  }
  func.func @transform_3(%arg0: i32) -> (i32, i32) {
    %c0_i32 = arith.constant 0 : i32
    %c0_i32_0 = arith.constant 0 : i32
    return %arg0, %c0_i32 : i32, i32
  }
  func.func @transform_4(%arg0: i32) -> (i32, i32) {
    %c0_i32 = arith.constant 0 : i32
    %c0_i32_0 = arith.constant 0 : i32
    return %arg0, %c0_i32 : i32, i32
  }
  func.func @transform_5(%arg0: i32) -> (i32, i32) {
    %c0_i32 = arith.constant 0 : i32
    %c0_i32_0 = arith.constant 0 : i32
    return %arg0, %c0_i32 : i32, i32
  }
  func.func @transform_6(%arg0: i32) -> (i32, i32) {
    %c0_i32 = arith.constant 0 : i32
    %c0_i32_0 = arith.constant 0 : i32
    return %arg0, %c0_i32 : i32, i32
  }
}

module attributes {stable_mosaic.version = 14 : i64} {
  func.func @body(%arg0: i32, %arg1: memref<1000x128xf32, #tpu.memory_space<vmem>>, %arg2: memref<1000x128xf32, #tpu.memory_space<vmem>>, %arg3: memref<1000x1xf32, #tpu.memory_space<vmem>>, %arg4: memref<1x128xf32, #tpu.memory_space<vmem>>, %arg5: memref<128x128xf32, #tpu.memory_space<vmem>>, %arg6: memref<1000x128xf32, #tpu.memory_space<vmem>>) attributes {dimension_semantics = [#tpu.dimension_semantics<arbitrary>], iteration_bounds = array<i64: 10>, scalar_prefetch = 0 : i64, scratch_operands = 0 : i64, tpu.core_type = #tpu.core_type<tc>, window_params = [{transform_indices = @transform_0, window_bounds = array<i64: 1000, 128>}, {transform_indices = @transform_1, window_bounds = array<i64: 1000, 128>}, {transform_indices = @transform_2, window_bounds = array<i64: 1000, 1>}, {pipeline_mode = #tpu.pipeline_mode<synchronous>, transform_indices = @transform_3, window_bounds = array<i64: 1, 128>}, {pipeline_mode = #tpu.pipeline_mode<synchronous>, transform_indices = @transform_4, window_bounds = array<i64: 128, 128>}, {transform_indices = @transform_5, window_bounds = array<i64: 1000, 128>}]} {
    %get3A = arith.constant 0 : index
    %get3A_0 = arith.constant 0 : index
    %get3A_1 = vector.load %arg3[%get3A, %get3A_0] : memref<1000x1xf32, #tpu.memory_space<vmem>>, vector<1000x1xf32>
    %get3A_2 = arith.constant 0 : index
    %get3A_3 = arith.constant 0 : index
    %get3A_4 = vector.load %arg1[%get3A_2, %get3A_3] : memref<1000x128xf32, #tpu.memory_space<vmem>>, vector<1000x128xf32>
    %get3A_5 = arith.constant 0 : index
    %get3A_6 = arith.constant 0 : index
    %get3A_7 = vector.load %arg2[%get3A_5, %get3A_6] : memref<1000x128xf32, #tpu.memory_space<vmem>>, vector<1000x128xf32>
    %add3A = arith.addf %get3A_4, %get3A_7 : vector<1000x128xf32>
    %mul3A = vector.broadcast %get3A_1 : vector<1000x1xf32> to vector<1000x128xf32>
    %mul3A_8 = arith.mulf %add3A, %mul3A : vector<1000x128xf32>
    %get3A_9 = arith.constant 0 : index
    %get3A_10 = arith.constant 0 : index
    %get3A_11 = vector.load %arg4[%get3A_9, %get3A_10] : memref<1x128xf32, #tpu.memory_space<vmem>>, vector<1x128xf32>
    %add3A_12 = vector.broadcast %get3A_11 : vector<1x128xf32> to vector<1000x128xf32>
    %add3A_13 = arith.addf %mul3A_8, %add3A_12 : vector<1000x128xf32>
    %ge3A = arith.constant 0.000000e+00 : f32
    %ge3A_14 = vector.broadcast %ge3A : f32 to vector<1000x128xf32>
    %ge3A_15 = arith.cmpf oge, %add3A_13, %ge3A_14 : vector<1000x128xf32>
    %mul3A_16 = arith.constant 0.00999999977 : f32
    %mul3A_17 = vector.broadcast %mul3A_16 : f32 to vector<1000x128xf32>
    %mul3A_18 = arith.mulf %mul3A_17, %add3A_13 : vector<1000x128xf32>
    %select_n3A = arith.select %ge3A_15, %add3A_13, %mul3A_18 : vector<1000x128xi1>, vector<1000x128xf32>
    %get3A_19 = arith.constant 0 : index
    %get3A_20 = arith.constant 0 : index
    %get3A_21 = vector.load %arg5[%get3A_19, %get3A_20] : memref<128x128xf32, #tpu.memory_space<vmem>>, vector<128x128xf32>
    %dot_general3A = arith.constant dense<0.000000e+00> : vector<1000x128xf32>
    %dot_general3A_22 = tpu.matmul %select_n3A, %get3A_21, %dot_general3A {dimension_numbers = #tpu.dot_dimension_numbers<[1], [0], [0], [1], [0, 0, 1, 1], [], []>, transpose_lhs_hint = false} : vector<1000x128xf32>, vector<128x128xf32>, vector<1000x128xf32> -> vector<1000x128xf32>
    %mul3A_23 = vector.broadcast %get3A_1 : vector<1000x1xf32> to vector<1000x128xf32>
    %mul3A_24 = arith.mulf %dot_general3A_22, %mul3A_23 : vector<1000x128xf32>
    %swap3A = arith.constant 0 : index
    %swap3A_25 = arith.constant 0 : index
    %swap3A_26 = vector.load %arg6[%swap3A, %swap3A_25] : memref<1000x128xf32, #tpu.memory_space<vmem>>, vector<1000x128xf32>
    tpu.vector_store %arg6[%swap3A, %swap3A_25], %mul3A_24 {strides = array<i32>} : memref<1000x128xf32, #tpu.memory_space<vmem>>, vector<1000x128xf32>,
    return
  }
  func.func @transform_0(%arg0: i32) -> (i32, i32) {
    %c0_i32 = arith.constant 0 : i32
    %c0_i32_0 = arith.constant 0 : i32
    return %arg0, %c0_i32 : i32, i32
  }
  func.func @transform_1(%arg0: i32) -> (i32, i32) {
    %c0_i32 = arith.constant 0 : i32
    %c0_i32_0 = arith.constant 0 : i32
    return %arg0, %c0_i32 : i32, i32
  }
  func.func @transform_2(%arg0: i32) -> (i32, i32) {
    %c0_i32 = arith.constant 0 : i32
    %c0_i32_0 = arith.constant 0 : i32
    return %arg0, %c0_i32 : i32, i32
  }
  func.func @transform_3(%arg0: i32) -> (i32, i32) {
    %c0_i32 = arith.constant 0 : i32
    %c0_i32_0 = arith.constant 0 : i32
    %c0_i32_1 = arith.constant 0 : i32
    return %c0_i32, %c0_i32_0 : i32, i32
  }
  func.func @transform_4(%arg0: i32) -> (i32, i32) {
    %c0_i32 = arith.constant 0 : i32
    %c0_i32_0 = arith.constant 0 : i32
    %c0_i32_1 = arith.constant 0 : i32
    return %c0_i32, %c0_i32_0 : i32, i32
  }
  func.func @transform_5(%arg0: i32) -> (i32, i32) {
    %c0_i32 = arith.constant 0 : i32
    %c0_i32_0 = arith.constant 0 : i32
    return %arg0, %c0_i32 : i32, i32
  }
}

module attributes {stable_mosaic.version = 14 : i64} {
  func.func @body(%arg0: i32, %arg1: memref<1000x128xf32, #tpu.memory_space<vmem>>, %arg2: memref<1000x128xf32, #tpu.memory_space<vmem>>, %arg3: memref<1000x1xf32, #tpu.memory_space<vmem>>, %arg4: memref<1x128xf32, #tpu.memory_space<vmem>>, %arg5: memref<128x1xf32, #tpu.memory_space<vmem>>, %arg6: memref<1x1xf32, #tpu.memory_space<vmem>>, %arg7: memref<1x128xf32, #tpu.memory_space<vmem>>, %arg8: memref<1x1xf32, #tpu.memory_space<vmem>>) attributes {dimension_semantics = [#tpu.dimension_semantics<arbitrary>], iteration_bounds = array<i64: 10>, scalar_prefetch = 0 : i64, scratch_operands = 0 : i64, tpu.core_type = #tpu.core_type<tc>, window_params = [{transform_indices = @transform_0, window_bounds = array<i64: 1000, 128>}, {transform_indices = @transform_1, window_bounds = array<i64: 1000, 128>}, {transform_indices = @transform_2, window_bounds = array<i64: 1000, 1>}, {pipeline_mode = #tpu.pipeline_mode<synchronous>, transform_indices = @transform_3, window_bounds = array<i64: 1, 128>}, {pipeline_mode = #tpu.pipeline_mode<synchronous>, transform_indices = @transform_4, window_bounds = array<i64: 128, 1>}, {pipeline_mode = #tpu.pipeline_mode<synchronous>, transform_indices = @transform_5, window_bounds = array<i64: 1, 1>}, {pipeline_mode = #tpu.pipeline_mode<synchronous>, transform_indices = @transform_6, window_bounds = array<i64: 1, 128>}, {pipeline_mode = #tpu.pipeline_mode<synchronous>, transform_indices = @transform_7, window_bounds = array<i64: 1, 1>}]} {
    %eq3A = arith.constant 0 : i32
    %eq3A_0 = arith.cmpi eq, %arg0, %eq3A : i32
    %convert_element_type3A = arith.extui %eq3A_0 : i1 to i32
    %cond3A = arith.constant 0 : i32
    %cond3A_1 = arith.cmpi ne, %convert_element_type3A, %cond3A : i32
    scf.if %cond3A_1 {
      %broadcast_in_dim3A_33 = arith.constant 0.000000e+00 : f32
      %broadcast_in_dim3A_34 = vector.broadcast %broadcast_in_dim3A_33 : f32 to vector<1x128xf32>
      %swap3A_35 = arith.constant 0 : index
      %swap3A_36 = arith.constant 0 : index
      %swap3A_37 = vector.load %arg7[%swap3A_35, %swap3A_36] : memref<1x128xf32, #tpu.memory_space<vmem>>, vector<1x128xf32>
      tpu.vector_store %arg7[%swap3A_35, %swap3A_36], %broadcast_in_dim3A_34 {strides = array<i32>} : memref<1x128xf32, #tpu.memory_space<vmem>>, vector<1x128xf32>,
    } else {
    }
    %get3A = arith.constant 0 : index
    %get3A_2 = arith.constant 0 : index
    %get3A_3 = vector.load %arg1[%get3A, %get3A_2] : memref<1000x128xf32, #tpu.memory_space<vmem>>, vector<1000x128xf32>
    %get3A_4 = arith.constant 0 : index
    %get3A_5 = arith.constant 0 : index
    %get3A_6 = vector.load %arg2[%get3A_4, %get3A_5] : memref<1000x128xf32, #tpu.memory_space<vmem>>, vector<1000x128xf32>
    %add3A = arith.addf %get3A_3, %get3A_6 : vector<1000x128xf32>
    %get3A_7 = arith.constant 0 : index
    %get3A_8 = arith.constant 0 : index
    %get3A_9 = vector.load %arg3[%get3A_7, %get3A_8] : memref<1000x1xf32, #tpu.memory_space<vmem>>, vector<1000x1xf32>
    %mul3A = vector.broadcast %get3A_9 : vector<1000x1xf32> to vector<1000x128xf32>
    %mul3A_10 = arith.mulf %add3A, %mul3A : vector<1000x128xf32>
    %get3A_11 = arith.constant 0 : index
    %get3A_12 = arith.constant 0 : index
    %get3A_13 = vector.load %arg4[%get3A_11, %get3A_12] : memref<1x128xf32, #tpu.memory_space<vmem>>, vector<1x128xf32>
    %add3A_14 = vector.broadcast %get3A_13 : vector<1x128xf32> to vector<1000x128xf32>
    %add3A_15 = arith.addf %mul3A_10, %add3A_14 : vector<1000x128xf32>
    %ge3A = arith.constant 0.000000e+00 : f32
    %ge3A_16 = vector.broadcast %ge3A : f32 to vector<1000x128xf32>
    %ge3A_17 = arith.cmpf oge, %add3A_15, %ge3A_16 : vector<1000x128xf32>
    %mul3A_18 = arith.constant 0.00999999977 : f32
    %mul3A_19 = vector.broadcast %mul3A_18 : f32 to vector<1000x128xf32>
    %mul3A_20 = arith.mulf %mul3A_19, %add3A_15 : vector<1000x128xf32>
    %select_n3A = arith.select %ge3A_17, %add3A_15, %mul3A_20 : vector<1000x128xi1>, vector<1000x128xf32>
    %get3A_21 = arith.constant 0 : index
    %get3A_22 = arith.constant 0 : index
    %get3A_23 = vector.load %arg7[%get3A_21, %get3A_22] : memref<1x128xf32, #tpu.memory_space<vmem>>, vector<1x128xf32>
    %reduce_sum3A = arith.constant dense<0.000000e+00> : vector<128xf32>
    %reduce_sum3A_24 = vector.multi_reduction <add>, %select_n3A, %reduce_sum3A [0] : vector<1000x128xf32> to vector<128xf32>
    %broadcast_in_dim3A = vector.shape_cast %reduce_sum3A_24 : vector<128xf32> to vector<1x128xf32>
    %add3A_25 = arith.addf %get3A_23, %broadcast_in_dim3A : vector<1x128xf32>
    %swap3A = arith.constant 0 : index
    %swap3A_26 = arith.constant 0 : index
    %swap3A_27 = vector.load %arg7[%swap3A, %swap3A_26] : memref<1x128xf32, #tpu.memory_space<vmem>>, vector<1x128xf32>
    tpu.vector_store %arg7[%swap3A, %swap3A_26], %add3A_25 {strides = array<i32>} : memref<1x128xf32, #tpu.memory_space<vmem>>, vector<1x128xf32>,
    %eq3A_28 = arith.constant 9 : i32
    %eq3A_29 = arith.cmpi eq, %arg0, %eq3A_28 : i32
    %convert_element_type3A_30 = arith.extui %eq3A_29 : i1 to i32
    %cond3A_31 = arith.constant 0 : i32
    %cond3A_32 = arith.cmpi ne, %convert_element_type3A_30, %cond3A_31 : i32
    scf.if %cond3A_32 {
      %get3A_33 = arith.constant 0 : index
      %get3A_34 = arith.constant 0 : index
      %get3A_35 = vector.load %arg7[%get3A_33, %get3A_34] : memref<1x128xf32, #tpu.memory_space<vmem>>, vector<1x128xf32>
      %mul3A_36 = arith.constant 9.99999974E-5 : f32
      %mul3A_37 = vector.broadcast %mul3A_36 : f32 to vector<1x128xf32>
      %mul3A_38 = arith.mulf %get3A_35, %mul3A_37 : vector<1x128xf32>
      %get3A_39 = arith.constant 0 : index
      %get3A_40 = arith.constant 0 : index
      %get3A_41 = vector.load %arg5[%get3A_39, %get3A_40] : memref<128x1xf32, #tpu.memory_space<vmem>>, vector<128x1xf32>
      %dot_general3A = arith.constant dense<0.000000e+00> : vector<1x1xf32>
      %dot_general3A_42 = tpu.matmul %mul3A_38, %get3A_41, %dot_general3A {dimension_numbers = #tpu.dot_dimension_numbers<[1], [0], [0], [1], [0, 0, 1, 1], [], []>, transpose_lhs_hint = false} : vector<1x128xf32>, vector<128x1xf32>, vector<1x1xf32> -> vector<1x1xf32>
      %get3A_43 = arith.constant 0 : index
      %get3A_44 = arith.constant 0 : index
      %get3A_45 = vector.load %arg6[%get3A_43, %get3A_44] : memref<1x1xf32, #tpu.memory_space<vmem>>, vector<1x1xf32>
      %add3A_46 = arith.addf %dot_general3A_42, %get3A_45 : vector<1x1xf32>
      %swap3A_47 = arith.constant 0 : index
      %swap3A_48 = arith.constant 0 : index
      %swap3A_49 = vector.load %arg8[%swap3A_47, %swap3A_48] : memref<1x1xf32, #tpu.memory_space<vmem>>, vector<1x1xf32>
      tpu.vector_store %arg8[%swap3A_47, %swap3A_48], %add3A_46 {strides = array<i32>} : memref<1x1xf32, #tpu.memory_space<vmem>>, vector<1x1xf32>,
    } else {
    }
    return
  }
  func.func @transform_0(%arg0: i32) -> (i32, i32) {
    %c0_i32 = arith.constant 0 : i32
    %c0_i32_0 = arith.constant 0 : i32
    return %arg0, %c0_i32 : i32, i32
  }
  func.func @transform_1(%arg0: i32) -> (i32, i32) {
    %c0_i32 = arith.constant 0 : i32
    %c0_i32_0 = arith.constant 0 : i32
    return %arg0, %c0_i32 : i32, i32
  }
  func.func @transform_2(%arg0: i32) -> (i32, i32) {
    %c0_i32 = arith.constant 0 : i32
    %c0_i32_0 = arith.constant 0 : i32
    return %arg0, %c0_i32 : i32, i32
  }
  func.func @transform_3(%arg0: i32) -> (i32, i32) {
    %c0_i32 = arith.constant 0 : i32
    %c0_i32_0 = arith.constant 0 : i32
    %c0_i32_1 = arith.constant 0 : i32
    return %c0_i32, %c0_i32_0 : i32, i32
  }
  func.func @transform_4(%arg0: i32) -> (i32, i32) {
    %c0_i32 = arith.constant 0 : i32
    %c0_i32_0 = arith.constant 0 : i32
    %c0_i32_1 = arith.constant 0 : i32
    return %c0_i32, %c0_i32_0 : i32, i32
  }
  func.func @transform_5(%arg0: i32) -> (i32, i32) {
    %c0_i32 = arith.constant 0 : i32
    %c0_i32_0 = arith.constant 0 : i32
    %c0_i32_1 = arith.constant 0 : i32
    return %c0_i32, %c0_i32_0 : i32, i32
  }
  func.func @transform_6(%arg0: i32) -> (i32, i32) {
    %c0_i32 = arith.constant 0 : i32
    %c0_i32_0 = arith.constant 0 : i32
    %c0_i32_1 = arith.constant 0 : i32
    return %c0_i32, %c0_i32_0 : i32, i32
  }
  func.func @transform_7(%arg0: i32) -> (i32, i32) {
    %c0_i32 = arith.constant 0 : i32
    %c0_i32_0 = arith.constant 0 : i32
    %c0_i32_1 = arith.constant 0 : i32
    return %c0_i32, %c0_i32_0 : i32, i32
  }
}

</mosaic_0001>

<sc_bundles>
// kernel: kernel.14.cloned.1.call-start
scs
__scs_entry_jumppad:
0x0: {  	(pc) =	sbr.rel $0x88, $3  }
0x1: {  	(tag) =	ssettag $0x0;
	lr =	simm.s32 $0x1  }
0x2: {  	[smem:$0x3F91] =	sst lr;
	_ =	strace $0xD0000000  }
0x3: {  	_ = 	snop  }
0x4: {  	_ = 	snop  }
0x5: {  	_ = 	snop  }
0x6: {  	_ = 	snop  }
0x7: {  	_ = 	snop  }
__scs_overlays_trampoline_lowered:
0x8: {  	[smem:$0x3FA0] =	sst s0  }
0x9: {  	[smem:$0x3FA1] =	sst s1  }
0xa: {  	[smem:$0x3FA2] =	sst s2  }
0xb: {  	[smem:$0x3FA3] =	sst s3  }
0xc: {  	[smem:$0x3FA4] =	sst s4  }
0xd: {  	[smem:$0x3FA5] =	sst s5  }
0xe: {  	[smem:$0x3FA6] =	sst s6  }
0xf: {  	[smem:$0x3FA7] =	sst s7  }
0x10: {  	[smem:$0x3FA8] =	sst s8  }
0x11: {  	[smem:$0x3FA9] =	sst s9;
	s0 =	simm.s32 @!p0 $0x0  }
0x12: {  	s1 =	sld [smem:$0x3F8F];
	s0 =	simm.s32 @p0 $0x1  }
0x13: {  	[smem:$0x3FAA] =	sst s0;
	s0 =	simm.s32 @!p1 $0x0  }
0x14: {  	s2 =	sld [smem:$0x3F8E];
	s0 =	simm.s32 @p1 $0x1  }
0x15: {  	[smem:$0x3FAB] =	sst s0;
	s0 =	simm.s32 @!p2 $0x0  }
0x16: {  	s3 =	sld [smem:$0x3FDB];
	s0 =	simm.s32 @p2 $0x1  }
0x17: {  	s4 =	simm.s32 $0x1BF5;
	[smem:$0x3FAD] =	sst s0  }
0x18: {  	s0 =	sld [smem:$0x3F90];
	_ =	swait.ge [sflag:s4], $0x0  }
0x19: {  	s7 =	sld [smem:$0x3F91]  }
0x1a: {  	s8 =	sadd.s32 $0xFFFFE003, lr  }
0x1b: {  	s9 =	sadd.s32 $0xFFFFFEF7, lr;
	s5 =	simm.s32 $0xFFFFFFFF;
	p2 =	slt.u32 s8, $0xFFFFF086  }
0x1c: {  	p1 =	slt.u32 s9, $0xF7A;
	s5 =	simm.s32 @!p2 $0x0  }
0x1d: {  	s5 =	simm.s32 @p1 $0x1;
	p0 =	seq.s32 s7, s2  }
0x1e: {  	s7 =	smul.u32 @!p0 $0xF7A, s2;
	p2 =	seq.s32 @!p0 s5, $0x0  }
0x1f: {  	s9 =	smul.u32 $0xF7A, s1;
	s8 =	simm.s32 @!p0 $0x1BF5;
	p2 =	por !p2, p0  }
0x20: {  	[sflag:s8] =	ssyncset.s32 @!p0 $0xFFFFF086;
	s6 =	sadd.s32 @!p0 s3, s7;
	s7 =	simm.s32 @!p0 $0x108  }
0x21: {  	s3 =	sadd.s32 s3, s9;
	s6 =	sadd.s32 @!p0 $0x88, s6;
	s7 =	simm.s32 @p2 $0x1082  }
0x22: {  	[simem:s7], [sflag:s8] =	dma.local @!p0 [hbm:s6], $0xF7A  }
0x23: {  	s9 =	sor.u32 $0xD0000000, s2;
	s6 =	simm.s32 $0x108;
	_ =	swait.ge @!p0 [sflag:s8], $0x0  }
0x24: {  	s3 =	sadd.s32 $0x88, s3;
	s6 =	simm.s32 @!p1 $0x1082;
	[sflag:s4] =	ssyncset.s32 $0xFFFFF086  }
0x25: {  	[simem:s6], [sflag:s4] =	dma.local [hbm:s3], $0xF7A  }
0x26: {  	[smem:$0x3F91] =	sst s1;
	(tag) =	ssettag s2;
	_ =	strace s9  }
0x27: {  	s1 =	sld [smem:$0x3FA1]  }
0x28: {  	s2 =	sld [smem:$0x3FA2]  }
0x29: {  	s4 =	sld [smem:$0x3FA4]  }
0x2a: {  	p0 =	seq.s32 s5, $0x0;
	s5 =	sld [smem:$0x3FA5]  }
0x2b: {  	s6 =	sld [smem:$0x3FA6]  }
0x2c: {  	s7 =	sld [smem:$0x3FA7]  }
0x2d: {  	s3 =	simm.s32 $0x108;
	s8 =	sld [smem:$0x3FA8]  }
0x2e: {  	s3 =	simm.s32 @!p0 $0x1082;
	s9 =	sld [smem:$0x3FA9]  }
0x2f: {  	lr =	sadd.s32 s0, s3;
	s0 =	sld [smem:$0x3FA0]  }
0x30: {  	s3 =	sld [smem:$0x3FA3]  }
0x31: {  	[smem:$0x3FAC] =	sst s10  }
0x32: {  	s10 =	sld [smem:$0x3FAA];
	_ =	sdelay $0x3  }
0x33: {  	p0 =	seq.s32 s10, $0x1;
	s10 =	sld [smem:$0x3FAC];
	_ =	sdelay $0x3  }
0x34: {  	[smem:$0x3FAC] =	sst s10  }
0x35: {  	s10 =	sld [smem:$0x3FAB];
	_ =	sdelay $0x3  }
0x36: {  	p1 =	seq.s32 s10, $0x1;
	s10 =	sld [smem:$0x3FAC];
	_ =	sdelay $0x3  }
0x37: {  	[smem:$0x3FAC] =	sst s10  }
0x38: {  	s10 =	sld [smem:$0x3FAD]  }
0x39: {  	_ = 	snop;
	(pc) =	sbr.ind lr, $3  }
0x3a: {  	_ = 	snop  }
0x3b: {  	_ = 	snop  }
0x3c: {  	p2 =	seq.s32 s10, $0x1;
	s10 =	sld [smem:$0x3FAC]  }
0x3d: {  	_ =	shalt  }
0x3e: {  	_ =	shalt  }
0x3f: {  	_ =	shalt  }
0x40: {  	_ =	shalt  }
0x41: {  	_ =	shalt  }
0x42: {  	_ =	shalt  }
0x43: {  	_ =	shalt  }
0x44: {  	_ =	shalt  }
0x45: {  	_ =	shalt  }
0x46: {  	_ =	shalt  }
0x47: {  	_ =	shalt  }
0x48: {  	_ =	shalt  }
0x49: {  	_ =	shalt  }
0x4a: {  	_ =	shalt  }
0x4b: {  	_ =	shalt  }
0x4c: {  	_ =	shalt  }
0x4d: {  	_ =	shalt  }
0x4e: {  	_ =	shalt  }
0x4f: {  	_ =	shalt  }
0x50: {  	_ =	shalt  }
0x51: {  	_ =	shalt  }
0x52: {  	_ =	shalt  }
0x53: {  	_ =	shalt  }
0x54: {  	_ =	shalt  }
0x55: {  	_ =	shalt  }
0x56: {  	_ =	shalt  }
0x57: {  	_ =	shalt  }
0x58: {  	_ =	shalt  }
0x59: {  	_ =	shalt  }
0x5a: {  	_ =	shalt  }
0x5b: {  	_ =	shalt  }
0x5c: {  	_ =	shalt  }
0x5d: {  	_ =	shalt  }
0x5e: {  	_ =	shalt  }
0x5f: {  	_ =	shalt  }
0x60: {  	_ =	shalt  }
0x61: {  	_ =	shalt  }
0x62: {  	_ =	shalt  }
0x63: {  	_ =	shalt  }
0x64: {  	_ =	shalt  }
0x65: {  	_ =	shalt  }
0x66: {  	_ =	shalt  }
0x67: {  	_ =	shalt  }
0x68: {  	_ =	shalt  }
0x69: {  	_ =	shalt  }
0x6a: {  	_ =	shalt  }
0x6b: {  	_ =	shalt  }
0x6c: {  	_ =	shalt  }
0x6d: {  	_ =	shalt  }
0x6e: {  	_ =	shalt  }
0x6f: {  	_ =	shalt  }
0x70: {  	_ =	shalt  }
0x71: {  	_ =	shalt  }
0x72: {  	_ =	shalt  }
0x73: {  	_ =	shalt  }
0x74: {  	_ =	shalt  }
0x75: {  	_ =	shalt  }
0x76: {  	_ =	shalt  }
0x77: {  	_ =	shalt  }
0x78: {  	_ =	shalt  }
0x79: {  	_ =	shalt  }
0x7a: {  	_ =	shalt  }
0x7b: {  	_ =	shalt  }
0x7c: {  	_ =	shalt  }
0x7d: {  	_ =	shalt  }
0x7e: {  	_ =	shalt  }
0x7f: {  	_ =	shalt  }
0x80: {  	_ =	shalt  }
0x81: {  	_ =	shalt  }
0x82: {  	_ =	shalt  }
0x83: {  	_ =	shalt  }
0x84: {  	_ =	shalt  }
0x85: {  	_ =	shalt  }
0x86: {  	_ =	shalt  }
0x87: {  	_ =	shalt  }
.Lfunc_end0:
.L_simem_size_0:
called_computation_lowered:
.L_overlay_start_0:
0x88: {  	s2 =	sld [smem:$0x3FD9]  }
0x89: {  	s3 =	sld [smem:$0x3FFE];
	_ =	sdelay $0x1  }
0x8a: {  	s1 =	srdreg.scid  }
0x8b: {  	s0 =	sand.u32 $0x1, s1  }
0x8c: {  	s16 =	sshll.u32 s0, $0xA;
	s2 =	sadd.s32 s3, s2  }
0x8d: {  	s2 =	sadd.s32 s2, s16  }
0x8e: {  	[smem:$0x3FB8] =	sst s2  }
0x8f: {  	_ = 	snop  }
0x90: {  	(tm) =	ssettm $0x1  }
0x91: {  	s17 =	sld [smem:$0x3FFB];
	_ =	sdelay $0x3  }
0x92: {  	_ =	strace s17  }
0x93: {  	s2 =	sld [smem:$0x3FFC];
	_ =	sdelay $0x3  }
0x94: {  	_ =	strace s2  }
0x95: {  	s2 =	sld [smem:$0x3FFD];
	_ =	sdelay $0x3  }
0x96: {  	_ =	strace s2  }
0x97: {  	_ =	strace $0x8FFFFFFF  }
0x98: {  	s18 =	sld [smem:$0x3FDB];
	_ =	sdelay $0x1  }
0x99: {  	s19 =	simm.s32 $_scs_section_size  }
0x9a: {  	s4 =	simm.s32 $_size__tile_overlayer_lowered;
	s5 =	simm.s32 $_tile_overlayer_lowered  }
0x9b: {  	s22 =	simm.s32 $0x1BFF;
	s21 =	sshll.u32 s5, $0x1;
	s2 =	sadd.s32 s19, s18  }
0x9c: {  	s6 =	simm.s32 $0x0;
	s20 =	sshll.u32 s4, $0x1;
	s4 =	sadd.s32 s21, s2  }
0x9d: {  	[timem:s6], [sflag:s22] =	dma.local [hbm:s4], s20  }
0x9e: {  	_ =	swait.ge [sflag:s22], s20  }
0x9f: {  	s3 =	ssub.s32 $0x0, s20;
	[sflag:s22] =	ssyncset.done $0x0  }
0xa0: {  	[sflag:s22] =	ssyncadd.s32 s3;
	_ =	sdelay $0x1  }
0xa1: {  	s23 =	simm.s32 $0x1B8B  }
0xa2: {  	_ =	swait.ge [sflag:s23], $0x1  }
0xa3: {  	[sflag:s23] =	ssyncset.done $0x0  }
0xa4: {  	s25 =	simm.s32 $0x1B8E;
	s24 =	sld [smem:$0x3FFE];
	[sflag:s23] =	ssyncadd.s32 $0xFFFFFFFF  }
0xa5: {  	s26 =	simm.s32 $execute0_lowered;
	[smem:$0x3FD2] =	sst s25  }
0xa6: {  	s4 =	sshll.u32 s26, $0x1;
	_ =	strace $0x80000046;
	[dreg:$0x1] =	wrdreg $0xFFFFFFFF  }
0xa7: {  	s28 =	simm.s32 $_size_execute0_lowered;
	s2 =	sadd.s32 s2, s4;
	[dreg:$0x0] =	wrdreg $0x0  }
0xa8: {  	s4 =	sshll.u32 s28, $0x1;
	[dreg:$0x2] =	wrdreg s2  }
0xa9: {  	[dreg:$0x3] =	wrdreg s4  }
0xaa: {  	[dreg:$0x4] =	wrdreg $0xC0  }
0xab: {  	_ =	task [dreg:s6], $0x5FFFF  }
0xac: {  	[dreg:$0x1] =	wrdreg $0xFFFFFFFF  }
0xad: {  	[dreg:$0x0] =	wrdreg $0x60  }
0xae: {  	[dreg:$0x2] =	wrdreg s24  }
0xaf: {  	[dreg:$0x3] =	wrdreg $0x8D00  }
0xb0: {  	[dreg:$0x4] =	wrdreg $0x9  }
0xb1: {  	_ =	task.clear_ibuf [dreg:s6], $0x5FFFF;
	_ =	strace $0x90000046  }
0xb2: {  	s29 =	simm.s32 $0x9;
	_ =	strace $0x80000048  }
0xb3: {  	_ =	swait.ge [sflag:s29], $0x1  }
0xb4: {  	[sflag:s29] =	ssyncadd.s32 $0xFFFFFFFF  }
0xb5: {  	_ =	strace $0x90000048  }
0xb6: {  	_ =	sfence  }
0xb7: {  	s30 =	sld [smem:$0x0];
	_ =	sdelay $0x2  }
0xb8: {  	s31 =	sshll.u32 s1, $0xD;
	s1 =	sshrl.u32 s1, $0x2  }
0xb9: {  	s3 =	sand.u32 $0x4000, s31;
	s1 =	sadd.s32 s1, s30  }
0xba: {  	s0 =	sor.u32 s3, s0;
	s1 =	sshll.u32 s1, $0x11  }
0xbb: {  	s0 =	sor.u32 s1, s0  }
0xbc: {  	s0 =	sadd.s32 $0x8F2B, s0  }
0xbd: {  	[sflag:s0] =	ssyncadd.remote.s32 $0x1  }
0xbe: {  	_ =	sfence.sel $0xFFFF  }
0xbf: {  	[dreg:$0x0] =	wrdreg $0xFFFFFFFF;
	(pc) =	sbr.abs _section_cstart, $3  }
0xc0: {  	[dreg:$0x1] =	wrdreg $0xFFFFFFFF  }
0xc1: {  	_ =	task.clear_ibuf [dreg:s6], $0x2FFFF;
	_ =	strace $0x9FFFFFFF  }
0xc2: {  	(tm) =	ssettm $0x7FFFFFFF  }
0xc3: {  	_ =	shalt  }
tec
execute0_lowered:
.L_overlay_start_1:
0x0: {  	(tag) =	ssettag $0x1  }
0x1: {  	s5 =	rddreg [dreg:$0x0];
	s0 =	srdreg.scid  }
0x2: {  	s2 =	rddreg [dreg:$0x1];
	s1 =	stileid.u32  }
0x3: {  	s3 =	simm.s32 $0x0;
	s14 =	simm.s32 $0x80;
	s7 =	smul.u32 $0x2710, s1  }
0x4: {  	s6 =	sand.u32 $0x1, s0;
	s0 =	rddreg [dreg:$0x2];
	s11 =	smul.u32 $0xA00, s1  }
0x5: {  	s15 =	simm.s32 $0x0;
	[smem:$0x7FF] =	sst s3;
	s4 =	smul.u32 $0xA000, s6  }
0x6: {  	s30 =	sshll.u32 s1, $0x6;
	s8 =	smul.u32 $0x27100, s6;
	s6 =	ssub.s32 $0x2, s6  }
0x7: {  	_ =	strace $0x80000047;
	s9 =	sshrl.u32 s7, $0x3;
	s29 =	sshrl.u32 s6, $0x1  }
0x8: {  	s13 =	sadd.s32 s7, s2;
	s10 =	sadd.s32 s4, s5;
	s9 =	sadd.s32 s9, s5  }
0x9: {  	s8 =	sadd.s32 s7, s8;
	s4 =	sadd.s32 $0x1E000, s5;
	s12 =	ssub.s32 s6, s29  }
0xa: {  	s6 =	sor.u32 $0x1C01, s30;
	s8 =	sshrl.u32 s8, $0x3;
	s31 =	sadd.s32 s11, s10  }
0xb: {  	s10 =	sshrl.u32 s13, $0x3;
	s11 =	simm.s32 $0x1;
	s13 =	simm.s32 $0x7D  }
0xc: {  	s8 =	sadd.s32 s8, s5;
	s5 =	sadd.s32 $0x19000, s9;
	s9 =	sadd.s32 $0x5000, s31  }
0xd: {  	s7 =	sadd.s32 $0x1E200, s8;
	s8 =	smax.u32 s12, $0x1;
	s12 =	simm.s32 $0x100  }
.LBB2_1:
0xe: {  	[spmem:s10], [sflag:s6] =	dma.local [hbm:s5], $0x4E2  }
0xf: {  	_ =	swait.ge [sflag:s11], $0x4E2  }
0x10: {  	[sflag:s11] =	ssyncset.done $0x0  }
0x11: {  	[sflag:s11] =	ssyncadd.s32 $0xFFFFFB1E  }
0x12: {  	[tilespmem:s12], [sflag:$0x1] =	stream.linear.gather [hbm4b:s4+s3], $0x7D0, $0x38;
	[tilespmem:$0x2FE0] =	vst v63  }
0x13: {  	_ =	swait.ge [sflag:s11], $0x7D0  }
0x14: {  	[sflag:s11] =	ssyncset.done $0x0  }
0x15: {  	[sflag:s11] =	ssyncadd.s32 $0xFFFFF830  }
0x16: {  	s16 =	sadd.s32 $0x0, s9;
	[bflag:$0x0] =	sbarrier.arrive $0xFFFF  }
0x17: {  	[tilespmem:s3], [sflag:$0x1] =	stream.linear.gather [hbm4b:s16+s3], $0x100, $0x38;
	[tilespmem:$0x2FE0] =	vst v63  }
0x18: {  	_ =	swait.ge [sflag:s11], $0x100  }
0x19: {  	[sflag:s11] =	ssyncset.done $0x0  }
0x1a: {  	[sflag:s11] =	ssyncadd.s32 $0xFFFFFF00  }
0x1b: {  	[spmem:s2] =	stream.indirect.scatter.add.f32 [tilespmem:s12], [sflag:$0x1], $0x10, s14, s13, $0xb8;
	[tilespmem:$0x2FE0] =	vst v63  }
0x1c: {  	_ =	swait.ge [sflag:s11], $0x7D0  }
0x1d: {  	s17 =	simm.s32 $0x40;
	s16 =	simm.s32 $0x20;
	[sflag:s11] =	ssyncset.done $0x0  }
.LBB2_2:
0x1e: {  	s18 =	sadd.s32 s16, s9  }
0x1f: {  	[sflag:s11] =	ssyncadd.s32 $0xFFFFF830;
	s16 =	smov.u32 s17;
	s19 =	sadd.s32 $0x20, s17  }
0x20: {  	[tilespmem:s3], [sflag:$0x1] =	stream.linear.gather [hbm4b:s18+s3], $0x100, $0x38;
	[tilespmem:$0x2FE0] =	vst v63  }
0x21: {  	p0 =	sne.s32 s17, $0x9E0;
	_ =	swait.ge [sflag:s11], $0x100  }
.Ltmp0:
0x22: {  	[sflag:s11] =	ssyncset.done $0x0;
	(pc) =	sbr.rel @p0 .LBB2_2-.Ltmp0, $4  }
0x23: {  	[sflag:s11] =	ssyncadd.s32 $0xFFFFFF00  }
0x24: {  	[spmem:s2] =	stream.indirect.scatter.add.f32 [tilespmem:s12], [sflag:$0x1], $0x10, s14, s13, $0xb8;
	[tilespmem:$0x2FE0] =	vst v63  }
0x25: {  	_ =	swait.ge [sflag:s11], $0x7D0  }
0x26: {  	s17 =	smov.u32 s19;
	[sflag:s11] =	ssyncset.done $0x0  }
0x27: {  	s16 =	sadd.s32 s16, s9;
	[sflag:s11] =	ssyncadd.s32 $0xFFFFF830  }
0x28: {  	[tilespmem:s3], [sflag:$0x1] =	stream.linear.gather [hbm4b:s16+s3], $0x100, $0x38;
	[tilespmem:$0x2FE0] =	vst v63  }
0x29: {  	_ =	swait.ge [sflag:s11], $0x100  }
0x2a: {  	[sflag:s11] =	ssyncset.done $0x0  }
0x2b: {  	[sflag:s11] =	ssyncadd.s32 $0xFFFFFF00  }
0x2c: {  	[spmem:s2] =	stream.indirect.scatter.add.f32 [tilespmem:s12], [sflag:$0x1], $0x10, s14, s13, $0xb8;
	[tilespmem:$0x2FE0] =	vst v63  }
0x2d: {  	_ =	swait.ge [sflag:s11], $0x7D0  }
0x2e: {  	s15 =	sadd.s32 $0x1, s15;
	[sflag:s11] =	ssyncset.done $0x0  }
0x2f: {  	p0 =	sne.s32 s15, s8;
	[sflag:s11] =	ssyncadd.s32 $0xFFFFF830  }
.Ltmp1:
0x30: {  	[bflag:$0x0] =	sbarrier.arrive $0xFFFF;
	(pc) =	sbr.rel @p0 .LBB2_1-.Ltmp1, $4  }
0x31: {  	[hbm:s7], [sflag:s6] =	dma.local [spmem:s10], $0x4E2  }
0x32: {  	_ =	swait.ge [sflag:s11], $0x4E2  }
0x33: {  	[sflag:s11] =	ssyncset.done $0x0  }
0x34: {  	[sflag:s11] =	ssyncadd.s32 $0xFFFFFB1E  }
0x35: {  	_ =	sfence.sel $0x180000  }
0x36: {  	[bflag:$0x0] =	sbarrier.arrive $0xFFFF  }
0x37: {  	p0 =	sne.s32 s1, $0x0;
	_ =	strace $0x90000047  }
0x38: {  	s0 =	sadd.s32 @!p0 $0x100000, s0;
	[bflag:$0x2] =	sbarrier.arrive $0xFFFF  }
0x39: {  	[sflag:s0] =	ssyncadd.tile.s32 @!p0 $0x1;
	_ =	shalt  }
.Lfunc_end2:
_tile_overlayer_lowered:
.L_overlay_start_2:
0x3a: {  	(tag) =	ssettag $0x2  }
0x3b: {  	s0 =	rddreg [dreg:$0x0];
	s2 =	stileid.u32  }
0x3c: {  	s1 =	rddreg [dreg:$0x1];
	p0 =	sne.s32 s2, $0x0  }
0x3d: {  	s3 =	rddreg [dreg:$0x2];
	[bflag:$0x3] =	sbarrier.arrive $0xFFFF;
	s2 =	simm.s32 @!p0 $0x1C01  }
0x3e: {  	[timem:s3], [sflag:s2] =	dma.local @!p0 [hbm:s0], s1  }
0x3f: {  	s0 =	simm.s32 @!p0 $0x1  }
0x40: {  	_ =	swait.ge @!p0 [sflag:s0], s1  }
0x41: {  	s1 =	ssub.s32 @!p0 $0x0, s1;
	[sflag:s0] =	ssyncset.done @!p0 $0x0  }
0x42: {  	[sflag:s0] =	ssyncadd.s32 @!p0 s1  }
0x43: {  	[bflag:$0x3] =	sbarrier.arrive $0xFFFF  }
0x44: {  	_ =	shalt  }

// kernel: kernel.17.cloned.1.call-start
scs
__scs_entry_jumppad:
0x0: {  	(pc) =	sbr.rel $0x88, $3  }
0x1: {  	(tag) =	ssettag $0x0;
	lr =	simm.s32 $0x1  }
0x2: {  	[smem:$0x3F91] =	sst lr;
	_ =	strace $0xD0000000  }
0x3: {  	_ = 	snop  }
0x4: {  	_ = 	snop  }
0x5: {  	_ = 	snop  }
0x6: {  	_ = 	snop  }
0x7: {  	_ = 	snop  }
__scs_overlays_trampoline_lowered:
0x8: {  	[smem:$0x3FA0] =	sst s0  }
0x9: {  	[smem:$0x3FA1] =	sst s1  }
0xa: {  	[smem:$0x3FA2] =	sst s2  }
0xb: {  	[smem:$0x3FA3] =	sst s3  }
0xc: {  	[smem:$0x3FA4] =	sst s4  }
0xd: {  	[smem:$0x3FA5] =	sst s5  }
0xe: {  	[smem:$0x3FA6] =	sst s6  }
0xf: {  	[smem:$0x3FA7] =	sst s7  }
0x10: {  	[smem:$0x3FA8] =	sst s8  }
0x11: {  	[smem:$0x3FA9] =	sst s9;
	s0 =	simm.s32 @!p0 $0x0  }
0x12: {  	s1 =	sld [smem:$0x3F8F];
	s0 =	simm.s32 @p0 $0x1  }
0x13: {  	[smem:$0x3FAA] =	sst s0;
	s0 =	simm.s32 @!p1 $0x0  }
0x14: {  	s2 =	sld [smem:$0x3F8E];
	s0 =	simm.s32 @p1 $0x1  }
0x15: {  	[smem:$0x3FAB] =	sst s0;
	s0 =	simm.s32 @!p2 $0x0  }
0x16: {  	s3 =	sld [smem:$0x3FDB];
	s0 =	simm.s32 @p2 $0x1  }
0x17: {  	s4 =	simm.s32 $0x1BF5;
	[smem:$0x3FAD] =	sst s0  }
0x18: {  	s0 =	sld [smem:$0x3F90];
	_ =	swait.ge [sflag:s4], $0x0  }
0x19: {  	s7 =	sld [smem:$0x3F91]  }
0x1a: {  	s8 =	sadd.s32 $0xFFFFE003, lr  }
0x1b: {  	s9 =	sadd.s32 $0xFFFFFEF7, lr;
	s5 =	simm.s32 $0xFFFFFFFF;
	p2 =	slt.u32 s8, $0xFFFFF086  }
0x1c: {  	p1 =	slt.u32 s9, $0xF7A;
	s5 =	simm.s32 @!p2 $0x0  }
0x1d: {  	s5 =	simm.s32 @p1 $0x1;
	p0 =	seq.s32 s7, s2  }
0x1e: {  	s7 =	smul.u32 @!p0 $0xF7A, s2;
	p2 =	seq.s32 @!p0 s5, $0x0  }
0x1f: {  	s9 =	smul.u32 $0xF7A, s1;
	s8 =	simm.s32 @!p0 $0x1BF5;
	p2 =	por !p2, p0  }
0x20: {  	[sflag:s8] =	ssyncset.s32 @!p0 $0xFFFFF086;
	s6 =	sadd.s32 @!p0 s3, s7;
	s7 =	simm.s32 @!p0 $0x108  }
0x21: {  	s3 =	sadd.s32 s3, s9;
	s6 =	sadd.s32 @!p0 $0x88, s6;
	s7 =	simm.s32 @p2 $0x1082  }
0x22: {  	[simem:s7], [sflag:s8] =	dma.local @!p0 [hbm:s6], $0xF7A  }
0x23: {  	s9 =	sor.u32 $0xD0000000, s2;
	s6 =	simm.s32 $0x108;
	_ =	swait.ge @!p0 [sflag:s8], $0x0  }
0x24: {  	s3 =	sadd.s32 $0x88, s3;
	s6 =	simm.s32 @!p1 $0x1082;
	[sflag:s4] =	ssyncset.s32 $0xFFFFF086  }
0x25: {  	[simem:s6], [sflag:s4] =	dma.local [hbm:s3], $0xF7A  }
0x26: {  	[smem:$0x3F91] =	sst s1;
	(tag) =	ssettag s2;
	_ =	strace s9  }
0x27: {  	s1 =	sld [smem:$0x3FA1]  }
0x28: {  	s2 =	sld [smem:$0x3FA2]  }
0x29: {  	s4 =	sld [smem:$0x3FA4]  }
0x2a: {  	p0 =	seq.s32 s5, $0x0;
	s5 =	sld [smem:$0x3FA5]  }
0x2b: {  	s6 =	sld [smem:$0x3FA6]  }
0x2c: {  	s7 =	sld [smem:$0x3FA7]  }
0x2d: {  	s3 =	simm.s32 $0x108;
	s8 =	sld [smem:$0x3FA8]  }
0x2e: {  	s3 =	simm.s32 @!p0 $0x1082;
	s9 =	sld [smem:$0x3FA9]  }
0x2f: {  	lr =	sadd.s32 s0, s3;
	s0 =	sld [smem:$0x3FA0]  }
0x30: {  	s3 =	sld [smem:$0x3FA3]  }
0x31: {  	[smem:$0x3FAC] =	sst s10  }
0x32: {  	s10 =	sld [smem:$0x3FAA];
	_ =	sdelay $0x3  }
0x33: {  	p0 =	seq.s32 s10, $0x1;
	s10 =	sld [smem:$0x3FAC];
	_ =	sdelay $0x3  }
0x34: {  	[smem:$0x3FAC] =	sst s10  }
0x35: {  	s10 =	sld [smem:$0x3FAB];
	_ =	sdelay $0x3  }
0x36: {  	p1 =	seq.s32 s10, $0x1;
	s10 =	sld [smem:$0x3FAC];
	_ =	sdelay $0x3  }
0x37: {  	[smem:$0x3FAC] =	sst s10  }
0x38: {  	s10 =	sld [smem:$0x3FAD]  }
0x39: {  	_ = 	snop;
	(pc) =	sbr.ind lr, $3  }
0x3a: {  	_ = 	snop  }
0x3b: {  	_ = 	snop  }
0x3c: {  	p2 =	seq.s32 s10, $0x1;
	s10 =	sld [smem:$0x3FAC]  }
0x3d: {  	_ =	shalt  }
0x3e: {  	_ =	shalt  }
0x3f: {  	_ =	shalt  }
0x40: {  	_ =	shalt  }
0x41: {  	_ =	shalt  }
0x42: {  	_ =	shalt  }
0x43: {  	_ =	shalt  }
0x44: {  	_ =	shalt  }
0x45: {  	_ =	shalt  }
0x46: {  	_ =	shalt  }
0x47: {  	_ =	shalt  }
0x48: {  	_ =	shalt  }
0x49: {  	_ =	shalt  }
0x4a: {  	_ =	shalt  }
0x4b: {  	_ =	shalt  }
0x4c: {  	_ =	shalt  }
0x4d: {  	_ =	shalt  }
0x4e: {  	_ =	shalt  }
0x4f: {  	_ =	shalt  }
0x50: {  	_ =	shalt  }
0x51: {  	_ =	shalt  }
0x52: {  	_ =	shalt  }
0x53: {  	_ =	shalt  }
0x54: {  	_ =	shalt  }
0x55: {  	_ =	shalt  }
0x56: {  	_ =	shalt  }
0x57: {  	_ =	shalt  }
0x58: {  	_ =	shalt  }
0x59: {  	_ =	shalt  }
0x5a: {  	_ =	shalt  }
0x5b: {  	_ =	shalt  }
0x5c: {  	_ =	shalt  }
0x5d: {  	_ =	shalt  }
0x5e: {  	_ =	shalt  }
0x5f: {  	_ =	shalt  }
0x60: {  	_ =	shalt  }
0x61: {  	_ =	shalt  }
0x62: {  	_ =	shalt  }
0x63: {  	_ =	shalt  }
0x64: {  	_ =	shalt  }
0x65: {  	_ =	shalt  }
0x66: {  	_ =	shalt  }
0x67: {  	_ =	shalt  }
0x68: {  	_ =	shalt  }
0x69: {  	_ =	shalt  }
0x6a: {  	_ =	shalt  }
0x6b: {  	_ =	shalt  }
0x6c: {  	_ =	shalt  }
0x6d: {  	_ =	shalt  }
0x6e: {  	_ =	shalt  }
0x6f: {  	_ =	shalt  }
0x70: {  	_ =	shalt  }
0x71: {  	_ =	shalt  }
0x72: {  	_ =	shalt  }
0x73: {  	_ =	shalt  }
0x74: {  	_ =	shalt  }
0x75: {  	_ =	shalt  }
0x76: {  	_ =	shalt  }
0x77: {  	_ =	shalt  }
0x78: {  	_ =	shalt  }
0x79: {  	_ =	shalt  }
0x7a: {  	_ =	shalt  }
0x7b: {  	_ =	shalt  }
0x7c: {  	_ =	shalt  }
0x7d: {  	_ =	shalt  }
0x7e: {  	_ =	shalt  }
0x7f: {  	_ =	shalt  }
0x80: {  	_ =	shalt  }
0x81: {  	_ =	shalt  }
0x82: {  	_ =	shalt  }
0x83: {  	_ =	shalt  }
0x84: {  	_ =	shalt  }
0x85: {  	_ =	shalt  }
0x86: {  	_ =	shalt  }
0x87: {  	_ =	shalt  }
.Lfunc_end0:
.L_simem_size_0:
called_computation.1_lowered:
.L_overlay_start_0:
0x88: {  	s2 =	sld [smem:$0x3FD9]  }
0x89: {  	s3 =	sld [smem:$0x3FFE];
	_ =	sdelay $0x1  }
0x8a: {  	s1 =	srdreg.scid  }
0x8b: {  	s0 =	sand.u32 $0x1, s1  }
0x8c: {  	s16 =	sshll.u32 s0, $0xA;
	s2 =	sadd.s32 s3, s2  }
0x8d: {  	s2 =	sadd.s32 s2, s16  }
0x8e: {  	[smem:$0x3FB8] =	sst s2  }
0x8f: {  	_ = 	snop  }
0x90: {  	(tm) =	ssettm $0x1  }
0x91: {  	s17 =	sld [smem:$0x3FFB];
	_ =	sdelay $0x3  }
0x92: {  	_ =	strace s17  }
0x93: {  	s2 =	sld [smem:$0x3FFC];
	_ =	sdelay $0x3  }
0x94: {  	_ =	strace s2  }
0x95: {  	s2 =	sld [smem:$0x3FFD];
	_ =	sdelay $0x3  }
0x96: {  	_ =	strace s2  }
0x97: {  	_ =	strace $0x8FFFFFFF  }
0x98: {  	s18 =	sld [smem:$0x3FDB];
	_ =	sdelay $0x1  }
0x99: {  	s19 =	simm.s32 $_scs_section_size  }
0x9a: {  	s4 =	simm.s32 $_size__tile_overlayer_lowered;
	s5 =	simm.s32 $_tile_overlayer_lowered  }
0x9b: {  	s22 =	simm.s32 $0x1BFF;
	s21 =	sshll.u32 s5, $0x1;
	s2 =	sadd.s32 s19, s18  }
0x9c: {  	s6 =	simm.s32 $0x0;
	s20 =	sshll.u32 s4, $0x1;
	s4 =	sadd.s32 s21, s2  }
0x9d: {  	[timem:s6], [sflag:s22] =	dma.local [hbm:s4], s20  }
0x9e: {  	_ =	swait.ge [sflag:s22], s20  }
0x9f: {  	s3 =	ssub.s32 $0x0, s20;
	[sflag:s22] =	ssyncset.done $0x0  }
0xa0: {  	[sflag:s22] =	ssyncadd.s32 s3;
	_ =	sdelay $0x1  }
0xa1: {  	s23 =	simm.s32 $0x1B8B  }
0xa2: {  	_ =	swait.ge [sflag:s23], $0x1  }
0xa3: {  	[sflag:s23] =	ssyncset.done $0x0  }
0xa4: {  	s25 =	simm.s32 $0x1B8E;
	s24 =	sld [smem:$0x3FFE];
	[sflag:s23] =	ssyncadd.s32 $0xFFFFFFFF  }
0xa5: {  	s26 =	simm.s32 $execute0_lowered;
	[smem:$0x3FD2] =	sst s25  }
0xa6: {  	s4 =	sshll.u32 s26, $0x1;
	_ =	strace $0x80000049;
	[dreg:$0x1] =	wrdreg $0xFFFFFFFF  }
0xa7: {  	s28 =	simm.s32 $_size_execute0_lowered;
	s2 =	sadd.s32 s2, s4;
	[dreg:$0x0] =	wrdreg $0x0  }
0xa8: {  	s4 =	sshll.u32 s28, $0x1;
	[dreg:$0x2] =	wrdreg s2  }
0xa9: {  	[dreg:$0x3] =	wrdreg s4  }
0xaa: {  	[dreg:$0x4] =	wrdreg $0xC0  }
0xab: {  	_ =	task [dreg:s6], $0x5FFFF  }
0xac: {  	[dreg:$0x1] =	wrdreg $0xFFFFFFFF  }
0xad: {  	[dreg:$0x0] =	wrdreg $0x60  }
0xae: {  	[dreg:$0x2] =	wrdreg s24  }
0xaf: {  	[dreg:$0x3] =	wrdreg $0x7F000  }
0xb0: {  	[dreg:$0x4] =	wrdreg $0x9  }
0xb1: {  	_ =	task.clear_ibuf [dreg:s6], $0x5FFFF;
	_ =	strace $0x90000049  }
0xb2: {  	s29 =	simm.s32 $0x9;
	_ =	strace $0x8000004B  }
0xb3: {  	_ =	swait.ge [sflag:s29], $0x1  }
0xb4: {  	[sflag:s29] =	ssyncadd.s32 $0xFFFFFFFF  }
0xb5: {  	_ =	strace $0x9000004B  }
0xb6: {  	_ =	sfence  }
0xb7: {  	s30 =	sld [smem:$0x0];
	_ =	sdelay $0x2  }
0xb8: {  	s31 =	sshll.u32 s1, $0xD;
	s1 =	sshrl.u32 s1, $0x2  }
0xb9: {  	s3 =	sand.u32 $0x4000, s31;
	s1 =	sadd.s32 s1, s30  }
0xba: {  	s0 =	sor.u32 s3, s0;
	s1 =	sshll.u32 s1, $0x11  }
0xbb: {  	s0 =	sor.u32 s1, s0  }
0xbc: {  	s0 =	sadd.s32 $0x8F2B, s0  }
0xbd: {  	[sflag:s0] =	ssyncadd.remote.s32 $0x1  }
0xbe: {  	_ =	sfence.sel $0xFFFF  }
0xbf: {  	[dreg:$0x0] =	wrdreg $0xFFFFFFFF;
	(pc) =	sbr.abs _section_cstart, $3  }
0xc0: {  	[dreg:$0x1] =	wrdreg $0xFFFFFFFF  }
0xc1: {  	_ =	task.clear_ibuf [dreg:s6], $0x2FFFF;
	_ =	strace $0x9FFFFFFF  }
0xc2: {  	(tm) =	ssettm $0x7FFFFFFF  }
0xc3: {  	_ =	shalt  }
tec
execute0_lowered:
.L_overlay_start_1:
0x0: {  	(tag) =	ssettag $0x1  }
0x1: {  	s5 =	rddreg [dreg:$0x0]  }
0x2: {  	s1 =	rddreg [dreg:$0x1]  }
0x3: {  	s0 =	rddreg [dreg:$0x2]  }
0x4: {  	s3 =	simm.s32 $0x0;
	s4 =	srdreg.scid;
	s2 =	stileid.u32  }
0x5: {  	s15 =	simm.s32 $0x1;
	s16 =	simm.s32 $0x7D;
	s17 =	simm.s32 $0x200  }
0x6: {  	s18 =	simm.s32 $0x2;
	s19 =	simm.s32 $0x4080;
	s20 =	simm.s32 $0x3  }
0x7: {  	s21 =	simm.s32 $0x80;
	s22 =	simm.s32 $0x4;
	s23 =	simm.s32 $0x180  }
0x8: {  	s24 =	simm.s32 $0x0;
	[smem:$0x7FF] =	sst s3;
	s8 =	sand.u32 $0x1, s4  }
0x9: {  	s6 =	smul.u32 $0x13880, s2;
	s4 =	sadd.s32 $0x19000, s5;
	s9 =	sadd.s32 $0x40200, s5  }
0xa: {  	s10 =	sadd.s32 $0x5000, s5;
	s30 =	smul.u32 $0xA00, s2;
	s31 =	sshll.u32 s2, $0x6  }
0xb: {  	_ =	strace $0x8000004A;
	s7 =	smul.u32 $0x138800, s8;
	s11 =	sshll.u32 s8, $0x4  }
0xc: {  	s12 =	ssub.s32 $0x2, s8;
	p0 =	seq.s32 s8, $0x0;
	s29 =	smul.u32 $0xA000, s8  }
0xd: {  	s11 =	sor.u32 s2, s11;
	s13 =	sshrl.u32 s12, $0x1;
	s28 =	sadd.s32 s6, s1  }
0xe: {  	s14 =	sshrl.u32 s6, $0x3;
	s9 =	smov.u32 @p0 s4;
	s7 =	sadd.s32 s6, s7  }
0xf: {  	s11 =	smul.u32 $0xA00, s11;
	s12 =	ssub.s32 s12, s13;
	s9 =	sadd.s32 s9, s14  }
0x10: {  	s13 =	simm.s32 $0x5;
	s14 =	simm.s32 $0x100;
	s7 =	sshrl.u32 s7, $0x3  }
0x11: {  	s8 =	smax.u32 s12, $0x1;
	s12 =	sshrl.u32 s28, $0x3;
	s7 =	sadd.s32 s7, s5  }
0x12: {  	s5 =	sadd.s32 s10, s11;
	s11 =	sadd.s32 s29, s10;
	s10 =	sor.u32 $0x1C05, s31  }
0x13: {  	s6 =	sadd.s32 $0x20, s5;
	s7 =	sadd.s32 $0x67400, s7;
	s11 =	sadd.s32 s30, s11  }
.LBB2_1:
0x14: {  	[spmem:s12], [sflag:s10] =	dma.local [hbm:s9], $0x2710  }
0x15: {  	_ =	swait.ge [sflag:s13], $0x2710  }
0x16: {  	[sflag:s13] =	ssyncset.done $0x0  }
0x17: {  	[sflag:s13] =	ssyncadd.s32 $0xFFFFD8F0  }
0x18: {  	[bflag:$0x0] =	sbarrier.arrive $0xFFFF  }
0x19: {  	[tilespmem:s3], [sflag:$0x1] =	stream.linear.gather [hbm4b:s5+s3], $0x100, $0x38;
	[tilespmem:$0x1B780] =	vst v63  }
0x1a: {  	_ = 	snop  }
0x1b: {  	[tilespmem:s14], [sflag:$0x2] =	stream.linear.gather [hbm4b:s6+s3], $0x100, $0x38;
	[tilespmem:$0x1B780] =	vst v63  }
0x1c: {  	_ =	swait.ge [sflag:s15], $0x100  }
0x1d: {  	[sflag:s15] =	ssyncset.done $0x0  }
0x1e: {  	[sflag:s15] =	ssyncadd.s32 $0xFFFFFF00  }
0x1f: {  	[tilespmem:s17], [sflag:$0x3] =	stream.indirect.gather [hbm4b:s4+s16], $0x80, s3, s16, $0xb8;
	[tilespmem:$0x1B780] =	vst v63  }
0x20: {  	_ =	swait.ge [sflag:s18], $0x100  }
0x21: {  	[sflag:s18] =	ssyncset.done $0x0  }
0x22: {  	[sflag:s18] =	ssyncadd.s32 $0xFFFFFF00  }
0x23: {  	[tilespmem:s19], [sflag:$0x4] =	stream.indirect.gather [hbm4b:s4+s16], $0x80, s14, s16, $0xb8;
	[tilespmem:$0x1B780] =	vst v63  }
0x24: {  	_ =	swait.ge [sflag:s20], $0x3E80  }
0x25: {  	[sflag:s20] =	ssyncset.done $0x0  }
0x26: {  	[sflag:s20] =	ssyncadd.s32 $0xFFFFC180  }
0x27: {  	[spmem:s1] =	stream.indirect.scatter.add.f32 [tilespmem:s17], [sflag:$0x5], $0x80, s21, s16, $0xb8;
	[tilespmem:$0x1B780] =	vst v63  }
0x28: {  	_ =	swait.ge [sflag:s13], $0x3E80  }
0x29: {  	s26 =	sadd.s32 $0xFFFFF640, s11;
	[sflag:s13] =	ssyncset.done $0x0  }
0x2a: {  	s25 =	sadd.s32 $0xA00, s26;
	[sflag:s13] =	ssyncadd.s32 $0xFFFFC180  }
0x2b: {  	[tilespmem:s3], [sflag:$0x1] =	stream.linear.gather [hbm4b:s25+s3], $0x100, $0x38;
	[tilespmem:$0x1B780] =	vst v63  }
0x2c: {  	_ =	swait.ge [sflag:s15], $0x100  }
0x2d: {  	[sflag:s15] =	ssyncset.done $0x0  }
0x2e: {  	[sflag:s15] =	ssyncadd.s32 $0xFFFFFF00  }
0x2f: {  	[tilespmem:s17], [sflag:$0x3] =	stream.indirect.gather [hbm4b:s4+s16], $0x80, s3, s16, $0xb8;
	[tilespmem:$0x1B780] =	vst v63  }
0x30: {  	_ =	swait.ge [sflag:s22], $0x3E80  }
0x31: {  	[sflag:s22] =	ssyncset.done $0x0  }
0x32: {  	[sflag:s22] =	ssyncadd.s32 $0xFFFFC180  }
0x33: {  	[spmem:s1] =	stream.indirect.scatter.add.f32 [tilespmem:s19], [sflag:$0x5], $0x80, s23, s16, $0xb8;
	[tilespmem:$0x1B780] =	vst v63  }
0x34: {  	_ =	swait.ge [sflag:s13], $0x3E80  }
0x35: {  	[sflag:s13] =	ssyncset.done $0x0  }
0x36: {  	s26 =	sadd.s32 $0xA20, s26;
	s25 =	simm.s32 $0xFFFFF680;
	[sflag:s13] =	ssyncadd.s32 $0xFFFFC180  }
.LBB2_2:
0x37: {  	[tilespmem:s14], [sflag:$0x2] =	stream.linear.gather [hbm4b:s26+s3], $0x100, $0x38;
	[tilespmem:$0x1B780] =	vst v63  }
0x38: {  	s26 =	smov.u32 s25  }
0x39: {  	p0 =	sne.s32 s25, $0xFFFFFFC0;
	s25 =	sadd.s32 $0x40, s25;
	_ =	swait.ge [sflag:s18], $0x100  }
0x3a: {  	[sflag:s18] =	ssyncset.done $0x0  }
0x3b: {  	[sflag:s18] =	ssyncadd.s32 $0xFFFFFF00  }
0x3c: {  	[tilespmem:s19], [sflag:$0x4] =	stream.indirect.gather [hbm4b:s4+s16], $0x80, s14, s16, $0xb8;
	[tilespmem:$0x1B780] =	vst v63  }
0x3d: {  	_ =	swait.ge [sflag:s20], $0x3E80  }
0x3e: {  	[sflag:s20] =	ssyncset.done $0x0  }
0x3f: {  	[sflag:s20] =	ssyncadd.s32 $0xFFFFC180  }
0x40: {  	[spmem:s1] =	stream.indirect.scatter.add.f32 [tilespmem:s17], [sflag:$0x5], $0x80, s21, s16, $0xb8;
	[tilespmem:$0x1B780] =	vst v63  }
0x41: {  	_ =	swait.ge [sflag:s13], $0x3E80  }
0x42: {  	s26 =	sadd.s32 s26, s11;
	[sflag:s13] =	ssyncset.done $0x0  }
0x43: {  	s28 =	sadd.s32 $0xA00, s26;
	[sflag:s13] =	ssyncadd.s32 $0xFFFFC180  }
0x44: {  	[tilespmem:s3], [sflag:$0x1] =	stream.linear.gather [hbm4b:s28+s3], $0x100, $0x38;
	[tilespmem:$0x1B780] =	vst v63  }
0x45: {  	_ =	swait.ge [sflag:s15], $0x100  }
0x46: {  	[sflag:s15] =	ssyncset.done $0x0  }
0x47: {  	[sflag:s15] =	ssyncadd.s32 $0xFFFFFF00  }
0x48: {  	[tilespmem:s17], [sflag:$0x3] =	stream.indirect.gather [hbm4b:s4+s16], $0x80, s3, s16, $0xb8;
	[tilespmem:$0x1B780] =	vst v63  }
0x49: {  	_ =	swait.ge [sflag:s22], $0x3E80  }
0x4a: {  	[sflag:s22] =	ssyncset.done $0x0  }
.Ltmp0:
0x4b: {  	[sflag:s22] =	ssyncadd.s32 $0xFFFFC180;
	(pc) =	sbr.rel @p0 .LBB2_2-.Ltmp0, $4  }
0x4c: {  	[spmem:s1] =	stream.indirect.scatter.add.f32 [tilespmem:s19], [sflag:$0x5], $0x80, s23, s16, $0xb8;
	[tilespmem:$0x1B780] =	vst v63  }
0x4d: {  	_ =	swait.ge [sflag:s13], $0x3E80  }
0x4e: {  	[sflag:s13] =	ssyncset.done $0x0  }
0x4f: {  	s26 =	sadd.s32 $0xA20, s26;
	[sflag:s13] =	ssyncadd.s32 $0xFFFFC180  }
0x50: {  	[tilespmem:s14], [sflag:$0x2] =	stream.linear.gather [hbm4b:s26+s3], $0x100, $0x38;
	[tilespmem:$0x1B780] =	vst v63  }
0x51: {  	_ =	swait.ge [sflag:s18], $0x100  }
0x52: {  	[sflag:s18] =	ssyncset.done $0x0  }
0x53: {  	[sflag:s18] =	ssyncadd.s32 $0xFFFFFF00  }
0x54: {  	[tilespmem:s19], [sflag:$0x4] =	stream.indirect.gather [hbm4b:s4+s16], $0x80, s14, s16, $0xb8;
	[tilespmem:$0x1B780] =	vst v63  }
0x55: {  	_ =	swait.ge [sflag:s20], $0x3E80  }
0x56: {  	[sflag:s20] =	ssyncset.done $0x0  }
0x57: {  	[sflag:s20] =	ssyncadd.s32 $0xFFFFC180  }
0x58: {  	[spmem:s1] =	stream.indirect.scatter.add.f32 [tilespmem:s17], [sflag:$0x5], $0x80, s21, s16, $0xb8;
	[tilespmem:$0x1B780] =	vst v63  }
0x59: {  	_ =	swait.ge [sflag:s13], $0x3E80  }
0x5a: {  	[sflag:s13] =	ssyncset.done $0x0  }
0x5b: {  	[sflag:s13] =	ssyncadd.s32 $0xFFFFC180  }
0x5c: {  	_ =	swait.ge [sflag:s22], $0x3E80  }
0x5d: {  	[sflag:s22] =	ssyncset.done $0x0  }
0x5e: {  	[sflag:s22] =	ssyncadd.s32 $0xFFFFC180  }
0x5f: {  	[spmem:s1] =	stream.indirect.scatter.add.f32 [tilespmem:s19], [sflag:$0x5], $0x80, s23, s16, $0xb8;
	[tilespmem:$0x1B780] =	vst v63  }
0x60: {  	_ =	swait.ge [sflag:s13], $0x3E80  }
0x61: {  	s24 =	sadd.s32 $0x1, s24;
	[sflag:s13] =	ssyncset.done $0x0  }
0x62: {  	p0 =	sne.s32 s24, s8;
	[sflag:s13] =	ssyncadd.s32 $0xFFFFC180  }
.Ltmp1:
0x63: {  	[bflag:$0x0] =	sbarrier.arrive $0xFFFF;
	(pc) =	sbr.rel @p0 .LBB2_1-.Ltmp1, $4  }
0x64: {  	[hbm:s7], [sflag:s10] =	dma.local [spmem:s12], $0x2710  }
0x65: {  	_ =	swait.ge [sflag:s13], $0x2710  }
0x66: {  	[sflag:s13] =	ssyncset.done $0x0  }
0x67: {  	[sflag:s13] =	ssyncadd.s32 $0xFFFFD8F0  }
0x68: {  	_ =	sfence.sel $0x180000  }
0x69: {  	[bflag:$0x0] =	sbarrier.arrive $0xFFFF  }
0x6a: {  	p0 =	sne.s32 s2, $0x0;
	_ =	strace $0x9000004A  }
0x6b: {  	s0 =	sadd.s32 @!p0 $0x100000, s0;
	[bflag:$0x2] =	sbarrier.arrive $0xFFFF  }
0x6c: {  	[sflag:s0] =	ssyncadd.tile.s32 @!p0 $0x1;
	_ =	shalt  }
.Lfunc_end2:
_tile_overlayer_lowered:
.L_overlay_start_2:
0x6d: {  	(tag) =	ssettag $0x2  }
0x6e: {  	s0 =	rddreg [dreg:$0x0];
	s2 =	stileid.u32  }
0x6f: {  	s1 =	rddreg [dreg:$0x1];
	p0 =	sne.s32 s2, $0x0  }
0x70: {  	s3 =	rddreg [dreg:$0x2];
	[bflag:$0x3] =	sbarrier.arrive $0xFFFF;
	s2 =	simm.s32 @!p0 $0x1C05  }
0x71: {  	[timem:s3], [sflag:s2] =	dma.local @!p0 [hbm:s0], s1  }
0x72: {  	s0 =	simm.s32 @!p0 $0x5  }
0x73: {  	_ =	swait.ge @!p0 [sflag:s0], s1  }
0x74: {  	s1 =	ssub.s32 @!p0 $0x0, s1;
	[sflag:s0] =	ssyncset.done @!p0 $0x0  }
0x75: {  	[sflag:s0] =	ssyncadd.s32 @!p0 s1  }
0x76: {  	[bflag:$0x3] =	sbarrier.arrive $0xFFFF  }
0x77: {  	_ =	shalt  }

// kernel: kernel.20.cloned.1.call-start
scs
__scs_entry_jumppad:
0x0: {  	(pc) =	sbr.rel $0x88, $3  }
0x1: {  	(tag) =	ssettag $0x0;
	lr =	simm.s32 $0x1  }
0x2: {  	[smem:$0x3F91] =	sst lr;
	_ =	strace $0xD0000000  }
0x3: {  	_ = 	snop  }
0x4: {  	_ = 	snop  }
0x5: {  	_ = 	snop  }
0x6: {  	_ = 	snop  }
0x7: {  	_ = 	snop  }
__scs_overlays_trampoline_lowered:
0x8: {  	[smem:$0x3FA0] =	sst s0  }
0x9: {  	[smem:$0x3FA1] =	sst s1  }
0xa: {  	[smem:$0x3FA2] =	sst s2  }
0xb: {  	[smem:$0x3FA3] =	sst s3  }
0xc: {  	[smem:$0x3FA4] =	sst s4  }
0xd: {  	[smem:$0x3FA5] =	sst s5  }
0xe: {  	[smem:$0x3FA6] =	sst s6  }
0xf: {  	[smem:$0x3FA7] =	sst s7  }
0x10: {  	[smem:$0x3FA8] =	sst s8  }
0x11: {  	[smem:$0x3FA9] =	sst s9;
	s0 =	simm.s32 @!p0 $0x0  }
0x12: {  	s1 =	sld [smem:$0x3F8F];
	s0 =	simm.s32 @p0 $0x1  }
0x13: {  	[smem:$0x3FAA] =	sst s0;
	s0 =	simm.s32 @!p1 $0x0  }
0x14: {  	s2 =	sld [smem:$0x3F8E];
	s0 =	simm.s32 @p1 $0x1  }
0x15: {  	[smem:$0x3FAB] =	sst s0;
	s0 =	simm.s32 @!p2 $0x0  }
0x16: {  	s3 =	sld [smem:$0x3FDB];
	s0 =	simm.s32 @p2 $0x1  }
0x17: {  	s4 =	simm.s32 $0x1BF5;
	[smem:$0x3FAD] =	sst s0  }
0x18: {  	s0 =	sld [smem:$0x3F90];
	_ =	swait.ge [sflag:s4], $0x0  }
0x19: {  	s7 =	sld [smem:$0x3F91]  }
0x1a: {  	s8 =	sadd.s32 $0xFFFFE003, lr  }
0x1b: {  	s9 =	sadd.s32 $0xFFFFFEF7, lr;
	s5 =	simm.s32 $0xFFFFFFFF;
	p2 =	slt.u32 s8, $0xFFFFF086  }
0x1c: {  	p1 =	slt.u32 s9, $0xF7A;
	s5 =	simm.s32 @!p2 $0x0  }
0x1d: {  	s5 =	simm.s32 @p1 $0x1;
	p0 =	seq.s32 s7, s2  }
0x1e: {  	s7 =	smul.u32 @!p0 $0xF7A, s2;
	p2 =	seq.s32 @!p0 s5, $0x0  }
0x1f: {  	s9 =	smul.u32 $0xF7A, s1;
	s8 =	simm.s32 @!p0 $0x1BF5;
	p2 =	por !p2, p0  }
0x20: {  	[sflag:s8] =	ssyncset.s32 @!p0 $0xFFFFF086;
	s6 =	sadd.s32 @!p0 s3, s7;
	s7 =	simm.s32 @!p0 $0x108  }
0x21: {  	s3 =	sadd.s32 s3, s9;
	s6 =	sadd.s32 @!p0 $0x88, s6;
	s7 =	simm.s32 @p2 $0x1082  }
0x22: {  	[simem:s7], [sflag:s8] =	dma.local @!p0 [hbm:s6], $0xF7A  }
0x23: {  	s9 =	sor.u32 $0xD0000000, s2;
	s6 =	simm.s32 $0x108;
	_ =	swait.ge @!p0 [sflag:s8], $0x0  }
0x24: {  	s3 =	sadd.s32 $0x88, s3;
	s6 =	simm.s32 @!p1 $0x1082;
	[sflag:s4] =	ssyncset.s32 $0xFFFFF086  }
0x25: {  	[simem:s6], [sflag:s4] =	dma.local [hbm:s3], $0xF7A  }
0x26: {  	[smem:$0x3F91] =	sst s1;
	(tag) =	ssettag s2;
	_ =	strace s9  }
0x27: {  	s1 =	sld [smem:$0x3FA1]  }
0x28: {  	s2 =	sld [smem:$0x3FA2]  }
0x29: {  	s4 =	sld [smem:$0x3FA4]  }
0x2a: {  	p0 =	seq.s32 s5, $0x0;
	s5 =	sld [smem:$0x3FA5]  }
0x2b: {  	s6 =	sld [smem:$0x3FA6]  }
0x2c: {  	s7 =	sld [smem:$0x3FA7]  }
0x2d: {  	s3 =	simm.s32 $0x108;
	s8 =	sld [smem:$0x3FA8]  }
0x2e: {  	s3 =	simm.s32 @!p0 $0x1082;
	s9 =	sld [smem:$0x3FA9]  }
0x2f: {  	lr =	sadd.s32 s0, s3;
	s0 =	sld [smem:$0x3FA0]  }
0x30: {  	s3 =	sld [smem:$0x3FA3]  }
0x31: {  	[smem:$0x3FAC] =	sst s10  }
0x32: {  	s10 =	sld [smem:$0x3FAA];
	_ =	sdelay $0x3  }
0x33: {  	p0 =	seq.s32 s10, $0x1;
	s10 =	sld [smem:$0x3FAC];
	_ =	sdelay $0x3  }
0x34: {  	[smem:$0x3FAC] =	sst s10  }
0x35: {  	s10 =	sld [smem:$0x3FAB];
	_ =	sdelay $0x3  }
0x36: {  	p1 =	seq.s32 s10, $0x1;
	s10 =	sld [smem:$0x3FAC];
	_ =	sdelay $0x3  }
0x37: {  	[smem:$0x3FAC] =	sst s10  }
0x38: {  	s10 =	sld [smem:$0x3FAD]  }
0x39: {  	_ = 	snop;
	(pc) =	sbr.ind lr, $3  }
0x3a: {  	_ = 	snop  }
0x3b: {  	_ = 	snop  }
0x3c: {  	p2 =	seq.s32 s10, $0x1;
	s10 =	sld [smem:$0x3FAC]  }
0x3d: {  	_ =	shalt  }
0x3e: {  	_ =	shalt  }
0x3f: {  	_ =	shalt  }
0x40: {  	_ =	shalt  }
0x41: {  	_ =	shalt  }
0x42: {  	_ =	shalt  }
0x43: {  	_ =	shalt  }
0x44: {  	_ =	shalt  }
0x45: {  	_ =	shalt  }
0x46: {  	_ =	shalt  }
0x47: {  	_ =	shalt  }
0x48: {  	_ =	shalt  }
0x49: {  	_ =	shalt  }
0x4a: {  	_ =	shalt  }
0x4b: {  	_ =	shalt  }
0x4c: {  	_ =	shalt  }
0x4d: {  	_ =	shalt  }
0x4e: {  	_ =	shalt  }
0x4f: {  	_ =	shalt  }
0x50: {  	_ =	shalt  }
0x51: {  	_ =	shalt  }
0x52: {  	_ =	shalt  }
0x53: {  	_ =	shalt  }
0x54: {  	_ =	shalt  }
0x55: {  	_ =	shalt  }
0x56: {  	_ =	shalt  }
0x57: {  	_ =	shalt  }
0x58: {  	_ =	shalt  }
0x59: {  	_ =	shalt  }
0x5a: {  	_ =	shalt  }
0x5b: {  	_ =	shalt  }
0x5c: {  	_ =	shalt  }
0x5d: {  	_ =	shalt  }
0x5e: {  	_ =	shalt  }
0x5f: {  	_ =	shalt  }
0x60: {  	_ =	shalt  }
0x61: {  	_ =	shalt  }
0x62: {  	_ =	shalt  }
0x63: {  	_ =	shalt  }
0x64: {  	_ =	shalt  }
0x65: {  	_ =	shalt  }
0x66: {  	_ =	shalt  }
0x67: {  	_ =	shalt  }
0x68: {  	_ =	shalt  }
0x69: {  	_ =	shalt  }
0x6a: {  	_ =	shalt  }
0x6b: {  	_ =	shalt  }
0x6c: {  	_ =	shalt  }
0x6d: {  	_ =	shalt  }
0x6e: {  	_ =	shalt  }
0x6f: {  	_ =	shalt  }
0x70: {  	_ =	shalt  }
0x71: {  	_ =	shalt  }
0x72: {  	_ =	shalt  }
0x73: {  	_ =	shalt  }
0x74: {  	_ =	shalt  }
0x75: {  	_ =	shalt  }
0x76: {  	_ =	shalt  }
0x77: {  	_ =	shalt  }
0x78: {  	_ =	shalt  }
0x79: {  	_ =	shalt  }
0x7a: {  	_ =	shalt  }
0x7b: {  	_ =	shalt  }
0x7c: {  	_ =	shalt  }
0x7d: {  	_ =	shalt  }
0x7e: {  	_ =	shalt  }
0x7f: {  	_ =	shalt  }
0x80: {  	_ =	shalt  }
0x81: {  	_ =	shalt  }
0x82: {  	_ =	shalt  }
0x83: {  	_ =	shalt  }
0x84: {  	_ =	shalt  }
0x85: {  	_ =	shalt  }
0x86: {  	_ =	shalt  }
0x87: {  	_ =	shalt  }
.Lfunc_end0:
.L_simem_size_0:
called_computation.2_lowered:
.L_overlay_start_0:
0x88: {  	s2 =	sld [smem:$0x3FD9]  }
0x89: {  	s3 =	sld [smem:$0x3FFE];
	_ =	sdelay $0x1  }
0x8a: {  	s1 =	srdreg.scid  }
0x8b: {  	s0 =	sand.u32 $0x1, s1  }
0x8c: {  	s16 =	sshll.u32 s0, $0xA;
	s2 =	sadd.s32 s3, s2  }
0x8d: {  	s2 =	sadd.s32 s2, s16  }
0x8e: {  	[smem:$0x3FB8] =	sst s2  }
0x8f: {  	_ = 	snop  }
0x90: {  	(tm) =	ssettm $0x1  }
0x91: {  	s17 =	sld [smem:$0x3FFB];
	_ =	sdelay $0x3  }
0x92: {  	_ =	strace s17  }
0x93: {  	s2 =	sld [smem:$0x3FFC];
	_ =	sdelay $0x3  }
0x94: {  	_ =	strace s2  }
0x95: {  	s2 =	sld [smem:$0x3FFD];
	_ =	sdelay $0x3  }
0x96: {  	_ =	strace s2  }
0x97: {  	_ =	strace $0x8FFFFFFF  }
0x98: {  	s18 =	sld [smem:$0x3FDB];
	_ =	sdelay $0x1  }
0x99: {  	s19 =	simm.s32 $_scs_section_size  }
0x9a: {  	s4 =	simm.s32 $_size__tile_overlayer_lowered;
	s5 =	simm.s32 $_tile_overlayer_lowered  }
0x9b: {  	s22 =	simm.s32 $0x1BFF;
	s21 =	sshll.u32 s5, $0x1;
	s2 =	sadd.s32 s19, s18  }
0x9c: {  	s6 =	simm.s32 $0x0;
	s20 =	sshll.u32 s4, $0x1;
	s4 =	sadd.s32 s21, s2  }
0x9d: {  	[timem:s6], [sflag:s22] =	dma.local [hbm:s4], s20  }
0x9e: {  	_ =	swait.ge [sflag:s22], s20  }
0x9f: {  	s3 =	ssub.s32 $0x0, s20;
	[sflag:s22] =	ssyncset.done $0x0  }
0xa0: {  	[sflag:s22] =	ssyncadd.s32 s3;
	_ =	sdelay $0x1  }
0xa1: {  	s23 =	simm.s32 $0x1B8B  }
0xa2: {  	_ =	swait.ge [sflag:s23], $0x1  }
0xa3: {  	[sflag:s23] =	ssyncset.done $0x0  }
0xa4: {  	s25 =	simm.s32 $0x1B8E;
	s24 =	sld [smem:$0x3FFE];
	[sflag:s23] =	ssyncadd.s32 $0xFFFFFFFF  }
0xa5: {  	s26 =	simm.s32 $execute0_lowered;
	[smem:$0x3FD2] =	sst s25  }
0xa6: {  	s4 =	sshll.u32 s26, $0x1;
	_ =	strace $0x8000004C;
	[dreg:$0x1] =	wrdreg $0xFFFFFFFF  }
0xa7: {  	s28 =	simm.s32 $_size_execute0_lowered;
	s2 =	sadd.s32 s2, s4;
	[dreg:$0x0] =	wrdreg $0x0  }
0xa8: {  	s4 =	sshll.u32 s28, $0x1;
	[dreg:$0x2] =	wrdreg s2  }
0xa9: {  	[dreg:$0x3] =	wrdreg s4  }
0xaa: {  	[dreg:$0x4] =	wrdreg $0xC0  }
0xab: {  	_ =	task [dreg:s6], $0x5FFFF  }
0xac: {  	[dreg:$0x1] =	wrdreg $0xFFFFFFFF  }
0xad: {  	[dreg:$0x0] =	wrdreg $0x60  }
0xae: {  	[dreg:$0x2] =	wrdreg s24  }
0xaf: {  	[dreg:$0x3] =	wrdreg $0x7F000  }
0xb0: {  	[dreg:$0x4] =	wrdreg $0x9  }
0xb1: {  	_ =	task.clear_ibuf [dreg:s6], $0x5FFFF;
	_ =	strace $0x9000004C  }
0xb2: {  	s29 =	simm.s32 $0x9;
	_ =	strace $0x8000004E  }
0xb3: {  	_ =	swait.ge [sflag:s29], $0x1  }
0xb4: {  	[sflag:s29] =	ssyncadd.s32 $0xFFFFFFFF  }
0xb5: {  	_ =	strace $0x9000004E  }
0xb6: {  	_ =	sfence  }
0xb7: {  	s30 =	sld [smem:$0x0];
	_ =	sdelay $0x2  }
0xb8: {  	s31 =	sshll.u32 s1, $0xD;
	s1 =	sshrl.u32 s1, $0x2  }
0xb9: {  	s3 =	sand.u32 $0x4000, s31;
	s1 =	sadd.s32 s1, s30  }
0xba: {  	s0 =	sor.u32 s3, s0;
	s1 =	sshll.u32 s1, $0x11  }
0xbb: {  	s0 =	sor.u32 s1, s0  }
0xbc: {  	s0 =	sadd.s32 $0x8F2B, s0  }
0xbd: {  	[sflag:s0] =	ssyncadd.remote.s32 $0x1  }
0xbe: {  	_ =	sfence.sel $0xFFFF  }
0xbf: {  	[dreg:$0x0] =	wrdreg $0xFFFFFFFF;
	(pc) =	sbr.abs _section_cstart, $3  }
0xc0: {  	[dreg:$0x1] =	wrdreg $0xFFFFFFFF  }
0xc1: {  	_ =	task.clear_ibuf [dreg:s6], $0x2FFFF;
	_ =	strace $0x9FFFFFFF  }
0xc2: {  	(tm) =	ssettm $0x7FFFFFFF  }
0xc3: {  	_ =	shalt  }
tec
execute0_lowered:
.L_overlay_start_1:
0x0: {  	(tag) =	ssettag $0x1  }
0x1: {  	s5 =	rddreg [dreg:$0x0]  }
0x2: {  	s1 =	rddreg [dreg:$0x1]  }
0x3: {  	s0 =	rddreg [dreg:$0x2]  }
0x4: {  	s3 =	simm.s32 $0x0;
	s4 =	srdreg.scid;
	s2 =	stileid.u32  }
0x5: {  	s15 =	simm.s32 $0x1;
	s16 =	simm.s32 $0x7D;
	s17 =	simm.s32 $0x200  }
0x6: {  	s18 =	simm.s32 $0x2;
	s19 =	simm.s32 $0x4080;
	s20 =	simm.s32 $0x3  }
0x7: {  	s21 =	simm.s32 $0x80;
	s22 =	simm.s32 $0x4;
	s23 =	simm.s32 $0x180  }
0x8: {  	s24 =	simm.s32 $0x0;
	[smem:$0x7FF] =	sst s3;
	s8 =	sand.u32 $0x1, s4  }
0x9: {  	s6 =	smul.u32 $0x13880, s2;
	s4 =	sadd.s32 $0x19000, s5;
	s9 =	sadd.s32 $0x40200, s5  }
0xa: {  	s10 =	sadd.s32 $0x5000, s5;
	s30 =	smul.u32 $0xA00, s2;
	s31 =	sshll.u32 s2, $0x6  }
0xb: {  	_ =	strace $0x8000004D;
	s7 =	smul.u32 $0x138800, s8;
	s11 =	sshll.u32 s8, $0x4  }
0xc: {  	s12 =	ssub.s32 $0x2, s8;
	p0 =	seq.s32 s8, $0x0;
	s29 =	smul.u32 $0xA000, s8  }
0xd: {  	s11 =	sor.u32 s2, s11;
	s13 =	sshrl.u32 s12, $0x1;
	s28 =	sadd.s32 s6, s1  }
0xe: {  	s14 =	sshrl.u32 s6, $0x3;
	s9 =	smov.u32 @p0 s4;
	s7 =	sadd.s32 s6, s7  }
0xf: {  	s11 =	smul.u32 $0xA00, s11;
	s12 =	ssub.s32 s12, s13;
	s9 =	sadd.s32 s9, s14  }
0x10: {  	s13 =	simm.s32 $0x5;
	s14 =	simm.s32 $0x100;
	s7 =	sshrl.u32 s7, $0x3  }
0x11: {  	s8 =	smax.u32 s12, $0x1;
	s12 =	sshrl.u32 s28, $0x3;
	s7 =	sadd.s32 s7, s5  }
0x12: {  	s5 =	sadd.s32 s10, s11;
	s11 =	sadd.s32 s29, s10;
	s10 =	sor.u32 $0x1C05, s31  }
0x13: {  	s6 =	sadd.s32 $0x20, s5;
	s7 =	sadd.s32 $0x67400, s7;
	s11 =	sadd.s32 s30, s11  }
.LBB2_1:
0x14: {  	[spmem:s12], [sflag:s10] =	dma.local [hbm:s9], $0x2710  }
0x15: {  	_ =	swait.ge [sflag:s13], $0x2710  }
0x16: {  	[sflag:s13] =	ssyncset.done $0x0  }
0x17: {  	[sflag:s13] =	ssyncadd.s32 $0xFFFFD8F0  }
0x18: {  	[bflag:$0x0] =	sbarrier.arrive $0xFFFF  }
0x19: {  	[tilespmem:s3], [sflag:$0x1] =	stream.linear.gather [hbm4b:s5+s3], $0x100, $0x38;
	[tilespmem:$0x1B780] =	vst v63  }
0x1a: {  	_ = 	snop  }
0x1b: {  	[tilespmem:s14], [sflag:$0x2] =	stream.linear.gather [hbm4b:s6+s3], $0x100, $0x38;
	[tilespmem:$0x1B780] =	vst v63  }
0x1c: {  	_ =	swait.ge [sflag:s15], $0x100  }
0x1d: {  	[sflag:s15] =	ssyncset.done $0x0  }
0x1e: {  	[sflag:s15] =	ssyncadd.s32 $0xFFFFFF00  }
0x1f: {  	[tilespmem:s17], [sflag:$0x3] =	stream.indirect.gather [hbm4b:s4+s16], $0x80, s3, s16, $0xb8;
	[tilespmem:$0x1B780] =	vst v63  }
0x20: {  	_ =	swait.ge [sflag:s18], $0x100  }
0x21: {  	[sflag:s18] =	ssyncset.done $0x0  }
0x22: {  	[sflag:s18] =	ssyncadd.s32 $0xFFFFFF00  }
0x23: {  	[tilespmem:s19], [sflag:$0x4] =	stream.indirect.gather [hbm4b:s4+s16], $0x80, s14, s16, $0xb8;
	[tilespmem:$0x1B780] =	vst v63  }
0x24: {  	_ =	swait.ge [sflag:s20], $0x3E80  }
0x25: {  	[sflag:s20] =	ssyncset.done $0x0  }
0x26: {  	[sflag:s20] =	ssyncadd.s32 $0xFFFFC180  }
0x27: {  	[spmem:s1] =	stream.indirect.scatter.add.f32 [tilespmem:s17], [sflag:$0x5], $0x80, s21, s16, $0xb8;
	[tilespmem:$0x1B780] =	vst v63  }
0x28: {  	_ =	swait.ge [sflag:s13], $0x3E80  }
0x29: {  	s26 =	sadd.s32 $0xFFFFF640, s11;
	[sflag:s13] =	ssyncset.done $0x0  }
0x2a: {  	s25 =	sadd.s32 $0xA00, s26;
	[sflag:s13] =	ssyncadd.s32 $0xFFFFC180  }
0x2b: {  	[tilespmem:s3], [sflag:$0x1] =	stream.linear.gather [hbm4b:s25+s3], $0x100, $0x38;
	[tilespmem:$0x1B780] =	vst v63  }
0x2c: {  	_ =	swait.ge [sflag:s15], $0x100  }
0x2d: {  	[sflag:s15] =	ssyncset.done $0x0  }
0x2e: {  	[sflag:s15] =	ssyncadd.s32 $0xFFFFFF00  }
0x2f: {  	[tilespmem:s17], [sflag:$0x3] =	stream.indirect.gather [hbm4b:s4+s16], $0x80, s3, s16, $0xb8;
	[tilespmem:$0x1B780] =	vst v63  }
0x30: {  	_ =	swait.ge [sflag:s22], $0x3E80  }
0x31: {  	[sflag:s22] =	ssyncset.done $0x0  }
0x32: {  	[sflag:s22] =	ssyncadd.s32 $0xFFFFC180  }
0x33: {  	[spmem:s1] =	stream.indirect.scatter.add.f32 [tilespmem:s19], [sflag:$0x5], $0x80, s23, s16, $0xb8;
	[tilespmem:$0x1B780] =	vst v63  }
0x34: {  	_ =	swait.ge [sflag:s13], $0x3E80  }
0x35: {  	[sflag:s13] =	ssyncset.done $0x0  }
0x36: {  	s26 =	sadd.s32 $0xA20, s26;
	s25 =	simm.s32 $0xFFFFF680;
	[sflag:s13] =	ssyncadd.s32 $0xFFFFC180  }
.LBB2_2:
0x37: {  	[tilespmem:s14], [sflag:$0x2] =	stream.linear.gather [hbm4b:s26+s3], $0x100, $0x38;
	[tilespmem:$0x1B780] =	vst v63  }
0x38: {  	s26 =	smov.u32 s25  }
0x39: {  	p0 =	sne.s32 s25, $0xFFFFFFC0;
	s25 =	sadd.s32 $0x40, s25;
	_ =	swait.ge [sflag:s18], $0x100  }
0x3a: {  	[sflag:s18] =	ssyncset.done $0x0  }
0x3b: {  	[sflag:s18] =	ssyncadd.s32 $0xFFFFFF00  }
0x3c: {  	[tilespmem:s19], [sflag:$0x4] =	stream.indirect.gather [hbm4b:s4+s16], $0x80, s14, s16, $0xb8;
	[tilespmem:$0x1B780] =	vst v63  }
0x3d: {  	_ =	swait.ge [sflag:s20], $0x3E80  }
0x3e: {  	[sflag:s20] =	ssyncset.done $0x0  }
0x3f: {  	[sflag:s20] =	ssyncadd.s32 $0xFFFFC180  }
0x40: {  	[spmem:s1] =	stream.indirect.scatter.add.f32 [tilespmem:s17], [sflag:$0x5], $0x80, s21, s16, $0xb8;
	[tilespmem:$0x1B780] =	vst v63  }
0x41: {  	_ =	swait.ge [sflag:s13], $0x3E80  }
0x42: {  	s26 =	sadd.s32 s26, s11;
	[sflag:s13] =	ssyncset.done $0x0  }
0x43: {  	s28 =	sadd.s32 $0xA00, s26;
	[sflag:s13] =	ssyncadd.s32 $0xFFFFC180  }
0x44: {  	[tilespmem:s3], [sflag:$0x1] =	stream.linear.gather [hbm4b:s28+s3], $0x100, $0x38;
	[tilespmem:$0x1B780] =	vst v63  }
0x45: {  	_ =	swait.ge [sflag:s15], $0x100  }
0x46: {  	[sflag:s15] =	ssyncset.done $0x0  }
0x47: {  	[sflag:s15] =	ssyncadd.s32 $0xFFFFFF00  }
0x48: {  	[tilespmem:s17], [sflag:$0x3] =	stream.indirect.gather [hbm4b:s4+s16], $0x80, s3, s16, $0xb8;
	[tilespmem:$0x1B780] =	vst v63  }
0x49: {  	_ =	swait.ge [sflag:s22], $0x3E80  }
0x4a: {  	[sflag:s22] =	ssyncset.done $0x0  }
.Ltmp0:
0x4b: {  	[sflag:s22] =	ssyncadd.s32 $0xFFFFC180;
	(pc) =	sbr.rel @p0 .LBB2_2-.Ltmp0, $4  }
0x4c: {  	[spmem:s1] =	stream.indirect.scatter.add.f32 [tilespmem:s19], [sflag:$0x5], $0x80, s23, s16, $0xb8;
	[tilespmem:$0x1B780] =	vst v63  }
0x4d: {  	_ =	swait.ge [sflag:s13], $0x3E80  }
0x4e: {  	[sflag:s13] =	ssyncset.done $0x0  }
0x4f: {  	s26 =	sadd.s32 $0xA20, s26;
	[sflag:s13] =	ssyncadd.s32 $0xFFFFC180  }
0x50: {  	[tilespmem:s14], [sflag:$0x2] =	stream.linear.gather [hbm4b:s26+s3], $0x100, $0x38;
	[tilespmem:$0x1B780] =	vst v63  }
0x51: {  	_ =	swait.ge [sflag:s18], $0x100  }
0x52: {  	[sflag:s18] =	ssyncset.done $0x0  }
0x53: {  	[sflag:s18] =	ssyncadd.s32 $0xFFFFFF00  }
0x54: {  	[tilespmem:s19], [sflag:$0x4] =	stream.indirect.gather [hbm4b:s4+s16], $0x80, s14, s16, $0xb8;
	[tilespmem:$0x1B780] =	vst v63  }
0x55: {  	_ =	swait.ge [sflag:s20], $0x3E80  }
0x56: {  	[sflag:s20] =	ssyncset.done $0x0  }
0x57: {  	[sflag:s20] =	ssyncadd.s32 $0xFFFFC180  }
0x58: {  	[spmem:s1] =	stream.indirect.scatter.add.f32 [tilespmem:s17], [sflag:$0x5], $0x80, s21, s16, $0xb8;
	[tilespmem:$0x1B780] =	vst v63  }
0x59: {  	_ =	swait.ge [sflag:s13], $0x3E80  }
0x5a: {  	[sflag:s13] =	ssyncset.done $0x0  }
0x5b: {  	[sflag:s13] =	ssyncadd.s32 $0xFFFFC180  }
0x5c: {  	_ =	swait.ge [sflag:s22], $0x3E80  }
0x5d: {  	[sflag:s22] =	ssyncset.done $0x0  }
0x5e: {  	[sflag:s22] =	ssyncadd.s32 $0xFFFFC180  }
0x5f: {  	[spmem:s1] =	stream.indirect.scatter.add.f32 [tilespmem:s19], [sflag:$0x5], $0x80, s23, s16, $0xb8;
	[tilespmem:$0x1B780] =	vst v63  }
0x60: {  	_ =	swait.ge [sflag:s13], $0x3E80  }
0x61: {  	s24 =	sadd.s32 $0x1, s24;
	[sflag:s13] =	ssyncset.done $0x0  }
0x62: {  	p0 =	sne.s32 s24, s8;
	[sflag:s13] =	ssyncadd.s32 $0xFFFFC180  }
.Ltmp1:
0x63: {  	[bflag:$0x0] =	sbarrier.arrive $0xFFFF;
	(pc) =	sbr.rel @p0 .LBB2_1-.Ltmp1, $4  }
0x64: {  	[hbm:s7], [sflag:s10] =	dma.local [spmem:s12], $0x2710  }
0x65: {  	_ =	swait.ge [sflag:s13], $0x2710  }
0x66: {  	[sflag:s13] =	ssyncset.done $0x0  }
0x67: {  	[sflag:s13] =	ssyncadd.s32 $0xFFFFD8F0  }
0x68: {  	_ =	sfence.sel $0x180000  }
0x69: {  	[bflag:$0x0] =	sbarrier.arrive $0xFFFF  }
0x6a: {  	p0 =	sne.s32 s2, $0x0;
	_ =	strace $0x9000004D  }
0x6b: {  	s0 =	sadd.s32 @!p0 $0x100000, s0;
	[bflag:$0x2] =	sbarrier.arrive $0xFFFF  }
0x6c: {  	[sflag:s0] =	ssyncadd.tile.s32 @!p0 $0x1;
	_ =	shalt  }
.Lfunc_end2:
_tile_overlayer_lowered:
.L_overlay_start_2:
0x6d: {  	(tag) =	ssettag $0x2  }
0x6e: {  	s0 =	rddreg [dreg:$0x0];
	s2 =	stileid.u32  }
0x6f: {  	s1 =	rddreg [dreg:$0x1];
	p0 =	sne.s32 s2, $0x0  }
0x70: {  	s3 =	rddreg [dreg:$0x2];
	[bflag:$0x3] =	sbarrier.arrive $0xFFFF;
	s2 =	simm.s32 @!p0 $0x1C05  }
0x71: {  	[timem:s3], [sflag:s2] =	dma.local @!p0 [hbm:s0], s1  }
0x72: {  	s0 =	simm.s32 @!p0 $0x5  }
0x73: {  	_ =	swait.ge @!p0 [sflag:s0], s1  }
0x74: {  	s1 =	ssub.s32 @!p0 $0x0, s1;
	[sflag:s0] =	ssyncset.done @!p0 $0x0  }
0x75: {  	[sflag:s0] =	ssyncadd.s32 @!p0 s1  }
0x76: {  	[bflag:$0x3] =	sbarrier.arrive $0xFFFF  }
0x77: {  	_ =	shalt  }

// kernel: kernel.23.cloned.1.call-start
scs
__scs_entry_jumppad:
0x0: {  	(pc) =	sbr.rel $0x88, $3  }
0x1: {  	(tag) =	ssettag $0x0;
	lr =	simm.s32 $0x1  }
0x2: {  	[smem:$0x3F91] =	sst lr;
	_ =	strace $0xD0000000  }
0x3: {  	_ = 	snop  }
0x4: {  	_ = 	snop  }
0x5: {  	_ = 	snop  }
0x6: {  	_ = 	snop  }
0x7: {  	_ = 	snop  }
__scs_overlays_trampoline_lowered:
0x8: {  	[smem:$0x3FA0] =	sst s0  }
0x9: {  	[smem:$0x3FA1] =	sst s1  }
0xa: {  	[smem:$0x3FA2] =	sst s2  }
0xb: {  	[smem:$0x3FA3] =	sst s3  }
0xc: {  	[smem:$0x3FA4] =	sst s4  }
0xd: {  	[smem:$0x3FA5] =	sst s5  }
0xe: {  	[smem:$0x3FA6] =	sst s6  }
0xf: {  	[smem:$0x3FA7] =	sst s7  }
0x10: {  	[smem:$0x3FA8] =	sst s8  }
0x11: {  	[smem:$0x3FA9] =	sst s9;
	s0 =	simm.s32 @!p0 $0x0  }
0x12: {  	s1 =	sld [smem:$0x3F8F];
	s0 =	simm.s32 @p0 $0x1  }
0x13: {  	[smem:$0x3FAA] =	sst s0;
	s0 =	simm.s32 @!p1 $0x0  }
0x14: {  	s2 =	sld [smem:$0x3F8E];
	s0 =	simm.s32 @p1 $0x1  }
0x15: {  	[smem:$0x3FAB] =	sst s0;
	s0 =	simm.s32 @!p2 $0x0  }
0x16: {  	s3 =	sld [smem:$0x3FDB];
	s0 =	simm.s32 @p2 $0x1  }
0x17: {  	s4 =	simm.s32 $0x1BF5;
	[smem:$0x3FAD] =	sst s0  }
0x18: {  	s0 =	sld [smem:$0x3F90];
	_ =	swait.ge [sflag:s4], $0x0  }
0x19: {  	s7 =	sld [smem:$0x3F91]  }
0x1a: {  	s8 =	sadd.s32 $0xFFFFE003, lr  }
0x1b: {  	s9 =	sadd.s32 $0xFFFFFEF7, lr;
	s5 =	simm.s32 $0xFFFFFFFF;
	p2 =	slt.u32 s8, $0xFFFFF086  }
0x1c: {  	p1 =	slt.u32 s9, $0xF7A;
	s5 =	simm.s32 @!p2 $0x0  }
0x1d: {  	s5 =	simm.s32 @p1 $0x1;
	p0 =	seq.s32 s7, s2  }
0x1e: {  	s7 =	smul.u32 @!p0 $0xF7A, s2;
	p2 =	seq.s32 @!p0 s5, $0x0  }
0x1f: {  	s9 =	smul.u32 $0xF7A, s1;
	s8 =	simm.s32 @!p0 $0x1BF5;
	p2 =	por !p2, p0  }
0x20: {  	[sflag:s8] =	ssyncset.s32 @!p0 $0xFFFFF086;
	s6 =	sadd.s32 @!p0 s3, s7;
	s7 =	simm.s32 @!p0 $0x108  }
0x21: {  	s3 =	sadd.s32 s3, s9;
	s6 =	sadd.s32 @!p0 $0x88, s6;
	s7 =	simm.s32 @p2 $0x1082  }
0x22: {  	[simem:s7], [sflag:s8] =	dma.local @!p0 [hbm:s6], $0xF7A  }
0x23: {  	s9 =	sor.u32 $0xD0000000, s2;
	s6 =	simm.s32 $0x108;
	_ =	swait.ge @!p0 [sflag:s8], $0x0  }
0x24: {  	s3 =	sadd.s32 $0x88, s3;
	s6 =	simm.s32 @!p1 $0x1082;
	[sflag:s4] =	ssyncset.s32 $0xFFFFF086  }
0x25: {  	[simem:s6], [sflag:s4] =	dma.local [hbm:s3], $0xF7A  }
0x26: {  	[smem:$0x3F91] =	sst s1;
	(tag) =	ssettag s2;
	_ =	strace s9  }
0x27: {  	s1 =	sld [smem:$0x3FA1]  }
0x28: {  	s2 =	sld [smem:$0x3FA2]  }
0x29: {  	s4 =	sld [smem:$0x3FA4]  }
0x2a: {  	p0 =	seq.s32 s5, $0x0;
	s5 =	sld [smem:$0x3FA5]  }
0x2b: {  	s6 =	sld [smem:$0x3FA6]  }
0x2c: {  	s7 =	sld [smem:$0x3FA7]  }
0x2d: {  	s3 =	simm.s32 $0x108;
	s8 =	sld [smem:$0x3FA8]  }
0x2e: {  	s3 =	simm.s32 @!p0 $0x1082;
	s9 =	sld [smem:$0x3FA9]  }
0x2f: {  	lr =	sadd.s32 s0, s3;
	s0 =	sld [smem:$0x3FA0]  }
0x30: {  	s3 =	sld [smem:$0x3FA3]  }
0x31: {  	[smem:$0x3FAC] =	sst s10  }
0x32: {  	s10 =	sld [smem:$0x3FAA];
	_ =	sdelay $0x3  }
0x33: {  	p0 =	seq.s32 s10, $0x1;
	s10 =	sld [smem:$0x3FAC];
	_ =	sdelay $0x3  }
0x34: {  	[smem:$0x3FAC] =	sst s10  }
0x35: {  	s10 =	sld [smem:$0x3FAB];
	_ =	sdelay $0x3  }
0x36: {  	p1 =	seq.s32 s10, $0x1;
	s10 =	sld [smem:$0x3FAC];
	_ =	sdelay $0x3  }
0x37: {  	[smem:$0x3FAC] =	sst s10  }
0x38: {  	s10 =	sld [smem:$0x3FAD]  }
0x39: {  	_ = 	snop;
	(pc) =	sbr.ind lr, $3  }
0x3a: {  	_ = 	snop  }
0x3b: {  	_ = 	snop  }
0x3c: {  	p2 =	seq.s32 s10, $0x1;
	s10 =	sld [smem:$0x3FAC]  }
0x3d: {  	_ =	shalt  }
0x3e: {  	_ =	shalt  }
0x3f: {  	_ =	shalt  }
0x40: {  	_ =	shalt  }
0x41: {  	_ =	shalt  }
0x42: {  	_ =	shalt  }
0x43: {  	_ =	shalt  }
0x44: {  	_ =	shalt  }
0x45: {  	_ =	shalt  }
0x46: {  	_ =	shalt  }
0x47: {  	_ =	shalt  }
0x48: {  	_ =	shalt  }
0x49: {  	_ =	shalt  }
0x4a: {  	_ =	shalt  }
0x4b: {  	_ =	shalt  }
0x4c: {  	_ =	shalt  }
0x4d: {  	_ =	shalt  }
0x4e: {  	_ =	shalt  }
0x4f: {  	_ =	shalt  }
0x50: {  	_ =	shalt  }
0x51: {  	_ =	shalt  }
0x52: {  	_ =	shalt  }
0x53: {  	_ =	shalt  }
0x54: {  	_ =	shalt  }
0x55: {  	_ =	shalt  }
0x56: {  	_ =	shalt  }
0x57: {  	_ =	shalt  }
0x58: {  	_ =	shalt  }
0x59: {  	_ =	shalt  }
0x5a: {  	_ =	shalt  }
0x5b: {  	_ =	shalt  }
0x5c: {  	_ =	shalt  }
0x5d: {  	_ =	shalt  }
0x5e: {  	_ =	shalt  }
0x5f: {  	_ =	shalt  }
0x60: {  	_ =	shalt  }
0x61: {  	_ =	shalt  }
0x62: {  	_ =	shalt  }
0x63: {  	_ =	shalt  }
0x64: {  	_ =	shalt  }
0x65: {  	_ =	shalt  }
0x66: {  	_ =	shalt  }
0x67: {  	_ =	shalt  }
0x68: {  	_ =	shalt  }
0x69: {  	_ =	shalt  }
0x6a: {  	_ =	shalt  }
0x6b: {  	_ =	shalt  }
0x6c: {  	_ =	shalt  }
0x6d: {  	_ =	shalt  }
0x6e: {  	_ =	shalt  }
0x6f: {  	_ =	shalt  }
0x70: {  	_ =	shalt  }
0x71: {  	_ =	shalt  }
0x72: {  	_ =	shalt  }
0x73: {  	_ =	shalt  }
0x74: {  	_ =	shalt  }
0x75: {  	_ =	shalt  }
0x76: {  	_ =	shalt  }
0x77: {  	_ =	shalt  }
0x78: {  	_ =	shalt  }
0x79: {  	_ =	shalt  }
0x7a: {  	_ =	shalt  }
0x7b: {  	_ =	shalt  }
0x7c: {  	_ =	shalt  }
0x7d: {  	_ =	shalt  }
0x7e: {  	_ =	shalt  }
0x7f: {  	_ =	shalt  }
0x80: {  	_ =	shalt  }
0x81: {  	_ =	shalt  }
0x82: {  	_ =	shalt  }
0x83: {  	_ =	shalt  }
0x84: {  	_ =	shalt  }
0x85: {  	_ =	shalt  }
0x86: {  	_ =	shalt  }
0x87: {  	_ =	shalt  }
.Lfunc_end0:
.L_simem_size_0:
called_computation.3_lowered:
.L_overlay_start_0:
0x88: {  	s2 =	sld [smem:$0x3FD9]  }
0x89: {  	s3 =	sld [smem:$0x3FFE];
	_ =	sdelay $0x1  }
0x8a: {  	s1 =	srdreg.scid  }
0x8b: {  	s0 =	sand.u32 $0x1, s1  }
0x8c: {  	s16 =	sshll.u32 s0, $0xA;
	s2 =	sadd.s32 s3, s2  }
0x8d: {  	s2 =	sadd.s32 s2, s16  }
0x8e: {  	[smem:$0x3FB8] =	sst s2  }
0x8f: {  	_ = 	snop  }
0x90: {  	(tm) =	ssettm $0x1  }
0x91: {  	s17 =	sld [smem:$0x3FFB];
	_ =	sdelay $0x3  }
0x92: {  	_ =	strace s17  }
0x93: {  	s2 =	sld [smem:$0x3FFC];
	_ =	sdelay $0x3  }
0x94: {  	_ =	strace s2  }
0x95: {  	s2 =	sld [smem:$0x3FFD];
	_ =	sdelay $0x3  }
0x96: {  	_ =	strace s2  }
0x97: {  	_ =	strace $0x8FFFFFFF  }
0x98: {  	s18 =	sld [smem:$0x3FDB];
	_ =	sdelay $0x1  }
0x99: {  	s19 =	simm.s32 $_scs_section_size  }
0x9a: {  	s4 =	simm.s32 $_size__tile_overlayer_lowered;
	s5 =	simm.s32 $_tile_overlayer_lowered  }
0x9b: {  	s22 =	simm.s32 $0x1BFF;
	s21 =	sshll.u32 s5, $0x1;
	s2 =	sadd.s32 s19, s18  }
0x9c: {  	s6 =	simm.s32 $0x0;
	s20 =	sshll.u32 s4, $0x1;
	s4 =	sadd.s32 s21, s2  }
0x9d: {  	[timem:s6], [sflag:s22] =	dma.local [hbm:s4], s20  }
0x9e: {  	_ =	swait.ge [sflag:s22], s20  }
0x9f: {  	s3 =	ssub.s32 $0x0, s20;
	[sflag:s22] =	ssyncset.done $0x0  }
0xa0: {  	[sflag:s22] =	ssyncadd.s32 s3;
	_ =	sdelay $0x1  }
0xa1: {  	s23 =	simm.s32 $0x1B8B  }
0xa2: {  	_ =	swait.ge [sflag:s23], $0x1  }
0xa3: {  	[sflag:s23] =	ssyncset.done $0x0  }
0xa4: {  	s25 =	simm.s32 $0x1B8E;
	s24 =	sld [smem:$0x3FFE];
	[sflag:s23] =	ssyncadd.s32 $0xFFFFFFFF  }
0xa5: {  	s26 =	simm.s32 $execute0_lowered;
	[smem:$0x3FD2] =	sst s25  }
0xa6: {  	s4 =	sshll.u32 s26, $0x1;
	_ =	strace $0x8000004F;
	[dreg:$0x1] =	wrdreg $0xFFFFFFFF  }
0xa7: {  	s28 =	simm.s32 $_size_execute0_lowered;
	s2 =	sadd.s32 s2, s4;
	[dreg:$0x0] =	wrdreg $0x0  }
0xa8: {  	s4 =	sshll.u32 s28, $0x1;
	[dreg:$0x2] =	wrdreg s2  }
0xa9: {  	[dreg:$0x3] =	wrdreg s4  }
0xaa: {  	[dreg:$0x4] =	wrdreg $0xC0  }
0xab: {  	_ =	task [dreg:s6], $0x5FFFF  }
0xac: {  	[dreg:$0x1] =	wrdreg $0xFFFFFFFF  }
0xad: {  	[dreg:$0x0] =	wrdreg $0x60  }
0xae: {  	[dreg:$0x2] =	wrdreg s24  }
0xaf: {  	[dreg:$0x3] =	wrdreg $0x7F000  }
0xb0: {  	[dreg:$0x4] =	wrdreg $0x9  }
0xb1: {  	_ =	task.clear_ibuf [dreg:s6], $0x5FFFF;
	_ =	strace $0x9000004F  }
0xb2: {  	s29 =	simm.s32 $0x9;
	_ =	strace $0x80000051  }
0xb3: {  	_ =	swait.ge [sflag:s29], $0x1  }
0xb4: {  	[sflag:s29] =	ssyncadd.s32 $0xFFFFFFFF  }
0xb5: {  	_ =	strace $0x90000051  }
0xb6: {  	_ =	sfence  }
0xb7: {  	s30 =	sld [smem:$0x0];
	_ =	sdelay $0x2  }
0xb8: {  	s31 =	sshll.u32 s1, $0xD;
	s1 =	sshrl.u32 s1, $0x2  }
0xb9: {  	s3 =	sand.u32 $0x4000, s31;
	s1 =	sadd.s32 s1, s30  }
0xba: {  	s0 =	sor.u32 s3, s0;
	s1 =	sshll.u32 s1, $0x11  }
0xbb: {  	s0 =	sor.u32 s1, s0  }
0xbc: {  	s0 =	sadd.s32 $0x8F2B, s0  }
0xbd: {  	[sflag:s0] =	ssyncadd.remote.s32 $0x1  }
0xbe: {  	_ =	sfence.sel $0xFFFF  }
0xbf: {  	[dreg:$0x0] =	wrdreg $0xFFFFFFFF;
	(pc) =	sbr.abs _section_cstart, $3  }
0xc0: {  	[dreg:$0x1] =	wrdreg $0xFFFFFFFF  }
0xc1: {  	_ =	task.clear_ibuf [dreg:s6], $0x2FFFF;
	_ =	strace $0x9FFFFFFF  }
0xc2: {  	(tm) =	ssettm $0x7FFFFFFF  }
0xc3: {  	_ =	shalt  }
tec
execute0_lowered:
.L_overlay_start_1:
0x0: {  	(tag) =	ssettag $0x1  }
0x1: {  	s5 =	rddreg [dreg:$0x0]  }
0x2: {  	s1 =	rddreg [dreg:$0x1]  }
0x3: {  	s0 =	rddreg [dreg:$0x2]  }
0x4: {  	s3 =	simm.s32 $0x0;
	s4 =	srdreg.scid;
	s2 =	stileid.u32  }
0x5: {  	s15 =	simm.s32 $0x1;
	s16 =	simm.s32 $0x7D;
	s17 =	simm.s32 $0x200  }
0x6: {  	s18 =	simm.s32 $0x2;
	s19 =	simm.s32 $0x4080;
	s20 =	simm.s32 $0x3  }
0x7: {  	s21 =	simm.s32 $0x80;
	s22 =	simm.s32 $0x4;
	s23 =	simm.s32 $0x180  }
0x8: {  	s24 =	simm.s32 $0x0;
	[smem:$0x7FF] =	sst s3;
	s8 =	sand.u32 $0x1, s4  }
0x9: {  	s6 =	smul.u32 $0x13880, s2;
	s4 =	sadd.s32 $0x19000, s5;
	s9 =	sadd.s32 $0x40200, s5  }
0xa: {  	s10 =	sadd.s32 $0x5000, s5;
	s30 =	smul.u32 $0xA00, s2;
	s31 =	sshll.u32 s2, $0x6  }
0xb: {  	_ =	strace $0x80000050;
	s7 =	smul.u32 $0x138800, s8;
	s11 =	sshll.u32 s8, $0x4  }
0xc: {  	s12 =	ssub.s32 $0x2, s8;
	p0 =	seq.s32 s8, $0x0;
	s29 =	smul.u32 $0xA000, s8  }
0xd: {  	s11 =	sor.u32 s2, s11;
	s13 =	sshrl.u32 s12, $0x1;
	s28 =	sadd.s32 s6, s1  }
0xe: {  	s14 =	sshrl.u32 s6, $0x3;
	s9 =	smov.u32 @p0 s4;
	s7 =	sadd.s32 s6, s7  }
0xf: {  	s11 =	smul.u32 $0xA00, s11;
	s12 =	ssub.s32 s12, s13;
	s9 =	sadd.s32 s9, s14  }
0x10: {  	s13 =	simm.s32 $0x5;
	s14 =	simm.s32 $0x100;
	s7 =	sshrl.u32 s7, $0x3  }
0x11: {  	s8 =	smax.u32 s12, $0x1;
	s12 =	sshrl.u32 s28, $0x3;
	s7 =	sadd.s32 s7, s5  }
0x12: {  	s5 =	sadd.s32 s10, s11;
	s11 =	sadd.s32 s29, s10;
	s10 =	sor.u32 $0x1C05, s31  }
0x13: {  	s6 =	sadd.s32 $0x20, s5;
	s7 =	sadd.s32 $0x67400, s7;
	s11 =	sadd.s32 s30, s11  }
.LBB2_1:
0x14: {  	[spmem:s12], [sflag:s10] =	dma.local [hbm:s9], $0x2710  }
0x15: {  	_ =	swait.ge [sflag:s13], $0x2710  }
0x16: {  	[sflag:s13] =	ssyncset.done $0x0  }
0x17: {  	[sflag:s13] =	ssyncadd.s32 $0xFFFFD8F0  }
0x18: {  	[bflag:$0x0] =	sbarrier.arrive $0xFFFF  }
0x19: {  	[tilespmem:s3], [sflag:$0x1] =	stream.linear.gather [hbm4b:s5+s3], $0x100, $0x38;
	[tilespmem:$0x1B780] =	vst v63  }
0x1a: {  	_ = 	snop  }
0x1b: {  	[tilespmem:s14], [sflag:$0x2] =	stream.linear.gather [hbm4b:s6+s3], $0x100, $0x38;
	[tilespmem:$0x1B780] =	vst v63  }
0x1c: {  	_ =	swait.ge [sflag:s15], $0x100  }
0x1d: {  	[sflag:s15] =	ssyncset.done $0x0  }
0x1e: {  	[sflag:s15] =	ssyncadd.s32 $0xFFFFFF00  }
0x1f: {  	[tilespmem:s17], [sflag:$0x3] =	stream.indirect.gather [hbm4b:s4+s16], $0x80, s3, s16, $0xb8;
	[tilespmem:$0x1B780] =	vst v63  }
0x20: {  	_ =	swait.ge [sflag:s18], $0x100  }
0x21: {  	[sflag:s18] =	ssyncset.done $0x0  }
0x22: {  	[sflag:s18] =	ssyncadd.s32 $0xFFFFFF00  }
0x23: {  	[tilespmem:s19], [sflag:$0x4] =	stream.indirect.gather [hbm4b:s4+s16], $0x80, s14, s16, $0xb8;
	[tilespmem:$0x1B780] =	vst v63  }
0x24: {  	_ =	swait.ge [sflag:s20], $0x3E80  }
0x25: {  	[sflag:s20] =	ssyncset.done $0x0  }
0x26: {  	[sflag:s20] =	ssyncadd.s32 $0xFFFFC180  }
0x27: {  	[spmem:s1] =	stream.indirect.scatter.add.f32 [tilespmem:s17], [sflag:$0x5], $0x80, s21, s16, $0xb8;
	[tilespmem:$0x1B780] =	vst v63  }
0x28: {  	_ =	swait.ge [sflag:s13], $0x3E80  }
0x29: {  	s26 =	sadd.s32 $0xFFFFF640, s11;
	[sflag:s13] =	ssyncset.done $0x0  }
0x2a: {  	s25 =	sadd.s32 $0xA00, s26;
	[sflag:s13] =	ssyncadd.s32 $0xFFFFC180  }
0x2b: {  	[tilespmem:s3], [sflag:$0x1] =	stream.linear.gather [hbm4b:s25+s3], $0x100, $0x38;
	[tilespmem:$0x1B780] =	vst v63  }
0x2c: {  	_ =	swait.ge [sflag:s15], $0x100  }
0x2d: {  	[sflag:s15] =	ssyncset.done $0x0  }
0x2e: {  	[sflag:s15] =	ssyncadd.s32 $0xFFFFFF00  }
0x2f: {  	[tilespmem:s17], [sflag:$0x3] =	stream.indirect.gather [hbm4b:s4+s16], $0x80, s3, s16, $0xb8;
	[tilespmem:$0x1B780] =	vst v63  }
0x30: {  	_ =	swait.ge [sflag:s22], $0x3E80  }
0x31: {  	[sflag:s22] =	ssyncset.done $0x0  }
0x32: {  	[sflag:s22] =	ssyncadd.s32 $0xFFFFC180  }
0x33: {  	[spmem:s1] =	stream.indirect.scatter.add.f32 [tilespmem:s19], [sflag:$0x5], $0x80, s23, s16, $0xb8;
	[tilespmem:$0x1B780] =	vst v63  }
0x34: {  	_ =	swait.ge [sflag:s13], $0x3E80  }
0x35: {  	[sflag:s13] =	ssyncset.done $0x0  }
0x36: {  	s26 =	sadd.s32 $0xA20, s26;
	s25 =	simm.s32 $0xFFFFF680;
	[sflag:s13] =	ssyncadd.s32 $0xFFFFC180  }
.LBB2_2:
0x37: {  	[tilespmem:s14], [sflag:$0x2] =	stream.linear.gather [hbm4b:s26+s3], $0x100, $0x38;
	[tilespmem:$0x1B780] =	vst v63  }
0x38: {  	s26 =	smov.u32 s25  }
0x39: {  	p0 =	sne.s32 s25, $0xFFFFFFC0;
	s25 =	sadd.s32 $0x40, s25;
	_ =	swait.ge [sflag:s18], $0x100  }
0x3a: {  	[sflag:s18] =	ssyncset.done $0x0  }
0x3b: {  	[sflag:s18] =	ssyncadd.s32 $0xFFFFFF00  }
0x3c: {  	[tilespmem:s19], [sflag:$0x4] =	stream.indirect.gather [hbm4b:s4+s16], $0x80, s14, s16, $0xb8;
	[tilespmem:$0x1B780] =	vst v63  }
0x3d: {  	_ =	swait.ge [sflag:s20], $0x3E80  }
0x3e: {  	[sflag:s20] =	ssyncset.done $0x0  }
0x3f: {  	[sflag:s20] =	ssyncadd.s32 $0xFFFFC180  }
0x40: {  	[spmem:s1] =	stream.indirect.scatter.add.f32 [tilespmem:s17], [sflag:$0x5], $0x80, s21, s16, $0xb8;
	[tilespmem:$0x1B780] =	vst v63  }
0x41: {  	_ =	swait.ge [sflag:s13], $0x3E80  }
0x42: {  	s26 =	sadd.s32 s26, s11;
	[sflag:s13] =	ssyncset.done $0x0  }
0x43: {  	s28 =	sadd.s32 $0xA00, s26;
	[sflag:s13] =	ssyncadd.s32 $0xFFFFC180  }
0x44: {  	[tilespmem:s3], [sflag:$0x1] =	stream.linear.gather [hbm4b:s28+s3], $0x100, $0x38;
	[tilespmem:$0x1B780] =	vst v63  }
0x45: {  	_ =	swait.ge [sflag:s15], $0x100  }
0x46: {  	[sflag:s15] =	ssyncset.done $0x0  }
0x47: {  	[sflag:s15] =	ssyncadd.s32 $0xFFFFFF00  }
0x48: {  	[tilespmem:s17], [sflag:$0x3] =	stream.indirect.gather [hbm4b:s4+s16], $0x80, s3, s16, $0xb8;
	[tilespmem:$0x1B780] =	vst v63  }
0x49: {  	_ =	swait.ge [sflag:s22], $0x3E80  }
0x4a: {  	[sflag:s22] =	ssyncset.done $0x0  }
.Ltmp0:
0x4b: {  	[sflag:s22] =	ssyncadd.s32 $0xFFFFC180;
	(pc) =	sbr.rel @p0 .LBB2_2-.Ltmp0, $4  }
0x4c: {  	[spmem:s1] =	stream.indirect.scatter.add.f32 [tilespmem:s19], [sflag:$0x5], $0x80, s23, s16, $0xb8;
	[tilespmem:$0x1B780] =	vst v63  }
0x4d: {  	_ =	swait.ge [sflag:s13], $0x3E80  }
0x4e: {  	[sflag:s13] =	ssyncset.done $0x0  }
0x4f: {  	s26 =	sadd.s32 $0xA20, s26;
	[sflag:s13] =	ssyncadd.s32 $0xFFFFC180  }
0x50: {  	[tilespmem:s14], [sflag:$0x2] =	stream.linear.gather [hbm4b:s26+s3], $0x100, $0x38;
	[tilespmem:$0x1B780] =	vst v63  }
0x51: {  	_ =	swait.ge [sflag:s18], $0x100  }
0x52: {  	[sflag:s18] =	ssyncset.done $0x0  }
0x53: {  	[sflag:s18] =	ssyncadd.s32 $0xFFFFFF00  }
0x54: {  	[tilespmem:s19], [sflag:$0x4] =	stream.indirect.gather [hbm4b:s4+s16], $0x80, s14, s16, $0xb8;
	[tilespmem:$0x1B780] =	vst v63  }
0x55: {  	_ =	swait.ge [sflag:s20], $0x3E80  }
0x56: {  	[sflag:s20] =	ssyncset.done $0x0  }
0x57: {  	[sflag:s20] =	ssyncadd.s32 $0xFFFFC180  }
0x58: {  	[spmem:s1] =	stream.indirect.scatter.add.f32 [tilespmem:s17], [sflag:$0x5], $0x80, s21, s16, $0xb8;
	[tilespmem:$0x1B780] =	vst v63  }
0x59: {  	_ =	swait.ge [sflag:s13], $0x3E80  }
0x5a: {  	[sflag:s13] =	ssyncset.done $0x0  }
0x5b: {  	[sflag:s13] =	ssyncadd.s32 $0xFFFFC180  }
0x5c: {  	_ =	swait.ge [sflag:s22], $0x3E80  }
0x5d: {  	[sflag:s22] =	ssyncset.done $0x0  }
0x5e: {  	[sflag:s22] =	ssyncadd.s32 $0xFFFFC180  }
0x5f: {  	[spmem:s1] =	stream.indirect.scatter.add.f32 [tilespmem:s19], [sflag:$0x5], $0x80, s23, s16, $0xb8;
	[tilespmem:$0x1B780] =	vst v63  }
0x60: {  	_ =	swait.ge [sflag:s13], $0x3E80  }
0x61: {  	s24 =	sadd.s32 $0x1, s24;
	[sflag:s13] =	ssyncset.done $0x0  }
0x62: {  	p0 =	sne.s32 s24, s8;
	[sflag:s13] =	ssyncadd.s32 $0xFFFFC180  }
.Ltmp1:
0x63: {  	[bflag:$0x0] =	sbarrier.arrive $0xFFFF;
	(pc) =	sbr.rel @p0 .LBB2_1-.Ltmp1, $4  }
0x64: {  	[hbm:s7], [sflag:s10] =	dma.local [spmem:s12], $0x2710  }
0x65: {  	_ =	swait.ge [sflag:s13], $0x2710  }
0x66: {  	[sflag:s13] =	ssyncset.done $0x0  }
0x67: {  	[sflag:s13] =	ssyncadd.s32 $0xFFFFD8F0  }
0x68: {  	_ =	sfence.sel $0x180000  }
0x69: {  	[bflag:$0x0] =	sbarrier.arrive $0xFFFF  }
0x6a: {  	p0 =	sne.s32 s2, $0x0;
	_ =	strace $0x90000050  }
0x6b: {  	s0 =	sadd.s32 @!p0 $0x100000, s0;
	[bflag:$0x2] =	sbarrier.arrive $0xFFFF  }
0x6c: {  	[sflag:s0] =	ssyncadd.tile.s32 @!p0 $0x1;
	_ =	shalt  }
.Lfunc_end2:
_tile_overlayer_lowered:
.L_overlay_start_2:
0x6d: {  	(tag) =	ssettag $0x2  }
0x6e: {  	s0 =	rddreg [dreg:$0x0];
	s2 =	stileid.u32  }
0x6f: {  	s1 =	rddreg [dreg:$0x1];
	p0 =	sne.s32 s2, $0x0  }
0x70: {  	s3 =	rddreg [dreg:$0x2];
	[bflag:$0x3] =	sbarrier.arrive $0xFFFF;
	s2 =	simm.s32 @!p0 $0x1C05  }
0x71: {  	[timem:s3], [sflag:s2] =	dma.local @!p0 [hbm:s0], s1  }
0x72: {  	s0 =	simm.s32 @!p0 $0x5  }
0x73: {  	_ =	swait.ge @!p0 [sflag:s0], s1  }
0x74: {  	s1 =	ssub.s32 @!p0 $0x0, s1;
	[sflag:s0] =	ssyncset.done @!p0 $0x0  }
0x75: {  	[sflag:s0] =	ssyncadd.s32 @!p0 s1  }
0x76: {  	[bflag:$0x3] =	sbarrier.arrive $0xFFFF  }
0x77: {  	_ =	shalt  }

// kernel: kernel.26.cloned.1.call-start
scs
__scs_entry_jumppad:
0x0: {  	(pc) =	sbr.rel $0x88, $3  }
0x1: {  	(tag) =	ssettag $0x0;
	lr =	simm.s32 $0x1  }
0x2: {  	[smem:$0x3F91] =	sst lr;
	_ =	strace $0xD0000000  }
0x3: {  	_ = 	snop  }
0x4: {  	_ = 	snop  }
0x5: {  	_ = 	snop  }
0x6: {  	_ = 	snop  }
0x7: {  	_ = 	snop  }
__scs_overlays_trampoline_lowered:
0x8: {  	[smem:$0x3FA0] =	sst s0  }
0x9: {  	[smem:$0x3FA1] =	sst s1  }
0xa: {  	[smem:$0x3FA2] =	sst s2  }
0xb: {  	[smem:$0x3FA3] =	sst s3  }
0xc: {  	[smem:$0x3FA4] =	sst s4  }
0xd: {  	[smem:$0x3FA5] =	sst s5  }
0xe: {  	[smem:$0x3FA6] =	sst s6  }
0xf: {  	[smem:$0x3FA7] =	sst s7  }
0x10: {  	[smem:$0x3FA8] =	sst s8  }
0x11: {  	[smem:$0x3FA9] =	sst s9;
	s0 =	simm.s32 @!p0 $0x0  }
0x12: {  	s1 =	sld [smem:$0x3F8F];
	s0 =	simm.s32 @p0 $0x1  }
0x13: {  	[smem:$0x3FAA] =	sst s0;
	s0 =	simm.s32 @!p1 $0x0  }
0x14: {  	s2 =	sld [smem:$0x3F8E];
	s0 =	simm.s32 @p1 $0x1  }
0x15: {  	[smem:$0x3FAB] =	sst s0;
	s0 =	simm.s32 @!p2 $0x0  }
0x16: {  	s3 =	sld [smem:$0x3FDB];
	s0 =	simm.s32 @p2 $0x1  }
0x17: {  	s4 =	simm.s32 $0x1BF5;
	[smem:$0x3FAD] =	sst s0  }
0x18: {  	s0 =	sld [smem:$0x3F90];
	_ =	swait.ge [sflag:s4], $0x0  }
0x19: {  	s7 =	sld [smem:$0x3F91]  }
0x1a: {  	s8 =	sadd.s32 $0xFFFFE003, lr  }
0x1b: {  	s9 =	sadd.s32 $0xFFFFFEF7, lr;
	s5 =	simm.s32 $0xFFFFFFFF;
	p2 =	slt.u32 s8, $0xFFFFF086  }
0x1c: {  	p1 =	slt.u32 s9, $0xF7A;
	s5 =	simm.s32 @!p2 $0x0  }
0x1d: {  	s5 =	simm.s32 @p1 $0x1;
	p0 =	seq.s32 s7, s2  }
0x1e: {  	s7 =	smul.u32 @!p0 $0xF7A, s2;
	p2 =	seq.s32 @!p0 s5, $0x0  }
0x1f: {  	s9 =	smul.u32 $0xF7A, s1;
	s8 =	simm.s32 @!p0 $0x1BF5;
	p2 =	por !p2, p0  }
0x20: {  	[sflag:s8] =	ssyncset.s32 @!p0 $0xFFFFF086;
	s6 =	sadd.s32 @!p0 s3, s7;
	s7 =	simm.s32 @!p0 $0x108  }
0x21: {  	s3 =	sadd.s32 s3, s9;
	s6 =	sadd.s32 @!p0 $0x88, s6;
	s7 =	simm.s32 @p2 $0x1082  }
0x22: {  	[simem:s7], [sflag:s8] =	dma.local @!p0 [hbm:s6], $0xF7A  }
0x23: {  	s9 =	sor.u32 $0xD0000000, s2;
	s6 =	simm.s32 $0x108;
	_ =	swait.ge @!p0 [sflag:s8], $0x0  }
0x24: {  	s3 =	sadd.s32 $0x88, s3;
	s6 =	simm.s32 @!p1 $0x1082;
	[sflag:s4] =	ssyncset.s32 $0xFFFFF086  }
0x25: {  	[simem:s6], [sflag:s4] =	dma.local [hbm:s3], $0xF7A  }
0x26: {  	[smem:$0x3F91] =	sst s1;
	(tag) =	ssettag s2;
	_ =	strace s9  }
0x27: {  	s1 =	sld [smem:$0x3FA1]  }
0x28: {  	s2 =	sld [smem:$0x3FA2]  }
0x29: {  	s4 =	sld [smem:$0x3FA4]  }
0x2a: {  	p0 =	seq.s32 s5, $0x0;
	s5 =	sld [smem:$0x3FA5]  }
0x2b: {  	s6 =	sld [smem:$0x3FA6]  }
0x2c: {  	s7 =	sld [smem:$0x3FA7]  }
0x2d: {  	s3 =	simm.s32 $0x108;
	s8 =	sld [smem:$0x3FA8]  }
0x2e: {  	s3 =	simm.s32 @!p0 $0x1082;
	s9 =	sld [smem:$0x3FA9]  }
0x2f: {  	lr =	sadd.s32 s0, s3;
	s0 =	sld [smem:$0x3FA0]  }
0x30: {  	s3 =	sld [smem:$0x3FA3]  }
0x31: {  	[smem:$0x3FAC] =	sst s10  }
0x32: {  	s10 =	sld [smem:$0x3FAA];
	_ =	sdelay $0x3  }
0x33: {  	p0 =	seq.s32 s10, $0x1;
	s10 =	sld [smem:$0x3FAC];
	_ =	sdelay $0x3  }
0x34: {  	[smem:$0x3FAC] =	sst s10  }
0x35: {  	s10 =	sld [smem:$0x3FAB];
	_ =	sdelay $0x3  }
0x36: {  	p1 =	seq.s32 s10, $0x1;
	s10 =	sld [smem:$0x3FAC];
	_ =	sdelay $0x3  }
0x37: {  	[smem:$0x3FAC] =	sst s10  }
0x38: {  	s10 =	sld [smem:$0x3FAD]  }
0x39: {  	_ = 	snop;
	(pc) =	sbr.ind lr, $3  }
0x3a: {  	_ = 	snop  }
0x3b: {  	_ = 	snop  }
0x3c: {  	p2 =	seq.s32 s10, $0x1;
	s10 =	sld [smem:$0x3FAC]  }
0x3d: {  	_ =	shalt  }
0x3e: {  	_ =	shalt  }
0x3f: {  	_ =	shalt  }
0x40: {  	_ =	shalt  }
0x41: {  	_ =	shalt  }
0x42: {  	_ =	shalt  }
0x43: {  	_ =	shalt  }
0x44: {  	_ =	shalt  }
0x45: {  	_ =	shalt  }
0x46: {  	_ =	shalt  }
0x47: {  	_ =	shalt  }
0x48: {  	_ =	shalt  }
0x49: {  	_ =	shalt  }
0x4a: {  	_ =	shalt  }
0x4b: {  	_ =	shalt  }
0x4c: {  	_ =	shalt  }
0x4d: {  	_ =	shalt  }
0x4e: {  	_ =	shalt  }
0x4f: {  	_ =	shalt  }
0x50: {  	_ =	shalt  }
0x51: {  	_ =	shalt  }
0x52: {  	_ =	shalt  }
0x53: {  	_ =	shalt  }
0x54: {  	_ =	shalt  }
0x55: {  	_ =	shalt  }
0x56: {  	_ =	shalt  }
0x57: {  	_ =	shalt  }
0x58: {  	_ =	shalt  }
0x59: {  	_ =	shalt  }
0x5a: {  	_ =	shalt  }
0x5b: {  	_ =	shalt  }
0x5c: {  	_ =	shalt  }
0x5d: {  	_ =	shalt  }
0x5e: {  	_ =	shalt  }
0x5f: {  	_ =	shalt  }
0x60: {  	_ =	shalt  }
0x61: {  	_ =	shalt  }
0x62: {  	_ =	shalt  }
0x63: {  	_ =	shalt  }
0x64: {  	_ =	shalt  }
0x65: {  	_ =	shalt  }
0x66: {  	_ =	shalt  }
0x67: {  	_ =	shalt  }
0x68: {  	_ =	shalt  }
0x69: {  	_ =	shalt  }
0x6a: {  	_ =	shalt  }
0x6b: {  	_ =	shalt  }
0x6c: {  	_ =	shalt  }
0x6d: {  	_ =	shalt  }
0x6e: {  	_ =	shalt  }
0x6f: {  	_ =	shalt  }
0x70: {  	_ =	shalt  }
0x71: {  	_ =	shalt  }
0x72: {  	_ =	shalt  }
0x73: {  	_ =	shalt  }
0x74: {  	_ =	shalt  }
0x75: {  	_ =	shalt  }
0x76: {  	_ =	shalt  }
0x77: {  	_ =	shalt  }
0x78: {  	_ =	shalt  }
0x79: {  	_ =	shalt  }
0x7a: {  	_ =	shalt  }
0x7b: {  	_ =	shalt  }
0x7c: {  	_ =	shalt  }
0x7d: {  	_ =	shalt  }
0x7e: {  	_ =	shalt  }
0x7f: {  	_ =	shalt  }
0x80: {  	_ =	shalt  }
0x81: {  	_ =	shalt  }
0x82: {  	_ =	shalt  }
0x83: {  	_ =	shalt  }
0x84: {  	_ =	shalt  }
0x85: {  	_ =	shalt  }
0x86: {  	_ =	shalt  }
0x87: {  	_ =	shalt  }
.Lfunc_end0:
.L_simem_size_0:
called_computation.4_lowered:
.L_overlay_start_0:
0x88: {  	s2 =	sld [smem:$0x3FD9]  }
0x89: {  	s3 =	sld [smem:$0x3FFE];
	_ =	sdelay $0x1  }
0x8a: {  	s1 =	srdreg.scid  }
0x8b: {  	s0 =	sand.u32 $0x1, s1  }
0x8c: {  	s16 =	sshll.u32 s0, $0xA;
	s2 =	sadd.s32 s3, s2  }
0x8d: {  	s2 =	sadd.s32 s2, s16  }
0x8e: {  	[smem:$0x3FB8] =	sst s2  }
0x8f: {  	_ = 	snop  }
0x90: {  	(tm) =	ssettm $0x1  }
0x91: {  	s17 =	sld [smem:$0x3FFB];
	_ =	sdelay $0x3  }
0x92: {  	_ =	strace s17  }
0x93: {  	s2 =	sld [smem:$0x3FFC];
	_ =	sdelay $0x3  }
0x94: {  	_ =	strace s2  }
0x95: {  	s2 =	sld [smem:$0x3FFD];
	_ =	sdelay $0x3  }
0x96: {  	_ =	strace s2  }
0x97: {  	_ =	strace $0x8FFFFFFF  }
0x98: {  	s18 =	sld [smem:$0x3FDB];
	_ =	sdelay $0x1  }
0x99: {  	s19 =	simm.s32 $_scs_section_size  }
0x9a: {  	s4 =	simm.s32 $_size__tile_overlayer_lowered;
	s5 =	simm.s32 $_tile_overlayer_lowered  }
0x9b: {  	s22 =	simm.s32 $0x1BFF;
	s21 =	sshll.u32 s5, $0x1;
	s2 =	sadd.s32 s19, s18  }
0x9c: {  	s6 =	simm.s32 $0x0;
	s20 =	sshll.u32 s4, $0x1;
	s4 =	sadd.s32 s21, s2  }
0x9d: {  	[timem:s6], [sflag:s22] =	dma.local [hbm:s4], s20  }
0x9e: {  	_ =	swait.ge [sflag:s22], s20  }
0x9f: {  	s3 =	ssub.s32 $0x0, s20;
	[sflag:s22] =	ssyncset.done $0x0  }
0xa0: {  	[sflag:s22] =	ssyncadd.s32 s3;
	_ =	sdelay $0x1  }
0xa1: {  	s23 =	simm.s32 $0x1B8B  }
0xa2: {  	_ =	swait.ge [sflag:s23], $0x1  }
0xa3: {  	[sflag:s23] =	ssyncset.done $0x0  }
0xa4: {  	s25 =	simm.s32 $0x1B8E;
	s24 =	sld [smem:$0x3FFE];
	[sflag:s23] =	ssyncadd.s32 $0xFFFFFFFF  }
0xa5: {  	s26 =	simm.s32 $execute0_lowered;
	[smem:$0x3FD2] =	sst s25  }
0xa6: {  	s4 =	sshll.u32 s26, $0x1;
	_ =	strace $0x80000052;
	[dreg:$0x1] =	wrdreg $0xFFFFFFFF  }
0xa7: {  	s28 =	simm.s32 $_size_execute0_lowered;
	s2 =	sadd.s32 s2, s4;
	[dreg:$0x0] =	wrdreg $0x0  }
0xa8: {  	s4 =	sshll.u32 s28, $0x1;
	[dreg:$0x2] =	wrdreg s2  }
0xa9: {  	[dreg:$0x3] =	wrdreg s4  }
0xaa: {  	[dreg:$0x4] =	wrdreg $0xC0  }
0xab: {  	_ =	task [dreg:s6], $0x5FFFF  }
0xac: {  	[dreg:$0x1] =	wrdreg $0xFFFFFFFF  }
0xad: {  	[dreg:$0x0] =	wrdreg $0x60  }
0xae: {  	[dreg:$0x2] =	wrdreg s24  }
0xaf: {  	[dreg:$0x3] =	wrdreg $0x7F000  }
0xb0: {  	[dreg:$0x4] =	wrdreg $0x9  }
0xb1: {  	_ =	task.clear_ibuf [dreg:s6], $0x5FFFF;
	_ =	strace $0x90000052  }
0xb2: {  	s29 =	simm.s32 $0x9;
	_ =	strace $0x80000054  }
0xb3: {  	_ =	swait.ge [sflag:s29], $0x1  }
0xb4: {  	[sflag:s29] =	ssyncadd.s32 $0xFFFFFFFF  }
0xb5: {  	_ =	strace $0x90000054  }
0xb6: {  	_ =	sfence  }
0xb7: {  	s30 =	sld [smem:$0x0];
	_ =	sdelay $0x2  }
0xb8: {  	s31 =	sshll.u32 s1, $0xD;
	s1 =	sshrl.u32 s1, $0x2  }
0xb9: {  	s3 =	sand.u32 $0x4000, s31;
	s1 =	sadd.s32 s1, s30  }
0xba: {  	s0 =	sor.u32 s3, s0;
	s1 =	sshll.u32 s1, $0x11  }
0xbb: {  	s0 =	sor.u32 s1, s0  }
0xbc: {  	s0 =	sadd.s32 $0x8F2B, s0  }
0xbd: {  	[sflag:s0] =	ssyncadd.remote.s32 $0x1  }
0xbe: {  	_ =	sfence.sel $0xFFFF  }
0xbf: {  	[dreg:$0x0] =	wrdreg $0xFFFFFFFF;
	(pc) =	sbr.abs _section_cstart, $3  }
0xc0: {  	[dreg:$0x1] =	wrdreg $0xFFFFFFFF  }
0xc1: {  	_ =	task.clear_ibuf [dreg:s6], $0x2FFFF;
	_ =	strace $0x9FFFFFFF  }
0xc2: {  	(tm) =	ssettm $0x7FFFFFFF  }
0xc3: {  	_ =	shalt  }
tec
execute0_lowered:
.L_overlay_start_1:
0x0: {  	(tag) =	ssettag $0x1  }
0x1: {  	s5 =	rddreg [dreg:$0x0]  }
0x2: {  	s1 =	rddreg [dreg:$0x1]  }
0x3: {  	s0 =	rddreg [dreg:$0x2]  }
0x4: {  	s3 =	simm.s32 $0x0;
	s4 =	srdreg.scid;
	s2 =	stileid.u32  }
0x5: {  	s15 =	simm.s32 $0x1;
	s16 =	simm.s32 $0x7D;
	s17 =	simm.s32 $0x200  }
0x6: {  	s18 =	simm.s32 $0x2;
	s19 =	simm.s32 $0x4080;
	s20 =	simm.s32 $0x3  }
0x7: {  	s21 =	simm.s32 $0x80;
	s22 =	simm.s32 $0x4;
	s23 =	simm.s32 $0x180  }
0x8: {  	s24 =	simm.s32 $0x0;
	[smem:$0x7FF] =	sst s3;
	s8 =	sand.u32 $0x1, s4  }
0x9: {  	s6 =	smul.u32 $0x13880, s2;
	s4 =	sadd.s32 $0x19000, s5;
	s9 =	sadd.s32 $0x40200, s5  }
0xa: {  	s10 =	sadd.s32 $0x5000, s5;
	s30 =	smul.u32 $0xA00, s2;
	s31 =	sshll.u32 s2, $0x6  }
0xb: {  	_ =	strace $0x80000053;
	s7 =	smul.u32 $0x138800, s8;
	s11 =	sshll.u32 s8, $0x4  }
0xc: {  	s12 =	ssub.s32 $0x2, s8;
	p0 =	seq.s32 s8, $0x0;
	s29 =	smul.u32 $0xA000, s8  }
0xd: {  	s11 =	sor.u32 s2, s11;
	s13 =	sshrl.u32 s12, $0x1;
	s28 =	sadd.s32 s6, s1  }
0xe: {  	s14 =	sshrl.u32 s6, $0x3;
	s9 =	smov.u32 @p0 s4;
	s7 =	sadd.s32 s6, s7  }
0xf: {  	s11 =	smul.u32 $0xA00, s11;
	s12 =	ssub.s32 s12, s13;
	s9 =	sadd.s32 s9, s14  }
0x10: {  	s13 =	simm.s32 $0x5;
	s14 =	simm.s32 $0x100;
	s7 =	sshrl.u32 s7, $0x3  }
0x11: {  	s8 =	smax.u32 s12, $0x1;
	s12 =	sshrl.u32 s28, $0x3;
	s7 =	sadd.s32 s7, s5  }
0x12: {  	s5 =	sadd.s32 s10, s11;
	s11 =	sadd.s32 s29, s10;
	s10 =	sor.u32 $0x1C05, s31  }
0x13: {  	s6 =	sadd.s32 $0x20, s5;
	s7 =	sadd.s32 $0x67400, s7;
	s11 =	sadd.s32 s30, s11  }
.LBB2_1:
0x14: {  	[spmem:s12], [sflag:s10] =	dma.local [hbm:s9], $0x2710  }
0x15: {  	_ =	swait.ge [sflag:s13], $0x2710  }
0x16: {  	[sflag:s13] =	ssyncset.done $0x0  }
0x17: {  	[sflag:s13] =	ssyncadd.s32 $0xFFFFD8F0  }
0x18: {  	[bflag:$0x0] =	sbarrier.arrive $0xFFFF  }
0x19: {  	[tilespmem:s3], [sflag:$0x1] =	stream.linear.gather [hbm4b:s5+s3], $0x100, $0x38;
	[tilespmem:$0x1B780] =	vst v63  }
0x1a: {  	_ = 	snop  }
0x1b: {  	[tilespmem:s14], [sflag:$0x2] =	stream.linear.gather [hbm4b:s6+s3], $0x100, $0x38;
	[tilespmem:$0x1B780] =	vst v63  }
0x1c: {  	_ =	swait.ge [sflag:s15], $0x100  }
0x1d: {  	[sflag:s15] =	ssyncset.done $0x0  }
0x1e: {  	[sflag:s15] =	ssyncadd.s32 $0xFFFFFF00  }
0x1f: {  	[tilespmem:s17], [sflag:$0x3] =	stream.indirect.gather [hbm4b:s4+s16], $0x80, s3, s16, $0xb8;
	[tilespmem:$0x1B780] =	vst v63  }
0x20: {  	_ =	swait.ge [sflag:s18], $0x100  }
0x21: {  	[sflag:s18] =	ssyncset.done $0x0  }
0x22: {  	[sflag:s18] =	ssyncadd.s32 $0xFFFFFF00  }
0x23: {  	[tilespmem:s19], [sflag:$0x4] =	stream.indirect.gather [hbm4b:s4+s16], $0x80, s14, s16, $0xb8;
	[tilespmem:$0x1B780] =	vst v63  }
0x24: {  	_ =	swait.ge [sflag:s20], $0x3E80  }
0x25: {  	[sflag:s20] =	ssyncset.done $0x0  }
0x26: {  	[sflag:s20] =	ssyncadd.s32 $0xFFFFC180  }
0x27: {  	[spmem:s1] =	stream.indirect.scatter.add.f32 [tilespmem:s17], [sflag:$0x5], $0x80, s21, s16, $0xb8;
	[tilespmem:$0x1B780] =	vst v63  }
0x28: {  	_ =	swait.ge [sflag:s13], $0x3E80  }
0x29: {  	s26 =	sadd.s32 $0xFFFFF640, s11;
	[sflag:s13] =	ssyncset.done $0x0  }
0x2a: {  	s25 =	sadd.s32 $0xA00, s26;
	[sflag:s13] =	ssyncadd.s32 $0xFFFFC180  }
0x2b: {  	[tilespmem:s3], [sflag:$0x1] =	stream.linear.gather [hbm4b:s25+s3], $0x100, $0x38;
	[tilespmem:$0x1B780] =	vst v63  }
0x2c: {  	_ =	swait.ge [sflag:s15], $0x100  }
0x2d: {  	[sflag:s15] =	ssyncset.done $0x0  }
0x2e: {  	[sflag:s15] =	ssyncadd.s32 $0xFFFFFF00  }
0x2f: {  	[tilespmem:s17], [sflag:$0x3] =	stream.indirect.gather [hbm4b:s4+s16], $0x80, s3, s16, $0xb8;
	[tilespmem:$0x1B780] =	vst v63  }
0x30: {  	_ =	swait.ge [sflag:s22], $0x3E80  }
0x31: {  	[sflag:s22] =	ssyncset.done $0x0  }
0x32: {  	[sflag:s22] =	ssyncadd.s32 $0xFFFFC180  }
0x33: {  	[spmem:s1] =	stream.indirect.scatter.add.f32 [tilespmem:s19], [sflag:$0x5], $0x80, s23, s16, $0xb8;
	[tilespmem:$0x1B780] =	vst v63  }
0x34: {  	_ =	swait.ge [sflag:s13], $0x3E80  }
0x35: {  	[sflag:s13] =	ssyncset.done $0x0  }
0x36: {  	s26 =	sadd.s32 $0xA20, s26;
	s25 =	simm.s32 $0xFFFFF680;
	[sflag:s13] =	ssyncadd.s32 $0xFFFFC180  }
.LBB2_2:
0x37: {  	[tilespmem:s14], [sflag:$0x2] =	stream.linear.gather [hbm4b:s26+s3], $0x100, $0x38;
	[tilespmem:$0x1B780] =	vst v63  }
0x38: {  	s26 =	smov.u32 s25  }
0x39: {  	p0 =	sne.s32 s25, $0xFFFFFFC0;
	s25 =	sadd.s32 $0x40, s25;
	_ =	swait.ge [sflag:s18], $0x100  }
0x3a: {  	[sflag:s18] =	ssyncset.done $0x0  }
0x3b: {  	[sflag:s18] =	ssyncadd.s32 $0xFFFFFF00  }
0x3c: {  	[tilespmem:s19], [sflag:$0x4] =	stream.indirect.gather [hbm4b:s4+s16], $0x80, s14, s16, $0xb8;
	[tilespmem:$0x1B780] =	vst v63  }
0x3d: {  	_ =	swait.ge [sflag:s20], $0x3E80  }
0x3e: {  	[sflag:s20] =	ssyncset.done $0x0  }
0x3f: {  	[sflag:s20] =	ssyncadd.s32 $0xFFFFC180  }
0x40: {  	[spmem:s1] =	stream.indirect.scatter.add.f32 [tilespmem:s17], [sflag:$0x5], $0x80, s21, s16, $0xb8;
	[tilespmem:$0x1B780] =	vst v63  }
0x41: {  	_ =	swait.ge [sflag:s13], $0x3E80  }
0x42: {  	s26 =	sadd.s32 s26, s11;
	[sflag:s13] =	ssyncset.done $0x0  }
0x43: {  	s28 =	sadd.s32 $0xA00, s26;
	[sflag:s13] =	ssyncadd.s32 $0xFFFFC180  }
0x44: {  	[tilespmem:s3], [sflag:$0x1] =	stream.linear.gather [hbm4b:s28+s3], $0x100, $0x38;
	[tilespmem:$0x1B780] =	vst v63  }
0x45: {  	_ =	swait.ge [sflag:s15], $0x100  }
0x46: {  	[sflag:s15] =	ssyncset.done $0x0  }
0x47: {  	[sflag:s15] =	ssyncadd.s32 $0xFFFFFF00  }
0x48: {  	[tilespmem:s17], [sflag:$0x3] =	stream.indirect.gather [hbm4b:s4+s16], $0x80, s3, s16, $0xb8;
	[tilespmem:$0x1B780] =	vst v63  }
0x49: {  	_ =	swait.ge [sflag:s22], $0x3E80  }
0x4a: {  	[sflag:s22] =	ssyncset.done $0x0  }
.Ltmp0:
0x4b: {  	[sflag:s22] =	ssyncadd.s32 $0xFFFFC180;
	(pc) =	sbr.rel @p0 .LBB2_2-.Ltmp0, $4  }
0x4c: {  	[spmem:s1] =	stream.indirect.scatter.add.f32 [tilespmem:s19], [sflag:$0x5], $0x80, s23, s16, $0xb8;
	[tilespmem:$0x1B780] =	vst v63  }
0x4d: {  	_ =	swait.ge [sflag:s13], $0x3E80  }
0x4e: {  	[sflag:s13] =	ssyncset.done $0x0  }
0x4f: {  	s26 =	sadd.s32 $0xA20, s26;
	[sflag:s13] =	ssyncadd.s32 $0xFFFFC180  }
0x50: {  	[tilespmem:s14], [sflag:$0x2] =	stream.linear.gather [hbm4b:s26+s3], $0x100, $0x38;
	[tilespmem:$0x1B780] =	vst v63  }
0x51: {  	_ =	swait.ge [sflag:s18], $0x100  }
0x52: {  	[sflag:s18] =	ssyncset.done $0x0  }
0x53: {  	[sflag:s18] =	ssyncadd.s32 $0xFFFFFF00  }
0x54: {  	[tilespmem:s19], [sflag:$0x4] =	stream.indirect.gather [hbm4b:s4+s16], $0x80, s14, s16, $0xb8;
	[tilespmem:$0x1B780] =	vst v63  }
0x55: {  	_ =	swait.ge [sflag:s20], $0x3E80  }
0x56: {  	[sflag:s20] =	ssyncset.done $0x0  }
0x57: {  	[sflag:s20] =	ssyncadd.s32 $0xFFFFC180  }
0x58: {  	[spmem:s1] =	stream.indirect.scatter.add.f32 [tilespmem:s17], [sflag:$0x5], $0x80, s21, s16, $0xb8;
	[tilespmem:$0x1B780] =	vst v63  }
0x59: {  	_ =	swait.ge [sflag:s13], $0x3E80  }
0x5a: {  	[sflag:s13] =	ssyncset.done $0x0  }
0x5b: {  	[sflag:s13] =	ssyncadd.s32 $0xFFFFC180  }
0x5c: {  	_ =	swait.ge [sflag:s22], $0x3E80  }
0x5d: {  	[sflag:s22] =	ssyncset.done $0x0  }
0x5e: {  	[sflag:s22] =	ssyncadd.s32 $0xFFFFC180  }
0x5f: {  	[spmem:s1] =	stream.indirect.scatter.add.f32 [tilespmem:s19], [sflag:$0x5], $0x80, s23, s16, $0xb8;
	[tilespmem:$0x1B780] =	vst v63  }
0x60: {  	_ =	swait.ge [sflag:s13], $0x3E80  }
0x61: {  	s24 =	sadd.s32 $0x1, s24;
	[sflag:s13] =	ssyncset.done $0x0  }
0x62: {  	p0 =	sne.s32 s24, s8;
	[sflag:s13] =	ssyncadd.s32 $0xFFFFC180  }
.Ltmp1:
0x63: {  	[bflag:$0x0] =	sbarrier.arrive $0xFFFF;
	(pc) =	sbr.rel @p0 .LBB2_1-.Ltmp1, $4  }
0x64: {  	[hbm:s7], [sflag:s10] =	dma.local [spmem:s12], $0x2710  }
0x65: {  	_ =	swait.ge [sflag:s13], $0x2710  }
0x66: {  	[sflag:s13] =	ssyncset.done $0x0  }
0x67: {  	[sflag:s13] =	ssyncadd.s32 $0xFFFFD8F0  }
0x68: {  	_ =	sfence.sel $0x180000  }
0x69: {  	[bflag:$0x0] =	sbarrier.arrive $0xFFFF  }
0x6a: {  	p0 =	sne.s32 s2, $0x0;
	_ =	strace $0x90000053  }
0x6b: {  	s0 =	sadd.s32 @!p0 $0x100000, s0;
	[bflag:$0x2] =	sbarrier.arrive $0xFFFF  }
0x6c: {  	[sflag:s0] =	ssyncadd.tile.s32 @!p0 $0x1;
	_ =	shalt  }
.Lfunc_end2:
_tile_overlayer_lowered:
.L_overlay_start_2:
0x6d: {  	(tag) =	ssettag $0x2  }
0x6e: {  	s0 =	rddreg [dreg:$0x0];
	s2 =	stileid.u32  }
0x6f: {  	s1 =	rddreg [dreg:$0x1];
	p0 =	sne.s32 s2, $0x0  }
0x70: {  	s3 =	rddreg [dreg:$0x2];
	[bflag:$0x3] =	sbarrier.arrive $0xFFFF;
	s2 =	simm.s32 @!p0 $0x1C05  }
0x71: {  	[timem:s3], [sflag:s2] =	dma.local @!p0 [hbm:s0], s1  }
0x72: {  	s0 =	simm.s32 @!p0 $0x5  }
0x73: {  	_ =	swait.ge @!p0 [sflag:s0], s1  }
0x74: {  	s1 =	ssub.s32 @!p0 $0x0, s1;
	[sflag:s0] =	ssyncset.done @!p0 $0x0  }
0x75: {  	[sflag:s0] =	ssyncadd.s32 @!p0 s1  }
0x76: {  	[bflag:$0x3] =	sbarrier.arrive $0xFFFF  }
0x77: {  	_ =	shalt  }

// kernel: kernel.29.cloned.1.call-start
scs
__scs_entry_jumppad:
0x0: {  	(pc) =	sbr.rel $0x88, $3  }
0x1: {  	(tag) =	ssettag $0x0;
	lr =	simm.s32 $0x1  }
0x2: {  	[smem:$0x3F91] =	sst lr;
	_ =	strace $0xD0000000  }
0x3: {  	_ = 	snop  }
0x4: {  	_ = 	snop  }
0x5: {  	_ = 	snop  }
0x6: {  	_ = 	snop  }
0x7: {  	_ = 	snop  }
__scs_overlays_trampoline_lowered:
0x8: {  	[smem:$0x3FA0] =	sst s0  }
0x9: {  	[smem:$0x3FA1] =	sst s1  }
0xa: {  	[smem:$0x3FA2] =	sst s2  }
0xb: {  	[smem:$0x3FA3] =	sst s3  }
0xc: {  	[smem:$0x3FA4] =	sst s4  }
0xd: {  	[smem:$0x3FA5] =	sst s5  }
0xe: {  	[smem:$0x3FA6] =	sst s6  }
0xf: {  	[smem:$0x3FA7] =	sst s7  }
0x10: {  	[smem:$0x3FA8] =	sst s8  }
0x11: {  	[smem:$0x3FA9] =	sst s9;
	s0 =	simm.s32 @!p0 $0x0  }
0x12: {  	s1 =	sld [smem:$0x3F8F];
	s0 =	simm.s32 @p0 $0x1  }
0x13: {  	[smem:$0x3FAA] =	sst s0;
	s0 =	simm.s32 @!p1 $0x0  }
0x14: {  	s2 =	sld [smem:$0x3F8E];
	s0 =	simm.s32 @p1 $0x1  }
0x15: {  	[smem:$0x3FAB] =	sst s0;
	s0 =	simm.s32 @!p2 $0x0  }
0x16: {  	s3 =	sld [smem:$0x3FDB];
	s0 =	simm.s32 @p2 $0x1  }
0x17: {  	s4 =	simm.s32 $0x1BF5;
	[smem:$0x3FAD] =	sst s0  }
0x18: {  	s0 =	sld [smem:$0x3F90];
	_ =	swait.ge [sflag:s4], $0x0  }
0x19: {  	s7 =	sld [smem:$0x3F91]  }
0x1a: {  	s8 =	sadd.s32 $0xFFFFE003, lr  }
0x1b: {  	s9 =	sadd.s32 $0xFFFFFEF7, lr;
	s5 =	simm.s32 $0xFFFFFFFF;
	p2 =	slt.u32 s8, $0xFFFFF086  }
0x1c: {  	p1 =	slt.u32 s9, $0xF7A;
	s5 =	simm.s32 @!p2 $0x0  }
0x1d: {  	s5 =	simm.s32 @p1 $0x1;
	p0 =	seq.s32 s7, s2  }
0x1e: {  	s7 =	smul.u32 @!p0 $0xF7A, s2;
	p2 =	seq.s32 @!p0 s5, $0x0  }
0x1f: {  	s9 =	smul.u32 $0xF7A, s1;
	s8 =	simm.s32 @!p0 $0x1BF5;
	p2 =	por !p2, p0  }
0x20: {  	[sflag:s8] =	ssyncset.s32 @!p0 $0xFFFFF086;
	s6 =	sadd.s32 @!p0 s3, s7;
	s7 =	simm.s32 @!p0 $0x108  }
0x21: {  	s3 =	sadd.s32 s3, s9;
	s6 =	sadd.s32 @!p0 $0x88, s6;
	s7 =	simm.s32 @p2 $0x1082  }
0x22: {  	[simem:s7], [sflag:s8] =	dma.local @!p0 [hbm:s6], $0xF7A  }
0x23: {  	s9 =	sor.u32 $0xD0000000, s2;
	s6 =	simm.s32 $0x108;
	_ =	swait.ge @!p0 [sflag:s8], $0x0  }
0x24: {  	s3 =	sadd.s32 $0x88, s3;
	s6 =	simm.s32 @!p1 $0x1082;
	[sflag:s4] =	ssyncset.s32 $0xFFFFF086  }
0x25: {  	[simem:s6], [sflag:s4] =	dma.local [hbm:s3], $0xF7A  }
0x26: {  	[smem:$0x3F91] =	sst s1;
	(tag) =	ssettag s2;
	_ =	strace s9  }
0x27: {  	s1 =	sld [smem:$0x3FA1]  }
0x28: {  	s2 =	sld [smem:$0x3FA2]  }
0x29: {  	s4 =	sld [smem:$0x3FA4]  }
0x2a: {  	p0 =	seq.s32 s5, $0x0;
	s5 =	sld [smem:$0x3FA5]  }
0x2b: {  	s6 =	sld [smem:$0x3FA6]  }
0x2c: {  	s7 =	sld [smem:$0x3FA7]  }
0x2d: {  	s3 =	simm.s32 $0x108;
	s8 =	sld [smem:$0x3FA8]  }
0x2e: {  	s3 =	simm.s32 @!p0 $0x1082;
	s9 =	sld [smem:$0x3FA9]  }
0x2f: {  	lr =	sadd.s32 s0, s3;
	s0 =	sld [smem:$0x3FA0]  }
0x30: {  	s3 =	sld [smem:$0x3FA3]  }
0x31: {  	[smem:$0x3FAC] =	sst s10  }
0x32: {  	s10 =	sld [smem:$0x3FAA];
	_ =	sdelay $0x3  }
0x33: {  	p0 =	seq.s32 s10, $0x1;
	s10 =	sld [smem:$0x3FAC];
	_ =	sdelay $0x3  }
0x34: {  	[smem:$0x3FAC] =	sst s10  }
0x35: {  	s10 =	sld [smem:$0x3FAB];
	_ =	sdelay $0x3  }
0x36: {  	p1 =	seq.s32 s10, $0x1;
	s10 =	sld [smem:$0x3FAC];
	_ =	sdelay $0x3  }
0x37: {  	[smem:$0x3FAC] =	sst s10  }
0x38: {  	s10 =	sld [smem:$0x3FAD]  }
0x39: {  	_ = 	snop;
	(pc) =	sbr.ind lr, $3  }
0x3a: {  	_ = 	snop  }
0x3b: {  	_ = 	snop  }
0x3c: {  	p2 =	seq.s32 s10, $0x1;
	s10 =	sld [smem:$0x3FAC]  }
0x3d: {  	_ =	shalt  }
0x3e: {  	_ =	shalt  }
0x3f: {  	_ =	shalt  }
0x40: {  	_ =	shalt  }
0x41: {  	_ =	shalt  }
0x42: {  	_ =	shalt  }
0x43: {  	_ =	shalt  }
0x44: {  	_ =	shalt  }
0x45: {  	_ =	shalt  }
0x46: {  	_ =	shalt  }
0x47: {  	_ =	shalt  }
0x48: {  	_ =	shalt  }
0x49: {  	_ =	shalt  }
0x4a: {  	_ =	shalt  }
0x4b: {  	_ =	shalt  }
0x4c: {  	_ =	shalt  }
0x4d: {  	_ =	shalt  }
0x4e: {  	_ =	shalt  }
0x4f: {  	_ =	shalt  }
0x50: {  	_ =	shalt  }
0x51: {  	_ =	shalt  }
0x52: {  	_ =	shalt  }
0x53: {  	_ =	shalt  }
0x54: {  	_ =	shalt  }
0x55: {  	_ =	shalt  }
0x56: {  	_ =	shalt  }
0x57: {  	_ =	shalt  }
0x58: {  	_ =	shalt  }
0x59: {  	_ =	shalt  }
0x5a: {  	_ =	shalt  }
0x5b: {  	_ =	shalt  }
0x5c: {  	_ =	shalt  }
0x5d: {  	_ =	shalt  }
0x5e: {  	_ =	shalt  }
0x5f: {  	_ =	shalt  }
0x60: {  	_ =	shalt  }
0x61: {  	_ =	shalt  }
0x62: {  	_ =	shalt  }
0x63: {  	_ =	shalt  }
0x64: {  	_ =	shalt  }
0x65: {  	_ =	shalt  }
0x66: {  	_ =	shalt  }
0x67: {  	_ =	shalt  }
0x68: {  	_ =	shalt  }
0x69: {  	_ =	shalt  }
0x6a: {  	_ =	shalt  }
0x6b: {  	_ =	shalt  }
0x6c: {  	_ =	shalt  }
0x6d: {  	_ =	shalt  }
0x6e: {  	_ =	shalt  }
0x6f: {  	_ =	shalt  }
0x70: {  	_ =	shalt  }
0x71: {  	_ =	shalt  }
0x72: {  	_ =	shalt  }
0x73: {  	_ =	shalt  }
0x74: {  	_ =	shalt  }
0x75: {  	_ =	shalt  }
0x76: {  	_ =	shalt  }
0x77: {  	_ =	shalt  }
0x78: {  	_ =	shalt  }
0x79: {  	_ =	shalt  }
0x7a: {  	_ =	shalt  }
0x7b: {  	_ =	shalt  }
0x7c: {  	_ =	shalt  }
0x7d: {  	_ =	shalt  }
0x7e: {  	_ =	shalt  }
0x7f: {  	_ =	shalt  }
0x80: {  	_ =	shalt  }
0x81: {  	_ =	shalt  }
0x82: {  	_ =	shalt  }
0x83: {  	_ =	shalt  }
0x84: {  	_ =	shalt  }
0x85: {  	_ =	shalt  }
0x86: {  	_ =	shalt  }
0x87: {  	_ =	shalt  }
.Lfunc_end0:
.L_simem_size_0:
called_computation.5_lowered:
.L_overlay_start_0:
0x88: {  	s2 =	sld [smem:$0x3FD9]  }
0x89: {  	s3 =	sld [smem:$0x3FFE];
	_ =	sdelay $0x1  }
0x8a: {  	s1 =	srdreg.scid  }
0x8b: {  	s0 =	sand.u32 $0x1, s1  }
0x8c: {  	s16 =	sshll.u32 s0, $0xA;
	s2 =	sadd.s32 s3, s2  }
0x8d: {  	s2 =	sadd.s32 s2, s16  }
0x8e: {  	[smem:$0x3FB8] =	sst s2  }
0x8f: {  	_ = 	snop  }
0x90: {  	(tm) =	ssettm $0x1  }
0x91: {  	s17 =	sld [smem:$0x3FFB];
	_ =	sdelay $0x3  }
0x92: {  	_ =	strace s17  }
0x93: {  	s2 =	sld [smem:$0x3FFC];
	_ =	sdelay $0x3  }
0x94: {  	_ =	strace s2  }
0x95: {  	s2 =	sld [smem:$0x3FFD];
	_ =	sdelay $0x3  }
0x96: {  	_ =	strace s2  }
0x97: {  	_ =	strace $0x8FFFFFFF  }
0x98: {  	s18 =	sld [smem:$0x3FDB];
	_ =	sdelay $0x1  }
0x99: {  	s19 =	simm.s32 $_scs_section_size  }
0x9a: {  	s4 =	simm.s32 $_size__tile_overlayer_lowered;
	s5 =	simm.s32 $_tile_overlayer_lowered  }
0x9b: {  	s22 =	simm.s32 $0x1BFF;
	s21 =	sshll.u32 s5, $0x1;
	s2 =	sadd.s32 s19, s18  }
0x9c: {  	s6 =	simm.s32 $0x0;
	s20 =	sshll.u32 s4, $0x1;
	s4 =	sadd.s32 s21, s2  }
0x9d: {  	[timem:s6], [sflag:s22] =	dma.local [hbm:s4], s20  }
0x9e: {  	_ =	swait.ge [sflag:s22], s20  }
0x9f: {  	s3 =	ssub.s32 $0x0, s20;
	[sflag:s22] =	ssyncset.done $0x0  }
0xa0: {  	[sflag:s22] =	ssyncadd.s32 s3;
	_ =	sdelay $0x1  }
0xa1: {  	s23 =	simm.s32 $0x1B8B  }
0xa2: {  	_ =	swait.ge [sflag:s23], $0x1  }
0xa3: {  	[sflag:s23] =	ssyncset.done $0x0  }
0xa4: {  	s25 =	simm.s32 $0x1B8E;
	s24 =	sld [smem:$0x3FFE];
	[sflag:s23] =	ssyncadd.s32 $0xFFFFFFFF  }
0xa5: {  	s26 =	simm.s32 $execute0_lowered;
	[smem:$0x3FD2] =	sst s25  }
0xa6: {  	s4 =	sshll.u32 s26, $0x1;
	_ =	strace $0x80000055;
	[dreg:$0x1] =	wrdreg $0xFFFFFFFF  }
0xa7: {  	s28 =	simm.s32 $_size_execute0_lowered;
	s2 =	sadd.s32 s2, s4;
	[dreg:$0x0] =	wrdreg $0x0  }
0xa8: {  	s4 =	sshll.u32 s28, $0x1;
	[dreg:$0x2] =	wrdreg s2  }
0xa9: {  	[dreg:$0x3] =	wrdreg s4  }
0xaa: {  	[dreg:$0x4] =	wrdreg $0xC0  }
0xab: {  	_ =	task [dreg:s6], $0x5FFFF  }
0xac: {  	[dreg:$0x1] =	wrdreg $0xFFFFFFFF  }
0xad: {  	[dreg:$0x0] =	wrdreg $0x60  }
0xae: {  	[dreg:$0x2] =	wrdreg s24  }
0xaf: {  	[dreg:$0x3] =	wrdreg $0x7F000  }
0xb0: {  	[dreg:$0x4] =	wrdreg $0x9  }
0xb1: {  	_ =	task.clear_ibuf [dreg:s6], $0x5FFFF;
	_ =	strace $0x90000055  }
0xb2: {  	s29 =	simm.s32 $0x9;
	_ =	strace $0x80000057  }
0xb3: {  	_ =	swait.ge [sflag:s29], $0x1  }
0xb4: {  	[sflag:s29] =	ssyncadd.s32 $0xFFFFFFFF  }
0xb5: {  	_ =	strace $0x90000057  }
0xb6: {  	_ =	sfence  }
0xb7: {  	s30 =	sld [smem:$0x0];
	_ =	sdelay $0x2  }
0xb8: {  	s31 =	sshll.u32 s1, $0xD;
	s1 =	sshrl.u32 s1, $0x2  }
0xb9: {  	s3 =	sand.u32 $0x4000, s31;
	s1 =	sadd.s32 s1, s30  }
0xba: {  	s0 =	sor.u32 s3, s0;
	s1 =	sshll.u32 s1, $0x11  }
0xbb: {  	s0 =	sor.u32 s1, s0  }
0xbc: {  	s0 =	sadd.s32 $0x8F2B, s0  }
0xbd: {  	[sflag:s0] =	ssyncadd.remote.s32 $0x1  }
0xbe: {  	_ =	sfence.sel $0xFFFF  }
0xbf: {  	[dreg:$0x0] =	wrdreg $0xFFFFFFFF;
	(pc) =	sbr.abs _section_cstart, $3  }
0xc0: {  	[dreg:$0x1] =	wrdreg $0xFFFFFFFF  }
0xc1: {  	_ =	task.clear_ibuf [dreg:s6], $0x2FFFF;
	_ =	strace $0x9FFFFFFF  }
0xc2: {  	(tm) =	ssettm $0x7FFFFFFF  }
0xc3: {  	_ =	shalt  }
tec
execute0_lowered:
.L_overlay_start_1:
0x0: {  	(tag) =	ssettag $0x1  }
0x1: {  	s5 =	rddreg [dreg:$0x0]  }
0x2: {  	s1 =	rddreg [dreg:$0x1]  }
0x3: {  	s0 =	rddreg [dreg:$0x2]  }
0x4: {  	s3 =	simm.s32 $0x0;
	s4 =	srdreg.scid;
	s2 =	stileid.u32  }
0x5: {  	s15 =	simm.s32 $0x1;
	s16 =	simm.s32 $0x7D;
	s17 =	simm.s32 $0x200  }
0x6: {  	s18 =	simm.s32 $0x2;
	s19 =	simm.s32 $0x4080;
	s20 =	simm.s32 $0x3  }
0x7: {  	s21 =	simm.s32 $0x80;
	s22 =	simm.s32 $0x4;
	s23 =	simm.s32 $0x180  }
0x8: {  	s24 =	simm.s32 $0x0;
	[smem:$0x7FF] =	sst s3;
	s8 =	sand.u32 $0x1, s4  }
0x9: {  	s6 =	smul.u32 $0x13880, s2;
	s4 =	sadd.s32 $0x19000, s5;
	s9 =	sadd.s32 $0x40200, s5  }
0xa: {  	s10 =	sadd.s32 $0x5000, s5;
	s30 =	smul.u32 $0xA00, s2;
	s31 =	sshll.u32 s2, $0x6  }
0xb: {  	_ =	strace $0x80000056;
	s7 =	smul.u32 $0x138800, s8;
	s11 =	sshll.u32 s8, $0x4  }
0xc: {  	s12 =	ssub.s32 $0x2, s8;
	p0 =	seq.s32 s8, $0x0;
	s29 =	smul.u32 $0xA000, s8  }
0xd: {  	s11 =	sor.u32 s2, s11;
	s13 =	sshrl.u32 s12, $0x1;
	s28 =	sadd.s32 s6, s1  }
0xe: {  	s14 =	sshrl.u32 s6, $0x3;
	s9 =	smov.u32 @p0 s4;
	s7 =	sadd.s32 s6, s7  }
0xf: {  	s11 =	smul.u32 $0xA00, s11;
	s12 =	ssub.s32 s12, s13;
	s9 =	sadd.s32 s9, s14  }
0x10: {  	s13 =	simm.s32 $0x5;
	s14 =	simm.s32 $0x100;
	s7 =	sshrl.u32 s7, $0x3  }
0x11: {  	s8 =	smax.u32 s12, $0x1;
	s12 =	sshrl.u32 s28, $0x3;
	s7 =	sadd.s32 s7, s5  }
0x12: {  	s5 =	sadd.s32 s10, s11;
	s11 =	sadd.s32 s29, s10;
	s10 =	sor.u32 $0x1C05, s31  }
0x13: {  	s6 =	sadd.s32 $0x20, s5;
	s7 =	sadd.s32 $0x67400, s7;
	s11 =	sadd.s32 s30, s11  }
.LBB2_1:
0x14: {  	[spmem:s12], [sflag:s10] =	dma.local [hbm:s9], $0x2710  }
0x15: {  	_ =	swait.ge [sflag:s13], $0x2710  }
0x16: {  	[sflag:s13] =	ssyncset.done $0x0  }
0x17: {  	[sflag:s13] =	ssyncadd.s32 $0xFFFFD8F0  }
0x18: {  	[bflag:$0x0] =	sbarrier.arrive $0xFFFF  }
0x19: {  	[tilespmem:s3], [sflag:$0x1] =	stream.linear.gather [hbm4b:s5+s3], $0x100, $0x38;
	[tilespmem:$0x1B780] =	vst v63  }
0x1a: {  	_ = 	snop  }
0x1b: {  	[tilespmem:s14], [sflag:$0x2] =	stream.linear.gather [hbm4b:s6+s3], $0x100, $0x38;
	[tilespmem:$0x1B780] =	vst v63  }
0x1c: {  	_ =	swait.ge [sflag:s15], $0x100  }
0x1d: {  	[sflag:s15] =	ssyncset.done $0x0  }
0x1e: {  	[sflag:s15] =	ssyncadd.s32 $0xFFFFFF00  }
0x1f: {  	[tilespmem:s17], [sflag:$0x3] =	stream.indirect.gather [hbm4b:s4+s16], $0x80, s3, s16, $0xb8;
	[tilespmem:$0x1B780] =	vst v63  }
0x20: {  	_ =	swait.ge [sflag:s18], $0x100  }
0x21: {  	[sflag:s18] =	ssyncset.done $0x0  }
0x22: {  	[sflag:s18] =	ssyncadd.s32 $0xFFFFFF00  }
0x23: {  	[tilespmem:s19], [sflag:$0x4] =	stream.indirect.gather [hbm4b:s4+s16], $0x80, s14, s16, $0xb8;
	[tilespmem:$0x1B780] =	vst v63  }
0x24: {  	_ =	swait.ge [sflag:s20], $0x3E80  }
0x25: {  	[sflag:s20] =	ssyncset.done $0x0  }
0x26: {  	[sflag:s20] =	ssyncadd.s32 $0xFFFFC180  }
0x27: {  	[spmem:s1] =	stream.indirect.scatter.add.f32 [tilespmem:s17], [sflag:$0x5], $0x80, s21, s16, $0xb8;
	[tilespmem:$0x1B780] =	vst v63  }
0x28: {  	_ =	swait.ge [sflag:s13], $0x3E80  }
0x29: {  	s26 =	sadd.s32 $0xFFFFF640, s11;
	[sflag:s13] =	ssyncset.done $0x0  }
0x2a: {  	s25 =	sadd.s32 $0xA00, s26;
	[sflag:s13] =	ssyncadd.s32 $0xFFFFC180  }
0x2b: {  	[tilespmem:s3], [sflag:$0x1] =	stream.linear.gather [hbm4b:s25+s3], $0x100, $0x38;
	[tilespmem:$0x1B780] =	vst v63  }
0x2c: {  	_ =	swait.ge [sflag:s15], $0x100  }
0x2d: {  	[sflag:s15] =	ssyncset.done $0x0  }
0x2e: {  	[sflag:s15] =	ssyncadd.s32 $0xFFFFFF00  }
0x2f: {  	[tilespmem:s17], [sflag:$0x3] =	stream.indirect.gather [hbm4b:s4+s16], $0x80, s3, s16, $0xb8;
	[tilespmem:$0x1B780] =	vst v63  }
0x30: {  	_ =	swait.ge [sflag:s22], $0x3E80  }
0x31: {  	[sflag:s22] =	ssyncset.done $0x0  }
0x32: {  	[sflag:s22] =	ssyncadd.s32 $0xFFFFC180  }
0x33: {  	[spmem:s1] =	stream.indirect.scatter.add.f32 [tilespmem:s19], [sflag:$0x5], $0x80, s23, s16, $0xb8;
	[tilespmem:$0x1B780] =	vst v63  }
0x34: {  	_ =	swait.ge [sflag:s13], $0x3E80  }
0x35: {  	[sflag:s13] =	ssyncset.done $0x0  }
0x36: {  	s26 =	sadd.s32 $0xA20, s26;
	s25 =	simm.s32 $0xFFFFF680;
	[sflag:s13] =	ssyncadd.s32 $0xFFFFC180  }
.LBB2_2:
0x37: {  	[tilespmem:s14], [sflag:$0x2] =	stream.linear.gather [hbm4b:s26+s3], $0x100, $0x38;
	[tilespmem:$0x1B780] =	vst v63  }
0x38: {  	s26 =	smov.u32 s25  }
0x39: {  	p0 =	sne.s32 s25, $0xFFFFFFC0;
	s25 =	sadd.s32 $0x40, s25;
	_ =	swait.ge [sflag:s18], $0x100  }
0x3a: {  	[sflag:s18] =	ssyncset.done $0x0  }
0x3b: {  	[sflag:s18] =	ssyncadd.s32 $0xFFFFFF00  }
0x3c: {  	[tilespmem:s19], [sflag:$0x4] =	stream.indirect.gather [hbm4b:s4+s16], $0x80, s14, s16, $0xb8;
	[tilespmem:$0x1B780] =	vst v63  }
0x3d: {  	_ =	swait.ge [sflag:s20], $0x3E80  }
0x3e: {  	[sflag:s20] =	ssyncset.done $0x0  }
0x3f: {  	[sflag:s20] =	ssyncadd.s32 $0xFFFFC180  }
0x40: {  	[spmem:s1] =	stream.indirect.scatter.add.f32 [tilespmem:s17], [sflag:$0x5], $0x80, s21, s16, $0xb8;
	[tilespmem:$0x1B780] =	vst v63  }
0x41: {  	_ =	swait.ge [sflag:s13], $0x3E80  }
0x42: {  	s26 =	sadd.s32 s26, s11;
	[sflag:s13] =	ssyncset.done $0x0  }
0x43: {  	s28 =	sadd.s32 $0xA00, s26;
	[sflag:s13] =	ssyncadd.s32 $0xFFFFC180  }
0x44: {  	[tilespmem:s3], [sflag:$0x1] =	stream.linear.gather [hbm4b:s28+s3], $0x100, $0x38;
	[tilespmem:$0x1B780] =	vst v63  }
0x45: {  	_ =	swait.ge [sflag:s15], $0x100  }
0x46: {  	[sflag:s15] =	ssyncset.done $0x0  }
0x47: {  	[sflag:s15] =	ssyncadd.s32 $0xFFFFFF00  }
0x48: {  	[tilespmem:s17], [sflag:$0x3] =	stream.indirect.gather [hbm4b:s4+s16], $0x80, s3, s16, $0xb8;
	[tilespmem:$0x1B780] =	vst v63  }
0x49: {  	_ =	swait.ge [sflag:s22], $0x3E80  }
0x4a: {  	[sflag:s22] =	ssyncset.done $0x0  }
.Ltmp0:
0x4b: {  	[sflag:s22] =	ssyncadd.s32 $0xFFFFC180;
	(pc) =	sbr.rel @p0 .LBB2_2-.Ltmp0, $4  }
0x4c: {  	[spmem:s1] =	stream.indirect.scatter.add.f32 [tilespmem:s19], [sflag:$0x5], $0x80, s23, s16, $0xb8;
	[tilespmem:$0x1B780] =	vst v63  }
0x4d: {  	_ =	swait.ge [sflag:s13], $0x3E80  }
0x4e: {  	[sflag:s13] =	ssyncset.done $0x0  }
0x4f: {  	s26 =	sadd.s32 $0xA20, s26;
	[sflag:s13] =	ssyncadd.s32 $0xFFFFC180  }
0x50: {  	[tilespmem:s14], [sflag:$0x2] =	stream.linear.gather [hbm4b:s26+s3], $0x100, $0x38;
	[tilespmem:$0x1B780] =	vst v63  }
0x51: {  	_ =	swait.ge [sflag:s18], $0x100  }
0x52: {  	[sflag:s18] =	ssyncset.done $0x0  }
0x53: {  	[sflag:s18] =	ssyncadd.s32 $0xFFFFFF00  }
0x54: {  	[tilespmem:s19], [sflag:$0x4] =	stream.indirect.gather [hbm4b:s4+s16], $0x80, s14, s16, $0xb8;
	[tilespmem:$0x1B780] =	vst v63  }
0x55: {  	_ =	swait.ge [sflag:s20], $0x3E80  }
0x56: {  	[sflag:s20] =	ssyncset.done $0x0  }
0x57: {  	[sflag:s20] =	ssyncadd.s32 $0xFFFFC180  }
0x58: {  	[spmem:s1] =	stream.indirect.scatter.add.f32 [tilespmem:s17], [sflag:$0x5], $0x80, s21, s16, $0xb8;
	[tilespmem:$0x1B780] =	vst v63  }
0x59: {  	_ =	swait.ge [sflag:s13], $0x3E80  }
0x5a: {  	[sflag:s13] =	ssyncset.done $0x0  }
0x5b: {  	[sflag:s13] =	ssyncadd.s32 $0xFFFFC180  }
0x5c: {  	_ =	swait.ge [sflag:s22], $0x3E80  }
0x5d: {  	[sflag:s22] =	ssyncset.done $0x0  }
0x5e: {  	[sflag:s22] =	ssyncadd.s32 $0xFFFFC180  }
0x5f: {  	[spmem:s1] =	stream.indirect.scatter.add.f32 [tilespmem:s19], [sflag:$0x5], $0x80, s23, s16, $0xb8;
	[tilespmem:$0x1B780] =	vst v63  }
0x60: {  	_ =	swait.ge [sflag:s13], $0x3E80  }
0x61: {  	s24 =	sadd.s32 $0x1, s24;
	[sflag:s13] =	ssyncset.done $0x0  }
0x62: {  	p0 =	sne.s32 s24, s8;
	[sflag:s13] =	ssyncadd.s32 $0xFFFFC180  }
.Ltmp1:
0x63: {  	[bflag:$0x0] =	sbarrier.arrive $0xFFFF;
	(pc) =	sbr.rel @p0 .LBB2_1-.Ltmp1, $4  }
0x64: {  	[hbm:s7], [sflag:s10] =	dma.local [spmem:s12], $0x2710  }
0x65: {  	_ =	swait.ge [sflag:s13], $0x2710  }
0x66: {  	[sflag:s13] =	ssyncset.done $0x0  }
0x67: {  	[sflag:s13] =	ssyncadd.s32 $0xFFFFD8F0  }
0x68: {  	_ =	sfence.sel $0x180000  }
0x69: {  	[bflag:$0x0] =	sbarrier.arrive $0xFFFF  }
0x6a: {  	p0 =	sne.s32 s2, $0x0;
	_ =	strace $0x90000056  }
0x6b: {  	s0 =	sadd.s32 @!p0 $0x100000, s0;
	[bflag:$0x2] =	sbarrier.arrive $0xFFFF  }
0x6c: {  	[sflag:s0] =	ssyncadd.tile.s32 @!p0 $0x1;
	_ =	shalt  }
.Lfunc_end2:
_tile_overlayer_lowered:
.L_overlay_start_2:
0x6d: {  	(tag) =	ssettag $0x2  }
0x6e: {  	s0 =	rddreg [dreg:$0x0];
	s2 =	stileid.u32  }
0x6f: {  	s1 =	rddreg [dreg:$0x1];
	p0 =	sne.s32 s2, $0x0  }
0x70: {  	s3 =	rddreg [dreg:$0x2];
	[bflag:$0x3] =	sbarrier.arrive $0xFFFF;
	s2 =	simm.s32 @!p0 $0x1C05  }
0x71: {  	[timem:s3], [sflag:s2] =	dma.local @!p0 [hbm:s0], s1  }
0x72: {  	s0 =	simm.s32 @!p0 $0x5  }
0x73: {  	_ =	swait.ge @!p0 [sflag:s0], s1  }
0x74: {  	s1 =	ssub.s32 @!p0 $0x0, s1;
	[sflag:s0] =	ssyncset.done @!p0 $0x0  }
0x75: {  	[sflag:s0] =	ssyncadd.s32 @!p0 s1  }
0x76: {  	[bflag:$0x3] =	sbarrier.arrive $0xFFFF  }
0x77: {  	_ =	shalt  }

</sc_bundles>
